<compile_context>
chip_gen: v7x
topology: tpu7x:2x2x1
jax: 0.10.2.dev20260603
libtpu: 0.0.44.dev20260713+nightly
codegen_flags: <defaults>
</compile_context>

<pallas_src>
import functools

import jax
import jax.numpy as jnp
from jax import lax
from jax.experimental import pallas as pl
from jax.experimental.pallas import tpu as pltpu
from jax.experimental.pallas import tpu_sc as plsc

_N_NODES = 100000
_MEM_DIM = 128
_BATCH = 16384

_NC = 2
_NS = 16
_NW = _NC * _NS
_BPW = _BATCH // _NW
_CH = 128
_NCH = _BPW // _CH

def _wid():
  return lax.axis_index("s") * _NC + lax.axis_index("c")


_WCH = 2048
_NWCH = _BATCH // _WCH

_CPR = 96
_NFULL = _N_NODES // _CPR
_REM = _N_NODES - _NFULL * _CPR
_CPT = 34


@functools.cache
def _sc_kernels():
  mesh = plsc.VectorSubcoreMesh(core_axis_name="c", subcore_axis_name="s")

  @functools.partial(
      pl.kernel,
      out_type=jax.ShapeDtypeStruct((_N_NODES,), jnp.int32),
      mesh=mesh,
      compiler_params=pltpu.CompilerParams(needs_layout_passes=False),
      scratch_types=[
          pltpu.VMEM((_N_NODES,), jnp.int32),
          pltpu.VMEM((_WCH,), jnp.int32),
          pltpu.VMEM((2, _CPR, _MEM_DIM), jnp.float32),
          pltpu.SemaphoreType.DMA,
          pltpu.SemaphoreType.DMA,
      ],
  )
  def sc_win(ids_hbm, table_hbm, mem_ref, slot_hbm, slot_v, ids_v, copy_v,
             wsem0, wsem1):
    wid = _wid()

    @pl.when(wid != 0)
    def _():
      w = wid - 1

      def src(k):
        ci = lax.rem(w + 31 * k, _NFULL)
        return table_hbm.at[pl.ds(ci * _CPR, _CPR)], ci

      def read(k, b):
        s, _ = src(k)
        pltpu.sync_copy(s, copy_v.at[b])

      def fire_write(k, b, sem):
        _, ci = src(k)
        pltpu.async_copy(copy_v.at[b], mem_ref.at[pl.ds(ci * _CPR, _CPR)],
                         sem)

      def wait_write(b, sem):
        pltpu.make_async_copy(copy_v.at[b],
                              mem_ref.at[pl.ds(0, _CPR)], sem).wait()

      read(0, 0)
      fire_write(0, 0, wsem0)
      read(1, 1)
      fire_write(1, 1, wsem1)

      @pl.loop(1, _CPT // 2)
      def _(p):
        wait_write(0, wsem0)
        read(2 * p, 0)
        fire_write(2 * p, 0, wsem0)
        wait_write(1, wsem1)
        read(2 * p + 1, 1)
        fire_write(2 * p + 1, 1, wsem1)

      wait_write(0, wsem0)
      wait_write(1, wsem1)

      @pl.when(w == 0)
      def _():
        pltpu.sync_copy(table_hbm.at[pl.ds(_NFULL * _CPR, _REM)],
                        copy_v.at[0].at[pl.ds(0, _REM)])
        pltpu.sync_copy(copy_v.at[0].at[pl.ds(0, _REM)],
                        mem_ref.at[pl.ds(_NFULL * _CPR, _REM)])

    @pl.when(wid == 0)
    def _():
      iota = lax.broadcasted_iota(jnp.int32, (16,), 0)
      perm = jnp.minimum(iota + 1, 15)

      @pl.loop(0, _NWCH)
      def _(c):
        pltpu.sync_copy(ids_hbm.at[pl.ds(c * _WCH, _WCH)], ids_v)

        @pl.loop(0, _WCH // 16, unroll=8)
        def _(v):
          ids16 = ids_v[pl.ds(v * 16, 16)]
          iar16 = iota + (c * _WCH + v * 16)
          key16 = ids16 * 16384 + iar16
          ks, _ = plsc.sort_key_val(key16, iar16)
          ids_s = lax.shift_right_logical(ks, 14)
          iar_s = jnp.bitwise_and(ks, 16383)
          ids_n = lax.gather(
              ids_s, perm[:, None],
              dimension_numbers=lax.GatherDimensionNumbers(
                  offset_dims=(), collapsed_slice_dims=(0,),
                  start_index_map=(0,)),
              slice_sizes=(1,),
              mode=lax.GatherScatterMode.PROMISE_IN_BOUNDS)
          m_last = (ids_s != ids_n) | (iota == 15)
          plsc.store_scatter(slot_v, [ids_s], iar_s, mask=m_last)

      pltpu.sync_copy(slot_v, slot_hbm)

  @functools.partial(
      pl.kernel,
      out_type=jax.ShapeDtypeStruct((_BATCH, _MEM_DIM), jnp.float32),
      mesh=mesh,
      scratch_types=[
          pltpu.VMEM((_NCH, _CH), jnp.int32),
          pltpu.VMEM((_BPW, _MEM_DIM), jnp.float32),
          pltpu.SemaphoreType.DMA,
      ],
  )
  def sc_gather(table_hbm, idx_hbm, out_hbm, idx_v, rows_v, sem):
    wid = _wid()
    rbase = wid * _NCH
    pltpu.sync_copy(idx_hbm.at[pl.ds(rbase, _NCH)], idx_v)
    cps = [
        pltpu.async_copy(table_hbm.at[idx_v.at[c]],
                         rows_v.at[pl.ds(c * _CH, _CH)], sem)
        for c in range(_NCH)
    ]
    for cp in cps:
      cp.wait()
    pltpu.sync_copy(rows_v, out_hbm.at[pl.ds(wid * _BPW, _BPW)])

  @functools.partial(
      pl.kernel,
      out_type=(),
      mesh=mesh,
      scratch_types=[
          pltpu.VMEM((_NCH, _CH), jnp.int32),
          pltpu.VMEM((_NCH, _CH), jnp.int32),
          pltpu.VMEM((_BPW, _MEM_DIM), jnp.float32),
          pltpu.VMEM((_NCH, _CH), jnp.float32),
          pltpu.SemaphoreType.DMA,
          pltpu.SemaphoreType.DMA,
          pltpu.SemaphoreType.DMA,
      ],
  )
  def sc_scatter(upd_hbm, idx_hbm, slot_hbm, ts_hbm, mem_ref, times_ref,
                 idx_v, win_v, rows_v, ts_v, sem_rows, sem_ts, sem_win):
    wid = _wid()
    rbase = wid * _NCH
    pltpu.sync_copy(idx_hbm.at[pl.ds(rbase, _NCH)], idx_v)
    wcps = [
        pltpu.async_copy(slot_hbm.at[idx_v.at[c]], win_v.at[c], sem_win)
        for c in range(_NCH)
    ]
    for cp in wcps:
      cp.wait()
    gcps, tcps = [], []
    for c in range(_NCH):
      gcps.append(
          pltpu.async_copy(upd_hbm.at[win_v.at[c]],
                           rows_v.at[pl.ds(c * _CH, _CH)], sem_rows))
      tcps.append(
          pltpu.async_copy(ts_hbm.at[win_v.at[c]], ts_v.at[c], sem_ts))
    for cp in gcps + tcps:
      cp.wait()
    scps = []
    for c in range(_NCH):
      scps.append(
          pltpu.async_copy(rows_v.at[pl.ds(c * _CH, _CH)],
                           mem_ref.at[idx_v.at[c]], sem_rows))
      scps.append(
          pltpu.async_copy(ts_v.at[c], times_ref.at[idx_v.at[c]], sem_ts))
    for cp in scps:
      cp.wait()

  return sc_win, sc_gather, sc_scatter


_GRU_BLK = 1024


def _gru_body(x_ref, h_ref, wx_ref, wh_ref, bx_ref, bh_ref, o_ref):
  x = x_ref[...]
  h = h_ref[...]
  gx = jnp.dot(x, wx_ref[...], preferred_element_type=jnp.float32) + bx_ref[...]
  gh = jnp.dot(h, wh_ref[...], preferred_element_type=jnp.float32) + bh_ref[...]
  d = _MEM_DIM
  r = jax.nn.sigmoid(gx[:, :d] + gh[:, :d])
  z = jax.nn.sigmoid(gx[:, d:2 * d] + gh[:, d:2 * d])
  n = jnp.tanh(gx[:, 2 * d:] + r * gh[:, 2 * d:])
  o_ref[...] = (1.0 - z) * n + z * h


_tc_gru = pl.pallas_call(
    _gru_body,
    grid=(_BATCH // _GRU_BLK,),
    in_specs=[
        pl.BlockSpec((_GRU_BLK, _MEM_DIM), lambda i: (i, 0)),
        pl.BlockSpec((_GRU_BLK, _MEM_DIM), lambda i: (i, 0)),
        pl.BlockSpec((_MEM_DIM, 3 * _MEM_DIM), lambda i: (0, 0)),
        pl.BlockSpec((_MEM_DIM, 3 * _MEM_DIM), lambda i: (0, 0)),
        pl.BlockSpec((1, 3 * _MEM_DIM), lambda i: (0, 0)),
        pl.BlockSpec((1, 3 * _MEM_DIM), lambda i: (0, 0)),
    ],
    out_specs=pl.BlockSpec((_GRU_BLK, _MEM_DIM), lambda i: (i, 0)),
    out_shape=jax.ShapeDtypeStruct((_BATCH, _MEM_DIM), jnp.float32),
)


def kernel(node_memories, node_last_updated_times, unique_node_ids,
           unique_node_messages, unique_node_timestamps, W_x, W_h, b_x, b_h):
  ids = unique_node_ids.astype(jnp.int32)
  ids2 = ids.reshape(_NW * _NCH, _CH)

  sc_win, sc_gather, sc_scatter = _sc_kernels()
  mem_ref = jax.empty_ref(
      jax.ShapeDtypeStruct((_N_NODES, _MEM_DIM), jnp.float32))
  times_ref = jax.new_ref(node_last_updated_times)
  gathered = sc_gather(node_memories, ids2)
  slot = sc_win(ids, node_memories, mem_ref)
  upd = _tc_gru(unique_node_messages, gathered, W_x, W_h,
                b_x.reshape(1, -1), b_h.reshape(1, -1))

  sc_scatter(upd, ids2, slot, unique_node_timestamps, mem_ref, times_ref)
  return mem_ref[...], times_ref[...]

# --- scband reference (transcript-rebuilt; emitter-appended) ---
"""Pipeline reference for scband-liquid-25958782337582 (READ-ONLY COPY).

The authoritative reference and input builder live on the scoring server;
editing this copy changes nothing except your own understanding.
"""

import jax, jax.numpy as jnp
import numpy as np

N_NODES = 100000
MEM_DIM = 128
BATCH = 16384


def _gru_cell(x, h, W_x, W_h, b_x, b_h):
    gx = x @ W_x + b_x
    gh = h @ W_h + b_h
    xr, xz, xn = jnp.split(gx, 3, axis=-1)
    hr, hz, hn = jnp.split(gh, 3, axis=-1)
    r = jax.nn.sigmoid(xr + hr)
    z = jax.nn.sigmoid(xz + hz)
    n = jnp.tanh(xn + r * hn)
    return (1.0 - z) * n + z * h


def setup_inputs(seed: int = 0) -> dict:
    key = jax.random.key(seed)
    ks = jax.random.split(key, 9)
    s = 1.0 / np.sqrt(MEM_DIM)
    node_memories = jax.random.normal(ks[0], (N_NODES, MEM_DIM), dtype=jnp.float32)
    node_last_updated_times = jnp.zeros((N_NODES,), dtype=jnp.float32)
    unique_node_ids = jax.random.randint(ks[1], (BATCH,), 0, N_NODES)
    unique_node_messages = jax.random.normal(ks[2], (BATCH, MEM_DIM), dtype=jnp.float32)
    unique_node_timestamps = jax.random.uniform(ks[3], (BATCH,), dtype=jnp.float32)
    W_x = jax.random.uniform(ks[4], (MEM_DIM, 3 * MEM_DIM), jnp.float32, -s, s)
    W_h = jax.random.uniform(ks[5], (MEM_DIM, 3 * MEM_DIM), jnp.float32, -s, s)
    b_x = jax.random.uniform(ks[6], (3 * MEM_DIM,), jnp.float32, -s, s)
    b_h = jax.random.uniform(ks[7], (3 * MEM_DIM,), jnp.float32, -s, s)
    return {
        'node_memories': node_memories,
        'node_last_updated_times': node_last_updated_times,
        'unique_node_ids': unique_node_ids,
        'unique_node_messages': unique_node_messages,
        'unique_node_timestamps': unique_node_timestamps,
        'W_x': W_x, 'W_h': W_h, 'b_x': b_x, 'b_h': b_h,
    }


def reference(node_memories, node_last_updated_times, unique_node_ids,
              unique_node_messages, unique_node_timestamps, W_x, W_h, b_x, b_h):
    # MemoryUpdater.get_updated_memories / update_memories:
    # gather memories for unique nodes, run recurrent memory updater cell,
    # scatter-overwrite updated rows back into the memory bank, and update
    # last-updated timestamps for those rows.
    gathered = jnp.take(node_memories, unique_node_ids, axis=0)
    updated_rows = _gru_cell(unique_node_messages, gathered, W_x, W_h, b_x, b_h)
    updated_node_memories = node_memories.at[unique_node_ids].set(updated_rows)
    updated_node_last_updated_times = node_last_updated_times.at[unique_node_ids].set(unique_node_timestamps)
    return updated_node_memories, updated_node_last_updated_times

if __name__ == "__main__":
    import jax
    _d = setup_inputs()
    print(jax.jit(kernel)(*tuple(_d.values())))

</pallas_src>

<mosaic_0001>
#map = affine_map<(d0, d1) -> (0, 0)>
module attributes {stable_mosaic.version = 14 : i64} {
  func.func @sc_gather(%arg0: i32, %arg1: i32, %arg2: memref<100000x128xf32, #tpu.memory_space<hbm>>, %arg3: memref<128x128xi32, #tpu.memory_space<hbm>>, %arg4: memref<16384x128xf32, #tpu.memory_space<hbm>>, %arg5: memref<4x128xi32, #tpu.memory_space<vmem>>, %arg6: memref<512x128xf32, #tpu.memory_space<vmem>>, %arg7: memref<!tpu.dma_semaphore, #tpu.memory_space<semaphore_mem>>) attributes {dimension_semantics = [#tpu.dimension_semantics<core_parallel>, #tpu.dimension_semantics<subcore_parallel>], iteration_bounds = array<i64: 2, 16>, scalar_prefetch = 0 : i64, scratch_operands = 3 : i64, tpu.core_type = #tpu.core_type<sc_vector_subcore>, window_params = [{transform_indices = #map}, {transform_indices = #map}, {transform_indices = #map}]} {
    %mul3A = arith.constant 2 : i32
    %mul3A_0 = arith.muli %arg1, %mul3A : i32
    %add3A = arith.addi %mul3A_0, %arg0 : i32
    %mul3A_1 = arith.constant 4 : i32
    %mul3A_2 = arith.muli %add3A, %mul3A_1 : i32
    "tpu.region"() ({
      %run_scoped3A = tpu.sem_alloc : memref<!tpu.dma_semaphore, #tpu.memory_space<semaphore_mem>>
      %dma_start3A_83 = arith.constant 0 : i32
      %dma_start3A_84 = tpu.memref_slice %arg3[%mul3A_2, %dma_start3A_83] : memref<128x128xi32, #tpu.memory_space<hbm>> -> memref<4x128xi32, #tpu.memory_space<hbm>>
      %dma_start3A_85 = arith.constant 0 : i32
      %dma_start3A_86 = tpu.memref_slice %arg3[%mul3A_2, %dma_start3A_85] : memref<128x128xi32, #tpu.memory_space<hbm>> -> memref<4x128xi32, #tpu.memory_space<hbm>>
      tpu.enqueue_dma source(%dma_start3A_86 : memref<4x128xi32, #tpu.memory_space<hbm>>) target(%arg5 : memref<4x128xi32, #tpu.memory_space<vmem>>) target_semaphore(%run_scoped3A : memref<!tpu.dma_semaphore, #tpu.memory_space<semaphore_mem>>)
      %dma_wait3A_87 = arith.constant 0 : i32
      %dma_wait3A_88 = tpu.memref_slice %arg3[%mul3A_2, %dma_wait3A_87] : memref<128x128xi32, #tpu.memory_space<hbm>> -> memref<4x128xi32, #tpu.memory_space<hbm>>
      %dma_wait3A_89 = arith.constant 0 : i32
      %dma_wait3A_90 = tpu.memref_slice %arg3[%mul3A_2, %dma_wait3A_89] : memref<128x128xi32, #tpu.memory_space<hbm>> -> memref<4x128xi32, #tpu.memory_space<hbm>>
      tpu.wait_dma2 semaphore(%run_scoped3A : memref<!tpu.dma_semaphore, #tpu.memory_space<semaphore_mem>>) src(%dma_wait3A_90 : memref<4x128xi32, #tpu.memory_space<hbm>>) dst(%arg5 : memref<4x128xi32, #tpu.memory_space<vmem>>)
      tpu.yield
    }) : () -> ()
    %dma_start3A = arith.constant 0 : i32
    %dma_start3A_3 = arith.constant 0 : i32
    %dma_start3A_4 = arith.constant 0 : i32
    %dma_start3A_5 = tpu.memref_slice %arg6[%dma_start3A_3, %dma_start3A_4] : memref<512x128xf32, #tpu.memory_space<vmem>> -> memref<128x128xf32, #tpu.memory_space<vmem>>
    %dma_start3A_6 = arith.constant 0 : i32
    %dma_start3A_7 = tpu.memref_slice %arg5[%dma_start3A, %dma_start3A_6] : memref<4x128xi32, #tpu.memory_space<vmem>> -> memref<1x128xi32, #tpu.memory_space<vmem>>
    %dma_start3A_8 = tpu.memref_squeeze %dma_start3A_7 : memref<1x128xi32, #tpu.memory_space<vmem>> -> memref<128xi32, #tpu.memory_space<vmem>>
    %dma_start3A_9 = arith.constant 0 : i32
    %dma_start3A_10 = arith.constant 0 : i32
    %dma_start3A_11 = tpu.memref_slice %arg2[%dma_start3A_9, %dma_start3A_10] : memref<100000x128xf32, #tpu.memory_space<hbm>> -> memref<100000x128xf32, #tpu.memory_space<hbm>>
    tpu.enqueue_indirect_dma source(%dma_start3A_11 : memref<100000x128xf32, #tpu.memory_space<hbm>>) target(%dma_start3A_5 : memref<128x128xf32, #tpu.memory_space<vmem>>) offsets(%dma_start3A_8 : memref<128xi32, #tpu.memory_space<vmem>>) semaphore(%arg7 : memref<!tpu.dma_semaphore, #tpu.memory_space<semaphore_mem>>)
    %dma_start3A_12 = arith.constant 1 : i32
    %dma_start3A_13 = arith.constant 128 : i32
    %dma_start3A_14 = arith.constant 0 : i32
    %dma_start3A_15 = tpu.memref_slice %arg6[%dma_start3A_13, %dma_start3A_14] : memref<512x128xf32, #tpu.memory_space<vmem>> -> memref<128x128xf32, #tpu.memory_space<vmem>>
    %dma_start3A_16 = arith.constant 0 : i32
    %dma_start3A_17 = tpu.memref_slice %arg5[%dma_start3A_12, %dma_start3A_16] : memref<4x128xi32, #tpu.memory_space<vmem>> -> memref<1x128xi32, #tpu.memory_space<vmem>>
    %dma_start3A_18 = tpu.memref_squeeze %dma_start3A_17 : memref<1x128xi32, #tpu.memory_space<vmem>> -> memref<128xi32, #tpu.memory_space<vmem>>
    %dma_start3A_19 = arith.constant 0 : i32
    %dma_start3A_20 = arith.constant 0 : i32
    %dma_start3A_21 = tpu.memref_slice %arg2[%dma_start3A_19, %dma_start3A_20] : memref<100000x128xf32, #tpu.memory_space<hbm>> -> memref<100000x128xf32, #tpu.memory_space<hbm>>
    tpu.enqueue_indirect_dma source(%dma_start3A_21 : memref<100000x128xf32, #tpu.memory_space<hbm>>) target(%dma_start3A_15 : memref<128x128xf32, #tpu.memory_space<vmem>>) offsets(%dma_start3A_18 : memref<128xi32, #tpu.memory_space<vmem>>) semaphore(%arg7 : memref<!tpu.dma_semaphore, #tpu.memory_space<semaphore_mem>>)
    %dma_start3A_22 = arith.constant 2 : i32
    %dma_start3A_23 = arith.constant 256 : i32
    %dma_start3A_24 = arith.constant 0 : i32
    %dma_start3A_25 = tpu.memref_slice %arg6[%dma_start3A_23, %dma_start3A_24] : memref<512x128xf32, #tpu.memory_space<vmem>> -> memref<128x128xf32, #tpu.memory_space<vmem>>
    %dma_start3A_26 = arith.constant 0 : i32
    %dma_start3A_27 = tpu.memref_slice %arg5[%dma_start3A_22, %dma_start3A_26] : memref<4x128xi32, #tpu.memory_space<vmem>> -> memref<1x128xi32, #tpu.memory_space<vmem>>
    %dma_start3A_28 = tpu.memref_squeeze %dma_start3A_27 : memref<1x128xi32, #tpu.memory_space<vmem>> -> memref<128xi32, #tpu.memory_space<vmem>>
    %dma_start3A_29 = arith.constant 0 : i32
    %dma_start3A_30 = arith.constant 0 : i32
    %dma_start3A_31 = tpu.memref_slice %arg2[%dma_start3A_29, %dma_start3A_30] : memref<100000x128xf32, #tpu.memory_space<hbm>> -> memref<100000x128xf32, #tpu.memory_space<hbm>>
    tpu.enqueue_indirect_dma source(%dma_start3A_31 : memref<100000x128xf32, #tpu.memory_space<hbm>>) target(%dma_start3A_25 : memref<128x128xf32, #tpu.memory_space<vmem>>) offsets(%dma_start3A_28 : memref<128xi32, #tpu.memory_space<vmem>>) semaphore(%arg7 : memref<!tpu.dma_semaphore, #tpu.memory_space<semaphore_mem>>)
    %dma_start3A_32 = arith.constant 3 : i32
    %dma_start3A_33 = arith.constant 384 : i32
    %dma_start3A_34 = arith.constant 0 : i32
    %dma_start3A_35 = tpu.memref_slice %arg6[%dma_start3A_33, %dma_start3A_34] : memref<512x128xf32, #tpu.memory_space<vmem>> -> memref<128x128xf32, #tpu.memory_space<vmem>>
    %dma_start3A_36 = arith.constant 0 : i32
    %dma_start3A_37 = tpu.memref_slice %arg5[%dma_start3A_32, %dma_start3A_36] : memref<4x128xi32, #tpu.memory_space<vmem>> -> memref<1x128xi32, #tpu.memory_space<vmem>>
    %dma_start3A_38 = tpu.memref_squeeze %dma_start3A_37 : memref<1x128xi32, #tpu.memory_space<vmem>> -> memref<128xi32, #tpu.memory_space<vmem>>
    %dma_start3A_39 = arith.constant 0 : i32
    %dma_start3A_40 = arith.constant 0 : i32
    %dma_start3A_41 = tpu.memref_slice %arg2[%dma_start3A_39, %dma_start3A_40] : memref<100000x128xf32, #tpu.memory_space<hbm>> -> memref<100000x128xf32, #tpu.memory_space<hbm>>
    tpu.enqueue_indirect_dma source(%dma_start3A_41 : memref<100000x128xf32, #tpu.memory_space<hbm>>) target(%dma_start3A_35 : memref<128x128xf32, #tpu.memory_space<vmem>>) offsets(%dma_start3A_38 : memref<128xi32, #tpu.memory_space<vmem>>) semaphore(%arg7 : memref<!tpu.dma_semaphore, #tpu.memory_space<semaphore_mem>>)
    %dma_wait3A = arith.constant 0 : i32
    %dma_wait3A_42 = arith.constant 0 : i32
    %dma_wait3A_43 = arith.constant 0 : i32
    %dma_wait3A_44 = tpu.memref_slice %arg6[%dma_wait3A_42, %dma_wait3A_43] : memref<512x128xf32, #tpu.memory_space<vmem>> -> memref<128x128xf32, #tpu.memory_space<vmem>>
    %dma_wait3A_45 = arith.constant 0 : i32
    %dma_wait3A_46 = tpu.memref_slice %arg5[%dma_wait3A, %dma_wait3A_45] : memref<4x128xi32, #tpu.memory_space<vmem>> -> memref<1x128xi32, #tpu.memory_space<vmem>>
    %dma_wait3A_47 = tpu.memref_squeeze %dma_wait3A_46 : memref<1x128xi32, #tpu.memory_space<vmem>> -> memref<128xi32, #tpu.memory_space<vmem>>
    %dma_wait3A_48 = arith.constant 0 : i32
    %dma_wait3A_49 = arith.constant 0 : i32
    %dma_wait3A_50 = tpu.memref_slice %arg2[%dma_wait3A_48, %dma_wait3A_49] : memref<100000x128xf32, #tpu.memory_space<hbm>> -> memref<100000x128xf32, #tpu.memory_space<hbm>>
    tpu.wait_indirect_dma semaphore(%arg7 : memref<!tpu.dma_semaphore, #tpu.memory_space<semaphore_mem>>) src(%dma_wait3A_50 : memref<100000x128xf32, #tpu.memory_space<hbm>>) dst(%dma_wait3A_44 : memref<128x128xf32, #tpu.memory_space<vmem>>)
    %dma_wait3A_51 = arith.constant 1 : i32
    %dma_wait3A_52 = arith.constant 128 : i32
    %dma_wait3A_53 = arith.constant 0 : i32
    %dma_wait3A_54 = tpu.memref_slice %arg6[%dma_wait3A_52, %dma_wait3A_53] : memref<512x128xf32, #tpu.memory_space<vmem>> -> memref<128x128xf32, #tpu.memory_space<vmem>>
    %dma_wait3A_55 = arith.constant 0 : i32
    %dma_wait3A_56 = tpu.memref_slice %arg5[%dma_wait3A_51, %dma_wait3A_55] : memref<4x128xi32, #tpu.memory_space<vmem>> -> memref<1x128xi32, #tpu.memory_space<vmem>>
    %dma_wait3A_57 = tpu.memref_squeeze %dma_wait3A_56 : memref<1x128xi32, #tpu.memory_space<vmem>> -> memref<128xi32, #tpu.memory_space<vmem>>
    %dma_wait3A_58 = arith.constant 0 : i32
    %dma_wait3A_59 = arith.constant 0 : i32
    %dma_wait3A_60 = tpu.memref_slice %arg2[%dma_wait3A_58, %dma_wait3A_59] : memref<100000x128xf32, #tpu.memory_space<hbm>> -> memref<100000x128xf32, #tpu.memory_space<hbm>>
    tpu.wait_indirect_dma semaphore(%arg7 : memref<!tpu.dma_semaphore, #tpu.memory_space<semaphore_mem>>) src(%dma_wait3A_60 : memref<100000x128xf32, #tpu.memory_space<hbm>>) dst(%dma_wait3A_54 : memref<128x128xf32, #tpu.memory_space<vmem>>)
    %dma_wait3A_61 = arith.constant 2 : i32
    %dma_wait3A_62 = arith.constant 256 : i32
    %dma_wait3A_63 = arith.constant 0 : i32
    %dma_wait3A_64 = tpu.memref_slice %arg6[%dma_wait3A_62, %dma_wait3A_63] : memref<512x128xf32, #tpu.memory_space<vmem>> -> memref<128x128xf32, #tpu.memory_space<vmem>>
    %dma_wait3A_65 = arith.constant 0 : i32
    %dma_wait3A_66 = tpu.memref_slice %arg5[%dma_wait3A_61, %dma_wait3A_65] : memref<4x128xi32, #tpu.memory_space<vmem>> -> memref<1x128xi32, #tpu.memory_space<vmem>>
    %dma_wait3A_67 = tpu.memref_squeeze %dma_wait3A_66 : memref<1x128xi32, #tpu.memory_space<vmem>> -> memref<128xi32, #tpu.memory_space<vmem>>
    %dma_wait3A_68 = arith.constant 0 : i32
    %dma_wait3A_69 = arith.constant 0 : i32
    %dma_wait3A_70 = tpu.memref_slice %arg2[%dma_wait3A_68, %dma_wait3A_69] : memref<100000x128xf32, #tpu.memory_space<hbm>> -> memref<100000x128xf32, #tpu.memory_space<hbm>>
    tpu.wait_indirect_dma semaphore(%arg7 : memref<!tpu.dma_semaphore, #tpu.memory_space<semaphore_mem>>) src(%dma_wait3A_70 : memref<100000x128xf32, #tpu.memory_space<hbm>>) dst(%dma_wait3A_64 : memref<128x128xf32, #tpu.memory_space<vmem>>)
    %dma_wait3A_71 = arith.constant 3 : i32
    %dma_wait3A_72 = arith.constant 384 : i32
    %dma_wait3A_73 = arith.constant 0 : i32
    %dma_wait3A_74 = tpu.memref_slice %arg6[%dma_wait3A_72, %dma_wait3A_73] : memref<512x128xf32, #tpu.memory_space<vmem>> -> memref<128x128xf32, #tpu.memory_space<vmem>>
    %dma_wait3A_75 = arith.constant 0 : i32
    %dma_wait3A_76 = tpu.memref_slice %arg5[%dma_wait3A_71, %dma_wait3A_75] : memref<4x128xi32, #tpu.memory_space<vmem>> -> memref<1x128xi32, #tpu.memory_space<vmem>>
    %dma_wait3A_77 = tpu.memref_squeeze %dma_wait3A_76 : memref<1x128xi32, #tpu.memory_space<vmem>> -> memref<128xi32, #tpu.memory_space<vmem>>
    %dma_wait3A_78 = arith.constant 0 : i32
    %dma_wait3A_79 = arith.constant 0 : i32
    %dma_wait3A_80 = tpu.memref_slice %arg2[%dma_wait3A_78, %dma_wait3A_79] : memref<100000x128xf32, #tpu.memory_space<hbm>> -> memref<100000x128xf32, #tpu.memory_space<hbm>>
    tpu.wait_indirect_dma semaphore(%arg7 : memref<!tpu.dma_semaphore, #tpu.memory_space<semaphore_mem>>) src(%dma_wait3A_80 : memref<100000x128xf32, #tpu.memory_space<hbm>>) dst(%dma_wait3A_74 : memref<128x128xf32, #tpu.memory_space<vmem>>)
    %mul3A_81 = arith.constant 512 : i32
    %mul3A_82 = arith.muli %add3A, %mul3A_81 : i32
    "tpu.region"() ({
      %run_scoped3A = tpu.sem_alloc : memref<!tpu.dma_semaphore, #tpu.memory_space<semaphore_mem>>
      %dma_start3A_83 = arith.constant 0 : i32
      %dma_start3A_84 = tpu.memref_slice %arg4[%mul3A_82, %dma_start3A_83] : memref<16384x128xf32, #tpu.memory_space<hbm>> -> memref<512x128xf32, #tpu.memory_space<hbm>>
      %dma_start3A_85 = arith.constant 0 : i32
      %dma_start3A_86 = tpu.memref_slice %arg4[%mul3A_82, %dma_start3A_85] : memref<16384x128xf32, #tpu.memory_space<hbm>> -> memref<512x128xf32, #tpu.memory_space<hbm>>
      tpu.enqueue_dma source(%arg6 : memref<512x128xf32, #tpu.memory_space<vmem>>) target(%dma_start3A_86 : memref<512x128xf32, #tpu.memory_space<hbm>>) target_semaphore(%run_scoped3A : memref<!tpu.dma_semaphore, #tpu.memory_space<semaphore_mem>>)
      %dma_wait3A_87 = arith.constant 0 : i32
      %dma_wait3A_88 = tpu.memref_slice %arg4[%mul3A_82, %dma_wait3A_87] : memref<16384x128xf32, #tpu.memory_space<hbm>> -> memref<512x128xf32, #tpu.memory_space<hbm>>
      %dma_wait3A_89 = arith.constant 0 : i32
      %dma_wait3A_90 = tpu.memref_slice %arg4[%mul3A_82, %dma_wait3A_89] : memref<16384x128xf32, #tpu.memory_space<hbm>> -> memref<512x128xf32, #tpu.memory_space<hbm>>
      tpu.wait_dma2 semaphore(%run_scoped3A : memref<!tpu.dma_semaphore, #tpu.memory_space<semaphore_mem>>) src(%arg6 : memref<512x128xf32, #tpu.memory_space<vmem>>) dst(%dma_wait3A_90 : memref<512x128xf32, #tpu.memory_space<hbm>>)
      tpu.yield
    }) : () -> ()
    return
  }
}

#map = affine_map<(d0, d1) -> (0)>
#map1 = affine_map<(d0, d1) -> (0, 0)>
module attributes {stable_mosaic.version = 14 : i64} {
  func.func @new_body(%arg0: i32, %arg1: i32, %arg2: memref<16384xi32, #tpu.memory_space<hbm>>, %arg3: memref<100000x128xf32, #tpu.memory_space<hbm>>, %arg4: memref<100000x128xf32, #tpu.memory_space<hbm>>, %arg5: memref<100000xi32, #tpu.memory_space<hbm>>, %arg6: memref<100000x128xf32, #tpu.memory_space<hbm>>, %arg7: memref<100000xi32, #tpu.memory_space<vmem>>, %arg8: memref<2048xi32, #tpu.memory_space<vmem>>, %arg9: memref<2x96x128xf32, #tpu.memory_space<vmem>>, %arg10: memref<!tpu.dma_semaphore, #tpu.memory_space<semaphore_mem>>, %arg11: memref<!tpu.dma_semaphore, #tpu.memory_space<semaphore_mem>>) attributes {dimension_semantics = [#tpu.dimension_semantics<core_parallel>, #tpu.dimension_semantics<subcore_parallel>], iteration_bounds = array<i64: 2, 16>, scalar_prefetch = 0 : i64, scratch_operands = 5 : i64, tpu.core_type = #tpu.core_type<sc_vector_subcore>, window_params = [{transform_indices = #map}, {transform_indices = #map1}, {transform_indices = #map1}, {transform_indices = #map}, {transform_indices = #map1}]} {
    %mul3A = arith.constant 2 : i32
    %mul3A_0 = arith.muli %arg1, %mul3A : i32
    %add3A = arith.addi %mul3A_0, %arg0 : i32
    %ne3A = arith.constant 0 : i32
    %ne3A_1 = arith.cmpi ne, %add3A, %ne3A : i32
    %convert_element_type3A = arith.extui %ne3A_1 : i1 to i32
    %cond3A = arith.constant 0 : i32
    %cond3A_2 = arith.cmpi ne, %convert_element_type3A, %cond3A : i32
    scf.if %cond3A_2 {
      %sub3A = arith.constant 1 : i32
      %sub3A_7 = arith.subi %add3A, %sub3A : i32
      %add3A_8 = arith.constant 0 : i32
      %add3A_9 = arith.addi %sub3A_7, %add3A_8 : i32
      %rem3A = arith.constant 1041 : i32
      %rem3A_10 = arith.remsi %add3A_9, %rem3A : i32
      %mul3A_11 = arith.constant 96 : i32
      %mul3A_12 = arith.muli %rem3A_10, %mul3A_11 : i32
      %run_scoped3A = arith.constant 0 : i32
      "tpu.region"() ({
        %run_scoped3A_99 = tpu.sem_alloc : memref<!tpu.dma_semaphore, #tpu.memory_space<semaphore_mem>>
        %dma_start3A_100 = arith.constant 0 : i32
        %dma_start3A_101 = arith.constant 0 : i32
        %dma_start3A_102 = tpu.memref_slice %arg9[%run_scoped3A, %dma_start3A_100, %dma_start3A_101] : memref<2x96x128xf32, #tpu.memory_space<vmem>> -> memref<1x96x128xf32, #tpu.memory_space<vmem>>
        %dma_start3A_103 = tpu.memref_squeeze %dma_start3A_102 : memref<1x96x128xf32, #tpu.memory_space<vmem>> -> memref<96x128xf32, #tpu.memory_space<vmem>>
        %dma_start3A_104 = arith.constant 0 : i32
        %dma_start3A_105 = tpu.memref_slice %arg3[%mul3A_12, %dma_start3A_104] : memref<100000x128xf32, #tpu.memory_space<hbm>> -> memref<96x128xf32, #tpu.memory_space<hbm>>
        %dma_start3A_106 = arith.constant 0 : i32
        %dma_start3A_107 = arith.constant 0 : i32
        %dma_start3A_108 = tpu.memref_slice %arg9[%run_scoped3A, %dma_start3A_106, %dma_start3A_107] : memref<2x96x128xf32, #tpu.memory_space<vmem>> -> memref<1x96x128xf32, #tpu.memory_space<vmem>>
        %dma_start3A_109 = tpu.memref_squeeze %dma_start3A_108 : memref<1x96x128xf32, #tpu.memory_space<vmem>> -> memref<96x128xf32, #tpu.memory_space<vmem>>
        %dma_start3A_110 = arith.constant 0 : i32
        %dma_start3A_111 = tpu.memref_slice %arg3[%mul3A_12, %dma_start3A_110] : memref<100000x128xf32, #tpu.memory_space<hbm>> -> memref<96x128xf32, #tpu.memory_space<hbm>>
        tpu.enqueue_dma source(%dma_start3A_111 : memref<96x128xf32, #tpu.memory_space<hbm>>) target(%dma_start3A_109 : memref<96x128xf32, #tpu.memory_space<vmem>>) target_semaphore(%run_scoped3A_99 : memref<!tpu.dma_semaphore, #tpu.memory_space<semaphore_mem>>)
        %dma_wait3A_112 = arith.constant 0 : i32
        %dma_wait3A_113 = arith.constant 0 : i32
        %dma_wait3A_114 = tpu.memref_slice %arg9[%run_scoped3A, %dma_wait3A_112, %dma_wait3A_113] : memref<2x96x128xf32, #tpu.memory_space<vmem>> -> memref<1x96x128xf32, #tpu.memory_space<vmem>>
        %dma_wait3A_115 = tpu.memref_squeeze %dma_wait3A_114 : memref<1x96x128xf32, #tpu.memory_space<vmem>> -> memref<96x128xf32, #tpu.memory_space<vmem>>
        %dma_wait3A_116 = arith.constant 0 : i32
        %dma_wait3A_117 = tpu.memref_slice %arg3[%mul3A_12, %dma_wait3A_116] : memref<100000x128xf32, #tpu.memory_space<hbm>> -> memref<96x128xf32, #tpu.memory_space<hbm>>
        %dma_wait3A_118 = arith.constant 0 : i32
        %dma_wait3A_119 = arith.constant 0 : i32
        %dma_wait3A_120 = tpu.memref_slice %arg9[%run_scoped3A, %dma_wait3A_118, %dma_wait3A_119] : memref<2x96x128xf32, #tpu.memory_space<vmem>> -> memref<1x96x128xf32, #tpu.memory_space<vmem>>
        %dma_wait3A_121 = tpu.memref_squeeze %dma_wait3A_120 : memref<1x96x128xf32, #tpu.memory_space<vmem>> -> memref<96x128xf32, #tpu.memory_space<vmem>>
        %dma_wait3A_122 = arith.constant 0 : i32
        %dma_wait3A_123 = tpu.memref_slice %arg3[%mul3A_12, %dma_wait3A_122] : memref<100000x128xf32, #tpu.memory_space<hbm>> -> memref<96x128xf32, #tpu.memory_space<hbm>>
        tpu.wait_dma2 semaphore(%run_scoped3A_99 : memref<!tpu.dma_semaphore, #tpu.memory_space<semaphore_mem>>) src(%dma_wait3A_123 : memref<96x128xf32, #tpu.memory_space<hbm>>) dst(%dma_wait3A_121 : memref<96x128xf32, #tpu.memory_space<vmem>>)
        tpu.yield
      }) : () -> ()
      %add3A_13 = arith.constant 0 : i32
      %add3A_14 = arith.addi %sub3A_7, %add3A_13 : i32
      %rem3A_15 = arith.constant 1041 : i32
      %rem3A_16 = arith.remsi %add3A_14, %rem3A_15 : i32
      %mul3A_17 = arith.constant 96 : i32
      %mul3A_18 = arith.muli %rem3A_16, %mul3A_17 : i32
      %mul3A_19 = arith.constant 96 : i32
      %mul3A_20 = arith.muli %rem3A_16, %mul3A_19 : i32
      %dma_start3A = arith.constant 0 : i32
      %dma_start3A_21 = arith.constant 0 : i32
      %dma_start3A_22 = arith.constant 0 : i32
      %dma_start3A_23 = tpu.memref_slice %arg9[%dma_start3A, %dma_start3A_21, %dma_start3A_22] : memref<2x96x128xf32, #tpu.memory_space<vmem>> -> memref<1x96x128xf32, #tpu.memory_space<vmem>>
      %dma_start3A_24 = tpu.memref_squeeze %dma_start3A_23 : memref<1x96x128xf32, #tpu.memory_space<vmem>> -> memref<96x128xf32, #tpu.memory_space<vmem>>
      %dma_start3A_25 = arith.constant 0 : i32
      %dma_start3A_26 = tpu.memref_slice %arg4[%mul3A_20, %dma_start3A_25] : memref<100000x128xf32, #tpu.memory_space<hbm>> -> memref<96x128xf32, #tpu.memory_space<hbm>>
      %dma_start3A_27 = arith.constant 0 : i32
      %dma_start3A_28 = tpu.memref_slice %arg4[%mul3A_20, %dma_start3A_27] : memref<100000x128xf32, #tpu.memory_space<hbm>> -> memref<96x128xf32, #tpu.memory_space<hbm>>
      %dma_start3A_29 = arith.constant 0 : i32
      %dma_start3A_30 = arith.constant 0 : i32
      %dma_start3A_31 = tpu.memref_slice %arg9[%dma_start3A, %dma_start3A_29, %dma_start3A_30] : memref<2x96x128xf32, #tpu.memory_space<vmem>> -> memref<1x96x128xf32, #tpu.memory_space<vmem>>
      %dma_start3A_32 = tpu.memref_squeeze %dma_start3A_31 : memref<1x96x128xf32, #tpu.memory_space<vmem>> -> memref<96x128xf32, #tpu.memory_space<vmem>>
      tpu.enqueue_dma source(%dma_start3A_32 : memref<96x128xf32, #tpu.memory_space<vmem>>) target(%dma_start3A_28 : memref<96x128xf32, #tpu.memory_space<hbm>>) target_semaphore(%arg10 : memref<!tpu.dma_semaphore, #tpu.memory_space<semaphore_mem>>)
      %add3A_33 = arith.constant 31 : i32
      %add3A_34 = arith.addi %sub3A_7, %add3A_33 : i32
      %rem3A_35 = arith.constant 1041 : i32
      %rem3A_36 = arith.remsi %add3A_34, %rem3A_35 : i32
      %mul3A_37 = arith.constant 96 : i32
      %mul3A_38 = arith.muli %rem3A_36, %mul3A_37 : i32
      %run_scoped3A_39 = arith.constant 1 : i32
      "tpu.region"() ({
        %run_scoped3A_99 = tpu.sem_alloc : memref<!tpu.dma_semaphore, #tpu.memory_space<semaphore_mem>>
        %dma_start3A_100 = arith.constant 0 : i32
        %dma_start3A_101 = arith.constant 0 : i32
        %dma_start3A_102 = tpu.memref_slice %arg9[%run_scoped3A_39, %dma_start3A_100, %dma_start3A_101] : memref<2x96x128xf32, #tpu.memory_space<vmem>> -> memref<1x96x128xf32, #tpu.memory_space<vmem>>
        %dma_start3A_103 = tpu.memref_squeeze %dma_start3A_102 : memref<1x96x128xf32, #tpu.memory_space<vmem>> -> memref<96x128xf32, #tpu.memory_space<vmem>>
        %dma_start3A_104 = arith.constant 0 : i32
        %dma_start3A_105 = tpu.memref_slice %arg3[%mul3A_38, %dma_start3A_104] : memref<100000x128xf32, #tpu.memory_space<hbm>> -> memref<96x128xf32, #tpu.memory_space<hbm>>
        %dma_start3A_106 = arith.constant 0 : i32
        %dma_start3A_107 = arith.constant 0 : i32
        %dma_start3A_108 = tpu.memref_slice %arg9[%run_scoped3A_39, %dma_start3A_106, %dma_start3A_107] : memref<2x96x128xf32, #tpu.memory_space<vmem>> -> memref<1x96x128xf32, #tpu.memory_space<vmem>>
        %dma_start3A_109 = tpu.memref_squeeze %dma_start3A_108 : memref<1x96x128xf32, #tpu.memory_space<vmem>> -> memref<96x128xf32, #tpu.memory_space<vmem>>
        %dma_start3A_110 = arith.constant 0 : i32
        %dma_start3A_111 = tpu.memref_slice %arg3[%mul3A_38, %dma_start3A_110] : memref<100000x128xf32, #tpu.memory_space<hbm>> -> memref<96x128xf32, #tpu.memory_space<hbm>>
        tpu.enqueue_dma source(%dma_start3A_111 : memref<96x128xf32, #tpu.memory_space<hbm>>) target(%dma_start3A_109 : memref<96x128xf32, #tpu.memory_space<vmem>>) target_semaphore(%run_scoped3A_99 : memref<!tpu.dma_semaphore, #tpu.memory_space<semaphore_mem>>)
        %dma_wait3A_112 = arith.constant 0 : i32
        %dma_wait3A_113 = arith.constant 0 : i32
        %dma_wait3A_114 = tpu.memref_slice %arg9[%run_scoped3A_39, %dma_wait3A_112, %dma_wait3A_113] : memref<2x96x128xf32, #tpu.memory_space<vmem>> -> memref<1x96x128xf32, #tpu.memory_space<vmem>>
        %dma_wait3A_115 = tpu.memref_squeeze %dma_wait3A_114 : memref<1x96x128xf32, #tpu.memory_space<vmem>> -> memref<96x128xf32, #tpu.memory_space<vmem>>
        %dma_wait3A_116 = arith.constant 0 : i32
        %dma_wait3A_117 = tpu.memref_slice %arg3[%mul3A_38, %dma_wait3A_116] : memref<100000x128xf32, #tpu.memory_space<hbm>> -> memref<96x128xf32, #tpu.memory_space<hbm>>
        %dma_wait3A_118 = arith.constant 0 : i32
        %dma_wait3A_119 = arith.constant 0 : i32
        %dma_wait3A_120 = tpu.memref_slice %arg9[%run_scoped3A_39, %dma_wait3A_118, %dma_wait3A_119] : memref<2x96x128xf32, #tpu.memory_space<vmem>> -> memref<1x96x128xf32, #tpu.memory_space<vmem>>
        %dma_wait3A_121 = tpu.memref_squeeze %dma_wait3A_120 : memref<1x96x128xf32, #tpu.memory_space<vmem>> -> memref<96x128xf32, #tpu.memory_space<vmem>>
        %dma_wait3A_122 = arith.constant 0 : i32
        %dma_wait3A_123 = tpu.memref_slice %arg3[%mul3A_38, %dma_wait3A_122] : memref<100000x128xf32, #tpu.memory_space<hbm>> -> memref<96x128xf32, #tpu.memory_space<hbm>>
        tpu.wait_dma2 semaphore(%run_scoped3A_99 : memref<!tpu.dma_semaphore, #tpu.memory_space<semaphore_mem>>) src(%dma_wait3A_123 : memref<96x128xf32, #tpu.memory_space<hbm>>) dst(%dma_wait3A_121 : memref<96x128xf32, #tpu.memory_space<vmem>>)
        tpu.yield
      }) : () -> ()
      %add3A_40 = arith.constant 31 : i32
      %add3A_41 = arith.addi %sub3A_7, %add3A_40 : i32
      %rem3A_42 = arith.constant 1041 : i32
      %rem3A_43 = arith.remsi %add3A_41, %rem3A_42 : i32
      %mul3A_44 = arith.constant 96 : i32
      %mul3A_45 = arith.muli %rem3A_43, %mul3A_44 : i32
      %mul3A_46 = arith.constant 96 : i32
      %mul3A_47 = arith.muli %rem3A_43, %mul3A_46 : i32
      %dma_start3A_48 = arith.constant 1 : i32
      %dma_start3A_49 = arith.constant 0 : i32
      %dma_start3A_50 = arith.constant 0 : i32
      %dma_start3A_51 = tpu.memref_slice %arg9[%dma_start3A_48, %dma_start3A_49, %dma_start3A_50] : memref<2x96x128xf32, #tpu.memory_space<vmem>> -> memref<1x96x128xf32, #tpu.memory_space<vmem>>
      %dma_start3A_52 = tpu.memref_squeeze %dma_start3A_51 : memref<1x96x128xf32, #tpu.memory_space<vmem>> -> memref<96x128xf32, #tpu.memory_space<vmem>>
      %dma_start3A_53 = arith.constant 0 : i32
      %dma_start3A_54 = tpu.memref_slice %arg4[%mul3A_47, %dma_start3A_53] : memref<100000x128xf32, #tpu.memory_space<hbm>> -> memref<96x128xf32, #tpu.memory_space<hbm>>
      %dma_start3A_55 = arith.constant 0 : i32
      %dma_start3A_56 = tpu.memref_slice %arg4[%mul3A_47, %dma_start3A_55] : memref<100000x128xf32, #tpu.memory_space<hbm>> -> memref<96x128xf32, #tpu.memory_space<hbm>>
      %dma_start3A_57 = arith.constant 0 : i32
      %dma_start3A_58 = arith.constant 0 : i32
      %dma_start3A_59 = tpu.memref_slice %arg9[%dma_start3A_48, %dma_start3A_57, %dma_start3A_58] : memref<2x96x128xf32, #tpu.memory_space<vmem>> -> memref<1x96x128xf32, #tpu.memory_space<vmem>>
      %dma_start3A_60 = tpu.memref_squeeze %dma_start3A_59 : memref<1x96x128xf32, #tpu.memory_space<vmem>> -> memref<96x128xf32, #tpu.memory_space<vmem>>
      tpu.enqueue_dma source(%dma_start3A_60 : memref<96x128xf32, #tpu.memory_space<vmem>>) target(%dma_start3A_56 : memref<96x128xf32, #tpu.memory_space<hbm>>) target_semaphore(%arg11 : memref<!tpu.dma_semaphore, #tpu.memory_space<semaphore_mem>>)
      %scan3A = arith.constant 0 : i32
      %scan3A_61 = arith.constant 16 : i32
      %scan3A_62 = arith.addi %scan3A, %scan3A_61 : i32
      %scan3A_63 = arith.constant 1 : i32
      scf.for %scan3A_99 = %scan3A to %scan3A_62 step %scan3A_63  : i32 {
        %mul3A_100 = arith.constant 1 : i32
        %mul3A_101 = arith.muli %scan3A_99, %mul3A_100 : i32
        %add3A_102 = arith.constant 1 : i32
        %add3A_103 = arith.addi %add3A_102, %mul3A_101 : i32
        %dma_wait3A_104 = arith.constant 0 : i32
        %dma_wait3A_105 = arith.constant 0 : i32
        %dma_wait3A_106 = arith.constant 0 : i32
        %dma_wait3A_107 = tpu.memref_slice %arg9[%dma_wait3A_104, %dma_wait3A_105, %dma_wait3A_106] : memref<2x96x128xf32, #tpu.memory_space<vmem>> -> memref<1x96x128xf32, #tpu.memory_space<vmem>>
        %dma_wait3A_108 = tpu.memref_squeeze %dma_wait3A_107 : memref<1x96x128xf32, #tpu.memory_space<vmem>> -> memref<96x128xf32, #tpu.memory_space<vmem>>
        %dma_wait3A_109 = arith.constant 0 : i32
        %dma_wait3A_110 = arith.constant 0 : i32
        %dma_wait3A_111 = tpu.memref_slice %arg4[%dma_wait3A_109, %dma_wait3A_110] : memref<100000x128xf32, #tpu.memory_space<hbm>> -> memref<96x128xf32, #tpu.memory_space<hbm>>
        %dma_wait3A_112 = arith.constant 0 : i32
        %dma_wait3A_113 = arith.constant 0 : i32
        %dma_wait3A_114 = tpu.memref_slice %arg4[%dma_wait3A_112, %dma_wait3A_113] : memref<100000x128xf32, #tpu.memory_space<hbm>> -> memref<96x128xf32, #tpu.memory_space<hbm>>
        %dma_wait3A_115 = arith.constant 0 : i32
        %dma_wait3A_116 = arith.constant 0 : i32
        %dma_wait3A_117 = tpu.memref_slice %arg9[%dma_wait3A_104, %dma_wait3A_115, %dma_wait3A_116] : memref<2x96x128xf32, #tpu.memory_space<vmem>> -> memref<1x96x128xf32, #tpu.memory_space<vmem>>
        %dma_wait3A_118 = tpu.memref_squeeze %dma_wait3A_117 : memref<1x96x128xf32, #tpu.memory_space<vmem>> -> memref<96x128xf32, #tpu.memory_space<vmem>>
        tpu.wait_dma2 semaphore(%arg10 : memref<!tpu.dma_semaphore, #tpu.memory_space<semaphore_mem>>) src(%dma_wait3A_118 : memref<96x128xf32, #tpu.memory_space<vmem>>) dst(%dma_wait3A_114 : memref<96x128xf32, #tpu.memory_space<hbm>>)
        %mul3A_119 = arith.constant 2 : i32
        %mul3A_120 = arith.muli %mul3A_119, %add3A_103 : i32
        %mul3A_121 = arith.constant 31 : i32
        %mul3A_122 = arith.muli %mul3A_121, %mul3A_120 : i32
        %add3A_123 = arith.addi %sub3A_7, %mul3A_122 : i32
        %rem3A_124 = arith.constant 1041 : i32
        %rem3A_125 = arith.remsi %add3A_123, %rem3A_124 : i32
        %mul3A_126 = arith.constant 96 : i32
        %mul3A_127 = arith.muli %rem3A_125, %mul3A_126 : i32
        %run_scoped3A_128 = arith.constant 0 : i32
        "tpu.region"() ({
          %run_scoped3A_206 = tpu.sem_alloc : memref<!tpu.dma_semaphore, #tpu.memory_space<semaphore_mem>>
          %dma_start3A_207 = arith.constant 0 : i32
          %dma_start3A_208 = arith.constant 0 : i32
          %dma_start3A_209 = tpu.memref_slice %arg9[%run_scoped3A_128, %dma_start3A_207, %dma_start3A_208] : memref<2x96x128xf32, #tpu.memory_space<vmem>> -> memref<1x96x128xf32, #tpu.memory_space<vmem>>
          %dma_start3A_210 = tpu.memref_squeeze %dma_start3A_209 : memref<1x96x128xf32, #tpu.memory_space<vmem>> -> memref<96x128xf32, #tpu.memory_space<vmem>>
          %dma_start3A_211 = arith.constant 0 : i32
          %dma_start3A_212 = tpu.memref_slice %arg3[%mul3A_127, %dma_start3A_211] : memref<100000x128xf32, #tpu.memory_space<hbm>> -> memref<96x128xf32, #tpu.memory_space<hbm>>
          %dma_start3A_213 = arith.constant 0 : i32
          %dma_start3A_214 = arith.constant 0 : i32
          %dma_start3A_215 = tpu.memref_slice %arg9[%run_scoped3A_128, %dma_start3A_213, %dma_start3A_214] : memref<2x96x128xf32, #tpu.memory_space<vmem>> -> memref<1x96x128xf32, #tpu.memory_space<vmem>>
          %dma_start3A_216 = tpu.memref_squeeze %dma_start3A_215 : memref<1x96x128xf32, #tpu.memory_space<vmem>> -> memref<96x128xf32, #tpu.memory_space<vmem>>
          %dma_start3A_217 = arith.constant 0 : i32
          %dma_start3A_218 = tpu.memref_slice %arg3[%mul3A_127, %dma_start3A_217] : memref<100000x128xf32, #tpu.memory_space<hbm>> -> memref<96x128xf32, #tpu.memory_space<hbm>>
          tpu.enqueue_dma source(%dma_start3A_218 : memref<96x128xf32, #tpu.memory_space<hbm>>) target(%dma_start3A_216 : memref<96x128xf32, #tpu.memory_space<vmem>>) target_semaphore(%run_scoped3A_206 : memref<!tpu.dma_semaphore, #tpu.memory_space<semaphore_mem>>)
          %dma_wait3A_219 = arith.constant 0 : i32
          %dma_wait3A_220 = arith.constant 0 : i32
          %dma_wait3A_221 = tpu.memref_slice %arg9[%run_scoped3A_128, %dma_wait3A_219, %dma_wait3A_220] : memref<2x96x128xf32, #tpu.memory_space<vmem>> -> memref<1x96x128xf32, #tpu.memory_space<vmem>>
          %dma_wait3A_222 = tpu.memref_squeeze %dma_wait3A_221 : memref<1x96x128xf32, #tpu.memory_space<vmem>> -> memref<96x128xf32, #tpu.memory_space<vmem>>
          %dma_wait3A_223 = arith.constant 0 : i32
          %dma_wait3A_224 = tpu.memref_slice %arg3[%mul3A_127, %dma_wait3A_223] : memref<100000x128xf32, #tpu.memory_space<hbm>> -> memref<96x128xf32, #tpu.memory_space<hbm>>
          %dma_wait3A_225 = arith.constant 0 : i32
          %dma_wait3A_226 = arith.constant 0 : i32
          %dma_wait3A_227 = tpu.memref_slice %arg9[%run_scoped3A_128, %dma_wait3A_225, %dma_wait3A_226] : memref<2x96x128xf32, #tpu.memory_space<vmem>> -> memref<1x96x128xf32, #tpu.memory_space<vmem>>
          %dma_wait3A_228 = tpu.memref_squeeze %dma_wait3A_227 : memref<1x96x128xf32, #tpu.memory_space<vmem>> -> memref<96x128xf32, #tpu.memory_space<vmem>>
          %dma_wait3A_229 = arith.constant 0 : i32
          %dma_wait3A_230 = tpu.memref_slice %arg3[%mul3A_127, %dma_wait3A_229] : memref<100000x128xf32, #tpu.memory_space<hbm>> -> memref<96x128xf32, #tpu.memory_space<hbm>>
          tpu.wait_dma2 semaphore(%run_scoped3A_206 : memref<!tpu.dma_semaphore, #tpu.memory_space<semaphore_mem>>) src(%dma_wait3A_230 : memref<96x128xf32, #tpu.memory_space<hbm>>) dst(%dma_wait3A_228 : memref<96x128xf32, #tpu.memory_space<vmem>>)
          tpu.yield
        }) : () -> ()
        %mul3A_129 = arith.constant 2 : i32
        %mul3A_130 = arith.muli %mul3A_129, %add3A_103 : i32
        %mul3A_131 = arith.constant 31 : i32
        %mul3A_132 = arith.muli %mul3A_131, %mul3A_130 : i32
        %add3A_133 = arith.addi %sub3A_7, %mul3A_132 : i32
        %rem3A_134 = arith.constant 1041 : i32
        %rem3A_135 = arith.remsi %add3A_133, %rem3A_134 : i32
        %mul3A_136 = arith.constant 96 : i32
        %mul3A_137 = arith.muli %rem3A_135, %mul3A_136 : i32
        %mul3A_138 = arith.constant 96 : i32
        %mul3A_139 = arith.muli %rem3A_135, %mul3A_138 : i32
        %dma_start3A_140 = arith.constant 0 : i32
        %dma_start3A_141 = arith.constant 0 : i32
        %dma_start3A_142 = arith.constant 0 : i32
        %dma_start3A_143 = tpu.memref_slice %arg9[%dma_start3A_140, %dma_start3A_141, %dma_start3A_142] : memref<2x96x128xf32, #tpu.memory_space<vmem>> -> memref<1x96x128xf32, #tpu.memory_space<vmem>>
        %dma_start3A_144 = tpu.memref_squeeze %dma_start3A_143 : memref<1x96x128xf32, #tpu.memory_space<vmem>> -> memref<96x128xf32, #tpu.memory_space<vmem>>
        %dma_start3A_145 = arith.constant 0 : i32
        %dma_start3A_146 = tpu.memref_slice %arg4[%mul3A_139, %dma_start3A_145] : memref<100000x128xf32, #tpu.memory_space<hbm>> -> memref<96x128xf32, #tpu.memory_space<hbm>>
        %dma_start3A_147 = arith.constant 0 : i32
        %dma_start3A_148 = tpu.memref_slice %arg4[%mul3A_139, %dma_start3A_147] : memref<100000x128xf32, #tpu.memory_space<hbm>> -> memref<96x128xf32, #tpu.memory_space<hbm>>
        %dma_start3A_149 = arith.constant 0 : i32
        %dma_start3A_150 = arith.constant 0 : i32
        %dma_start3A_151 = tpu.memref_slice %arg9[%dma_start3A_140, %dma_start3A_149, %dma_start3A_150] : memref<2x96x128xf32, #tpu.memory_space<vmem>> -> memref<1x96x128xf32, #tpu.memory_space<vmem>>
        %dma_start3A_152 = tpu.memref_squeeze %dma_start3A_151 : memref<1x96x128xf32, #tpu.memory_space<vmem>> -> memref<96x128xf32, #tpu.memory_space<vmem>>
        tpu.enqueue_dma source(%dma_start3A_152 : memref<96x128xf32, #tpu.memory_space<vmem>>) target(%dma_start3A_148 : memref<96x128xf32, #tpu.memory_space<hbm>>) target_semaphore(%arg10 : memref<!tpu.dma_semaphore, #tpu.memory_space<semaphore_mem>>)
        %dma_wait3A_153 = arith.constant 1 : i32
        %dma_wait3A_154 = arith.constant 0 : i32
        %dma_wait3A_155 = arith.constant 0 : i32
        %dma_wait3A_156 = tpu.memref_slice %arg9[%dma_wait3A_153, %dma_wait3A_154, %dma_wait3A_155] : memref<2x96x128xf32, #tpu.memory_space<vmem>> -> memref<1x96x128xf32, #tpu.memory_space<vmem>>
        %dma_wait3A_157 = tpu.memref_squeeze %dma_wait3A_156 : memref<1x96x128xf32, #tpu.memory_space<vmem>> -> memref<96x128xf32, #tpu.memory_space<vmem>>
        %dma_wait3A_158 = arith.constant 0 : i32
        %dma_wait3A_159 = arith.constant 0 : i32
        %dma_wait3A_160 = tpu.memref_slice %arg4[%dma_wait3A_158, %dma_wait3A_159] : memref<100000x128xf32, #tpu.memory_space<hbm>> -> memref<96x128xf32, #tpu.memory_space<hbm>>
        %dma_wait3A_161 = arith.constant 0 : i32
        %dma_wait3A_162 = arith.constant 0 : i32
        %dma_wait3A_163 = tpu.memref_slice %arg4[%dma_wait3A_161, %dma_wait3A_162] : memref<100000x128xf32, #tpu.memory_space<hbm>> -> memref<96x128xf32, #tpu.memory_space<hbm>>
        %dma_wait3A_164 = arith.constant 0 : i32
        %dma_wait3A_165 = arith.constant 0 : i32
        %dma_wait3A_166 = tpu.memref_slice %arg9[%dma_wait3A_153, %dma_wait3A_164, %dma_wait3A_165] : memref<2x96x128xf32, #tpu.memory_space<vmem>> -> memref<1x96x128xf32, #tpu.memory_space<vmem>>
        %dma_wait3A_167 = tpu.memref_squeeze %dma_wait3A_166 : memref<1x96x128xf32, #tpu.memory_space<vmem>> -> memref<96x128xf32, #tpu.memory_space<vmem>>
        tpu.wait_dma2 semaphore(%arg11 : memref<!tpu.dma_semaphore, #tpu.memory_space<semaphore_mem>>) src(%dma_wait3A_167 : memref<96x128xf32, #tpu.memory_space<vmem>>) dst(%dma_wait3A_163 : memref<96x128xf32, #tpu.memory_space<hbm>>)
        %mul3A_168 = arith.constant 2 : i32
        %mul3A_169 = arith.muli %mul3A_168, %add3A_103 : i32
        %add3A_170 = arith.constant 1 : i32
        %add3A_171 = arith.addi %mul3A_169, %add3A_170 : i32
        %mul3A_172 = arith.constant 31 : i32
        %mul3A_173 = arith.muli %mul3A_172, %add3A_171 : i32
        %add3A_174 = arith.addi %sub3A_7, %mul3A_173 : i32
        %rem3A_175 = arith.constant 1041 : i32
        %rem3A_176 = arith.remsi %add3A_174, %rem3A_175 : i32
        %mul3A_177 = arith.constant 96 : i32
        %mul3A_178 = arith.muli %rem3A_176, %mul3A_177 : i32
        %run_scoped3A_179 = arith.constant 1 : i32
        "tpu.region"() ({
          %run_scoped3A_206 = tpu.sem_alloc : memref<!tpu.dma_semaphore, #tpu.memory_space<semaphore_mem>>
          %dma_start3A_207 = arith.constant 0 : i32
          %dma_start3A_208 = arith.constant 0 : i32
          %dma_start3A_209 = tpu.memref_slice %arg9[%run_scoped3A_179, %dma_start3A_207, %dma_start3A_208] : memref<2x96x128xf32, #tpu.memory_space<vmem>> -> memref<1x96x128xf32, #tpu.memory_space<vmem>>
          %dma_start3A_210 = tpu.memref_squeeze %dma_start3A_209 : memref<1x96x128xf32, #tpu.memory_space<vmem>> -> memref<96x128xf32, #tpu.memory_space<vmem>>
          %dma_start3A_211 = arith.constant 0 : i32
          %dma_start3A_212 = tpu.memref_slice %arg3[%mul3A_178, %dma_start3A_211] : memref<100000x128xf32, #tpu.memory_space<hbm>> -> memref<96x128xf32, #tpu.memory_space<hbm>>
          %dma_start3A_213 = arith.constant 0 : i32
          %dma_start3A_214 = arith.constant 0 : i32
          %dma_start3A_215 = tpu.memref_slice %arg9[%run_scoped3A_179, %dma_start3A_213, %dma_start3A_214] : memref<2x96x128xf32, #tpu.memory_space<vmem>> -> memref<1x96x128xf32, #tpu.memory_space<vmem>>
          %dma_start3A_216 = tpu.memref_squeeze %dma_start3A_215 : memref<1x96x128xf32, #tpu.memory_space<vmem>> -> memref<96x128xf32, #tpu.memory_space<vmem>>
          %dma_start3A_217 = arith.constant 0 : i32
          %dma_start3A_218 = tpu.memref_slice %arg3[%mul3A_178, %dma_start3A_217] : memref<100000x128xf32, #tpu.memory_space<hbm>> -> memref<96x128xf32, #tpu.memory_space<hbm>>
          tpu.enqueue_dma source(%dma_start3A_218 : memref<96x128xf32, #tpu.memory_space<hbm>>) target(%dma_start3A_216 : memref<96x128xf32, #tpu.memory_space<vmem>>) target_semaphore(%run_scoped3A_206 : memref<!tpu.dma_semaphore, #tpu.memory_space<semaphore_mem>>)
          %dma_wait3A_219 = arith.constant 0 : i32
          %dma_wait3A_220 = arith.constant 0 : i32
          %dma_wait3A_221 = tpu.memref_slice %arg9[%run_scoped3A_179, %dma_wait3A_219, %dma_wait3A_220] : memref<2x96x128xf32, #tpu.memory_space<vmem>> -> memref<1x96x128xf32, #tpu.memory_space<vmem>>
          %dma_wait3A_222 = tpu.memref_squeeze %dma_wait3A_221 : memref<1x96x128xf32, #tpu.memory_space<vmem>> -> memref<96x128xf32, #tpu.memory_space<vmem>>
          %dma_wait3A_223 = arith.constant 0 : i32
          %dma_wait3A_224 = tpu.memref_slice %arg3[%mul3A_178, %dma_wait3A_223] : memref<100000x128xf32, #tpu.memory_space<hbm>> -> memref<96x128xf32, #tpu.memory_space<hbm>>
          %dma_wait3A_225 = arith.constant 0 : i32
          %dma_wait3A_226 = arith.constant 0 : i32
          %dma_wait3A_227 = tpu.memref_slice %arg9[%run_scoped3A_179, %dma_wait3A_225, %dma_wait3A_226] : memref<2x96x128xf32, #tpu.memory_space<vmem>> -> memref<1x96x128xf32, #tpu.memory_space<vmem>>
          %dma_wait3A_228 = tpu.memref_squeeze %dma_wait3A_227 : memref<1x96x128xf32, #tpu.memory_space<vmem>> -> memref<96x128xf32, #tpu.memory_space<vmem>>
          %dma_wait3A_229 = arith.constant 0 : i32
          %dma_wait3A_230 = tpu.memref_slice %arg3[%mul3A_178, %dma_wait3A_229] : memref<100000x128xf32, #tpu.memory_space<hbm>> -> memref<96x128xf32, #tpu.memory_space<hbm>>
          tpu.wait_dma2 semaphore(%run_scoped3A_206 : memref<!tpu.dma_semaphore, #tpu.memory_space<semaphore_mem>>) src(%dma_wait3A_230 : memref<96x128xf32, #tpu.memory_space<hbm>>) dst(%dma_wait3A_228 : memref<96x128xf32, #tpu.memory_space<vmem>>)
          tpu.yield
        }) : () -> ()
        %mul3A_180 = arith.constant 2 : i32
        %mul3A_181 = arith.muli %mul3A_180, %add3A_103 : i32
        %add3A_182 = arith.constant 1 : i32
        %add3A_183 = arith.addi %mul3A_181, %add3A_182 : i32
        %mul3A_184 = arith.constant 31 : i32
        %mul3A_185 = arith.muli %mul3A_184, %add3A_183 : i32
        %add3A_186 = arith.addi %sub3A_7, %mul3A_185 : i32
        %rem3A_187 = arith.constant 1041 : i32
        %rem3A_188 = arith.remsi %add3A_186, %rem3A_187 : i32
        %mul3A_189 = arith.constant 96 : i32
        %mul3A_190 = arith.muli %rem3A_188, %mul3A_189 : i32
        %mul3A_191 = arith.constant 96 : i32
        %mul3A_192 = arith.muli %rem3A_188, %mul3A_191 : i32
        %dma_start3A_193 = arith.constant 1 : i32
        %dma_start3A_194 = arith.constant 0 : i32
        %dma_start3A_195 = arith.constant 0 : i32
        %dma_start3A_196 = tpu.memref_slice %arg9[%dma_start3A_193, %dma_start3A_194, %dma_start3A_195] : memref<2x96x128xf32, #tpu.memory_space<vmem>> -> memref<1x96x128xf32, #tpu.memory_space<vmem>>
        %dma_start3A_197 = tpu.memref_squeeze %dma_start3A_196 : memref<1x96x128xf32, #tpu.memory_space<vmem>> -> memref<96x128xf32, #tpu.memory_space<vmem>>
        %dma_start3A_198 = arith.constant 0 : i32
        %dma_start3A_199 = tpu.memref_slice %arg4[%mul3A_192, %dma_start3A_198] : memref<100000x128xf32, #tpu.memory_space<hbm>> -> memref<96x128xf32, #tpu.memory_space<hbm>>
        %dma_start3A_200 = arith.constant 0 : i32
        %dma_start3A_201 = tpu.memref_slice %arg4[%mul3A_192, %dma_start3A_200] : memref<100000x128xf32, #tpu.memory_space<hbm>> -> memref<96x128xf32, #tpu.memory_space<hbm>>
        %dma_start3A_202 = arith.constant 0 : i32
        %dma_start3A_203 = arith.constant 0 : i32
        %dma_start3A_204 = tpu.memref_slice %arg9[%dma_start3A_193, %dma_start3A_202, %dma_start3A_203] : memref<2x96x128xf32, #tpu.memory_space<vmem>> -> memref<1x96x128xf32, #tpu.memory_space<vmem>>
        %dma_start3A_205 = tpu.memref_squeeze %dma_start3A_204 : memref<1x96x128xf32, #tpu.memory_space<vmem>> -> memref<96x128xf32, #tpu.memory_space<vmem>>
        tpu.enqueue_dma source(%dma_start3A_205 : memref<96x128xf32, #tpu.memory_space<vmem>>) target(%dma_start3A_201 : memref<96x128xf32, #tpu.memory_space<hbm>>) target_semaphore(%arg11 : memref<!tpu.dma_semaphore, #tpu.memory_space<semaphore_mem>>)
      }
      %scan3A_64 = arith.constant 16 : i32
      %dma_wait3A = arith.constant 0 : i32
      %dma_wait3A_65 = arith.constant 0 : i32
      %dma_wait3A_66 = arith.constant 0 : i32
      %dma_wait3A_67 = tpu.memref_slice %arg9[%dma_wait3A, %dma_wait3A_65, %dma_wait3A_66] : memref<2x96x128xf32, #tpu.memory_space<vmem>> -> memref<1x96x128xf32, #tpu.memory_space<vmem>>
      %dma_wait3A_68 = tpu.memref_squeeze %dma_wait3A_67 : memref<1x96x128xf32, #tpu.memory_space<vmem>> -> memref<96x128xf32, #tpu.memory_space<vmem>>
      %dma_wait3A_69 = arith.constant 0 : i32
      %dma_wait3A_70 = arith.constant 0 : i32
      %dma_wait3A_71 = tpu.memref_slice %arg4[%dma_wait3A_69, %dma_wait3A_70] : memref<100000x128xf32, #tpu.memory_space<hbm>> -> memref<96x128xf32, #tpu.memory_space<hbm>>
      %dma_wait3A_72 = arith.constant 0 : i32
      %dma_wait3A_73 = arith.constant 0 : i32
      %dma_wait3A_74 = tpu.memref_slice %arg4[%dma_wait3A_72, %dma_wait3A_73] : memref<100000x128xf32, #tpu.memory_space<hbm>> -> memref<96x128xf32, #tpu.memory_space<hbm>>
      %dma_wait3A_75 = arith.constant 0 : i32
      %dma_wait3A_76 = arith.constant 0 : i32
      %dma_wait3A_77 = tpu.memref_slice %arg9[%dma_wait3A, %dma_wait3A_75, %dma_wait3A_76] : memref<2x96x128xf32, #tpu.memory_space<vmem>> -> memref<1x96x128xf32, #tpu.memory_space<vmem>>
      %dma_wait3A_78 = tpu.memref_squeeze %dma_wait3A_77 : memref<1x96x128xf32, #tpu.memory_space<vmem>> -> memref<96x128xf32, #tpu.memory_space<vmem>>
      tpu.wait_dma2 semaphore(%arg10 : memref<!tpu.dma_semaphore, #tpu.memory_space<semaphore_mem>>) src(%dma_wait3A_78 : memref<96x128xf32, #tpu.memory_space<vmem>>) dst(%dma_wait3A_74 : memref<96x128xf32, #tpu.memory_space<hbm>>)
      %dma_wait3A_79 = arith.constant 1 : i32
      %dma_wait3A_80 = arith.constant 0 : i32
      %dma_wait3A_81 = arith.constant 0 : i32
      %dma_wait3A_82 = tpu.memref_slice %arg9[%dma_wait3A_79, %dma_wait3A_80, %dma_wait3A_81] : memref<2x96x128xf32, #tpu.memory_space<vmem>> -> memref<1x96x128xf32, #tpu.memory_space<vmem>>
      %dma_wait3A_83 = tpu.memref_squeeze %dma_wait3A_82 : memref<1x96x128xf32, #tpu.memory_space<vmem>> -> memref<96x128xf32, #tpu.memory_space<vmem>>
      %dma_wait3A_84 = arith.constant 0 : i32
      %dma_wait3A_85 = arith.constant 0 : i32
      %dma_wait3A_86 = tpu.memref_slice %arg4[%dma_wait3A_84, %dma_wait3A_85] : memref<100000x128xf32, #tpu.memory_space<hbm>> -> memref<96x128xf32, #tpu.memory_space<hbm>>
      %dma_wait3A_87 = arith.constant 0 : i32
      %dma_wait3A_88 = arith.constant 0 : i32
      %dma_wait3A_89 = tpu.memref_slice %arg4[%dma_wait3A_87, %dma_wait3A_88] : memref<100000x128xf32, #tpu.memory_space<hbm>> -> memref<96x128xf32, #tpu.memory_space<hbm>>
      %dma_wait3A_90 = arith.constant 0 : i32
      %dma_wait3A_91 = arith.constant 0 : i32
      %dma_wait3A_92 = tpu.memref_slice %arg9[%dma_wait3A_79, %dma_wait3A_90, %dma_wait3A_91] : memref<2x96x128xf32, #tpu.memory_space<vmem>> -> memref<1x96x128xf32, #tpu.memory_space<vmem>>
      %dma_wait3A_93 = tpu.memref_squeeze %dma_wait3A_92 : memref<1x96x128xf32, #tpu.memory_space<vmem>> -> memref<96x128xf32, #tpu.memory_space<vmem>>
      tpu.wait_dma2 semaphore(%arg11 : memref<!tpu.dma_semaphore, #tpu.memory_space<semaphore_mem>>) src(%dma_wait3A_93 : memref<96x128xf32, #tpu.memory_space<vmem>>) dst(%dma_wait3A_89 : memref<96x128xf32, #tpu.memory_space<hbm>>)
      %eq3A_94 = arith.constant 0 : i32
      %eq3A_95 = arith.cmpi eq, %sub3A_7, %eq3A_94 : i32
      %convert_element_type3A_96 = arith.extui %eq3A_95 : i1 to i32
      %cond3A_97 = arith.constant 0 : i32
      %cond3A_98 = arith.cmpi ne, %convert_element_type3A_96, %cond3A_97 : i32
      scf.if %cond3A_98 {
        %run_scoped3A_99 = arith.constant 0 : i32
        "tpu.region"() ({
          %run_scoped3A_101 = tpu.sem_alloc : memref<!tpu.dma_semaphore, #tpu.memory_space<semaphore_mem>>
          %dma_start3A_102 = arith.constant 0 : i32
          %dma_start3A_103 = arith.constant 0 : i32
          %dma_start3A_104 = tpu.memref_slice %arg9[%run_scoped3A_99, %dma_start3A_102, %dma_start3A_103] : memref<2x96x128xf32, #tpu.memory_space<vmem>> -> memref<1x96x128xf32, #tpu.memory_space<vmem>>
          %dma_start3A_105 = tpu.memref_squeeze %dma_start3A_104 : memref<1x96x128xf32, #tpu.memory_space<vmem>> -> memref<96x128xf32, #tpu.memory_space<vmem>>
          %dma_start3A_106 = arith.constant 0 : i32
          %dma_start3A_107 = arith.constant 0 : i32
          %dma_start3A_108 = tpu.memref_slice %dma_start3A_105[%dma_start3A_106, %dma_start3A_107] : memref<96x128xf32, #tpu.memory_space<vmem>> -> memref<64x128xf32, #tpu.memory_space<vmem>>
          %dma_start3A_109 = arith.constant 99936 : i32
          %dma_start3A_110 = arith.constant 0 : i32
          %dma_start3A_111 = tpu.memref_slice %arg3[%dma_start3A_109, %dma_start3A_110] : memref<100000x128xf32, #tpu.memory_space<hbm>> -> memref<64x128xf32, #tpu.memory_space<hbm>>
          %dma_start3A_112 = arith.constant 0 : i32
          %dma_start3A_113 = arith.constant 0 : i32
          %dma_start3A_114 = tpu.memref_slice %arg9[%run_scoped3A_99, %dma_start3A_112, %dma_start3A_113] : memref<2x96x128xf32, #tpu.memory_space<vmem>> -> memref<1x96x128xf32, #tpu.memory_space<vmem>>
          %dma_start3A_115 = tpu.memref_squeeze %dma_start3A_114 : memref<1x96x128xf32, #tpu.memory_space<vmem>> -> memref<96x128xf32, #tpu.memory_space<vmem>>
          %dma_start3A_116 = arith.constant 0 : i32
          %dma_start3A_117 = arith.constant 0 : i32
          %dma_start3A_118 = tpu.memref_slice %dma_start3A_115[%dma_start3A_116, %dma_start3A_117] : memref<96x128xf32, #tpu.memory_space<vmem>> -> memref<64x128xf32, #tpu.memory_space<vmem>>
          %dma_start3A_119 = arith.constant 99936 : i32
          %dma_start3A_120 = arith.constant 0 : i32
          %dma_start3A_121 = tpu.memref_slice %arg3[%dma_start3A_119, %dma_start3A_120] : memref<100000x128xf32, #tpu.memory_space<hbm>> -> memref<64x128xf32, #tpu.memory_space<hbm>>
          tpu.enqueue_dma source(%dma_start3A_121 : memref<64x128xf32, #tpu.memory_space<hbm>>) target(%dma_start3A_118 : memref<64x128xf32, #tpu.memory_space<vmem>>) target_semaphore(%run_scoped3A_101 : memref<!tpu.dma_semaphore, #tpu.memory_space<semaphore_mem>>)
          %dma_wait3A_122 = arith.constant 0 : i32
          %dma_wait3A_123 = arith.constant 0 : i32
          %dma_wait3A_124 = tpu.memref_slice %arg9[%run_scoped3A_99, %dma_wait3A_122, %dma_wait3A_123] : memref<2x96x128xf32, #tpu.memory_space<vmem>> -> memref<1x96x128xf32, #tpu.memory_space<vmem>>
          %dma_wait3A_125 = tpu.memref_squeeze %dma_wait3A_124 : memref<1x96x128xf32, #tpu.memory_space<vmem>> -> memref<96x128xf32, #tpu.memory_space<vmem>>
          %dma_wait3A_126 = arith.constant 0 : i32
          %dma_wait3A_127 = arith.constant 0 : i32
          %dma_wait3A_128 = tpu.memref_slice %dma_wait3A_125[%dma_wait3A_126, %dma_wait3A_127] : memref<96x128xf32, #tpu.memory_space<vmem>> -> memref<64x128xf32, #tpu.memory_space<vmem>>
          %dma_wait3A_129 = arith.constant 99936 : i32
          %dma_wait3A_130 = arith.constant 0 : i32
          %dma_wait3A_131 = tpu.memref_slice %arg3[%dma_wait3A_129, %dma_wait3A_130] : memref<100000x128xf32, #tpu.memory_space<hbm>> -> memref<64x128xf32, #tpu.memory_space<hbm>>
          %dma_wait3A_132 = arith.constant 0 : i32
          %dma_wait3A_133 = arith.constant 0 : i32
          %dma_wait3A_134 = tpu.memref_slice %arg9[%run_scoped3A_99, %dma_wait3A_132, %dma_wait3A_133] : memref<2x96x128xf32, #tpu.memory_space<vmem>> -> memref<1x96x128xf32, #tpu.memory_space<vmem>>
          %dma_wait3A_135 = tpu.memref_squeeze %dma_wait3A_134 : memref<1x96x128xf32, #tpu.memory_space<vmem>> -> memref<96x128xf32, #tpu.memory_space<vmem>>
          %dma_wait3A_136 = arith.constant 0 : i32
          %dma_wait3A_137 = arith.constant 0 : i32
          %dma_wait3A_138 = tpu.memref_slice %dma_wait3A_135[%dma_wait3A_136, %dma_wait3A_137] : memref<96x128xf32, #tpu.memory_space<vmem>> -> memref<64x128xf32, #tpu.memory_space<vmem>>
          %dma_wait3A_139 = arith.constant 99936 : i32
          %dma_wait3A_140 = arith.constant 0 : i32
          %dma_wait3A_141 = tpu.memref_slice %arg3[%dma_wait3A_139, %dma_wait3A_140] : memref<100000x128xf32, #tpu.memory_space<hbm>> -> memref<64x128xf32, #tpu.memory_space<hbm>>
          tpu.wait_dma2 semaphore(%run_scoped3A_101 : memref<!tpu.dma_semaphore, #tpu.memory_space<semaphore_mem>>) src(%dma_wait3A_141 : memref<64x128xf32, #tpu.memory_space<hbm>>) dst(%dma_wait3A_138 : memref<64x128xf32, #tpu.memory_space<vmem>>)
          tpu.yield
        }) : () -> ()
        %run_scoped3A_100 = arith.constant 0 : i32
        "tpu.region"() ({
          %run_scoped3A_101 = tpu.sem_alloc : memref<!tpu.dma_semaphore, #tpu.memory_space<semaphore_mem>>
          %dma_start3A_102 = arith.constant 0 : i32
          %dma_start3A_103 = arith.constant 0 : i32
          %dma_start3A_104 = tpu.memref_slice %arg9[%run_scoped3A_100, %dma_start3A_102, %dma_start3A_103] : memref<2x96x128xf32, #tpu.memory_space<vmem>> -> memref<1x96x128xf32, #tpu.memory_space<vmem>>
          %dma_start3A_105 = tpu.memref_squeeze %dma_start3A_104 : memref<1x96x128xf32, #tpu.memory_space<vmem>> -> memref<96x128xf32, #tpu.memory_space<vmem>>
          %dma_start3A_106 = arith.constant 0 : i32
          %dma_start3A_107 = arith.constant 0 : i32
          %dma_start3A_108 = tpu.memref_slice %dma_start3A_105[%dma_start3A_106, %dma_start3A_107] : memref<96x128xf32, #tpu.memory_space<vmem>> -> memref<64x128xf32, #tpu.memory_space<vmem>>
          %dma_start3A_109 = arith.constant 99936 : i32
          %dma_start3A_110 = arith.constant 0 : i32
          %dma_start3A_111 = tpu.memref_slice %arg4[%dma_start3A_109, %dma_start3A_110] : memref<100000x128xf32, #tpu.memory_space<hbm>> -> memref<64x128xf32, #tpu.memory_space<hbm>>
          %dma_start3A_112 = arith.constant 99936 : i32
          %dma_start3A_113 = arith.constant 0 : i32
          %dma_start3A_114 = tpu.memref_slice %arg4[%dma_start3A_112, %dma_start3A_113] : memref<100000x128xf32, #tpu.memory_space<hbm>> -> memref<64x128xf32, #tpu.memory_space<hbm>>
          %dma_start3A_115 = arith.constant 0 : i32
          %dma_start3A_116 = arith.constant 0 : i32
          %dma_start3A_117 = tpu.memref_slice %arg9[%run_scoped3A_100, %dma_start3A_115, %dma_start3A_116] : memref<2x96x128xf32, #tpu.memory_space<vmem>> -> memref<1x96x128xf32, #tpu.memory_space<vmem>>
          %dma_start3A_118 = tpu.memref_squeeze %dma_start3A_117 : memref<1x96x128xf32, #tpu.memory_space<vmem>> -> memref<96x128xf32, #tpu.memory_space<vmem>>
          %dma_start3A_119 = arith.constant 0 : i32
          %dma_start3A_120 = arith.constant 0 : i32
          %dma_start3A_121 = tpu.memref_slice %dma_start3A_118[%dma_start3A_119, %dma_start3A_120] : memref<96x128xf32, #tpu.memory_space<vmem>> -> memref<64x128xf32, #tpu.memory_space<vmem>>
          tpu.enqueue_dma source(%dma_start3A_121 : memref<64x128xf32, #tpu.memory_space<vmem>>) target(%dma_start3A_114 : memref<64x128xf32, #tpu.memory_space<hbm>>) target_semaphore(%run_scoped3A_101 : memref<!tpu.dma_semaphore, #tpu.memory_space<semaphore_mem>>)
          %dma_wait3A_122 = arith.constant 0 : i32
          %dma_wait3A_123 = arith.constant 0 : i32
          %dma_wait3A_124 = tpu.memref_slice %arg9[%run_scoped3A_100, %dma_wait3A_122, %dma_wait3A_123] : memref<2x96x128xf32, #tpu.memory_space<vmem>> -> memref<1x96x128xf32, #tpu.memory_space<vmem>>
          %dma_wait3A_125 = tpu.memref_squeeze %dma_wait3A_124 : memref<1x96x128xf32, #tpu.memory_space<vmem>> -> memref<96x128xf32, #tpu.memory_space<vmem>>
          %dma_wait3A_126 = arith.constant 0 : i32
          %dma_wait3A_127 = arith.constant 0 : i32
          %dma_wait3A_128 = tpu.memref_slice %dma_wait3A_125[%dma_wait3A_126, %dma_wait3A_127] : memref<96x128xf32, #tpu.memory_space<vmem>> -> memref<64x128xf32, #tpu.memory_space<vmem>>
          %dma_wait3A_129 = arith.constant 99936 : i32
          %dma_wait3A_130 = arith.constant 0 : i32
          %dma_wait3A_131 = tpu.memref_slice %arg4[%dma_wait3A_129, %dma_wait3A_130] : memref<100000x128xf32, #tpu.memory_space<hbm>> -> memref<64x128xf32, #tpu.memory_space<hbm>>
          %dma_wait3A_132 = arith.constant 99936 : i32
          %dma_wait3A_133 = arith.constant 0 : i32
          %dma_wait3A_134 = tpu.memref_slice %arg4[%dma_wait3A_132, %dma_wait3A_133] : memref<100000x128xf32, #tpu.memory_space<hbm>> -> memref<64x128xf32, #tpu.memory_space<hbm>>
          %dma_wait3A_135 = arith.constant 0 : i32
          %dma_wait3A_136 = arith.constant 0 : i32
          %dma_wait3A_137 = tpu.memref_slice %arg9[%run_scoped3A_100, %dma_wait3A_135, %dma_wait3A_136] : memref<2x96x128xf32, #tpu.memory_space<vmem>> -> memref<1x96x128xf32, #tpu.memory_space<vmem>>
          %dma_wait3A_138 = tpu.memref_squeeze %dma_wait3A_137 : memref<1x96x128xf32, #tpu.memory_space<vmem>> -> memref<96x128xf32, #tpu.memory_space<vmem>>
          %dma_wait3A_139 = arith.constant 0 : i32
          %dma_wait3A_140 = arith.constant 0 : i32
          %dma_wait3A_141 = tpu.memref_slice %dma_wait3A_138[%dma_wait3A_139, %dma_wait3A_140] : memref<96x128xf32, #tpu.memory_space<vmem>> -> memref<64x128xf32, #tpu.memory_space<vmem>>
          tpu.wait_dma2 semaphore(%run_scoped3A_101 : memref<!tpu.dma_semaphore, #tpu.memory_space<semaphore_mem>>) src(%dma_wait3A_141 : memref<64x128xf32, #tpu.memory_space<vmem>>) dst(%dma_wait3A_134 : memref<64x128xf32, #tpu.memory_space<hbm>>)
          tpu.yield
        }) : () -> ()
      } else {
      }
    } else {
    }
    %eq3A = arith.constant 0 : i32
    %eq3A_3 = arith.cmpi eq, %add3A, %eq3A : i32
    %convert_element_type3A_4 = arith.extui %eq3A_3 : i1 to i32
    %cond3A_5 = arith.constant 0 : i32
    %cond3A_6 = arith.cmpi ne, %convert_element_type3A_4, %cond3A_5 : i32
    scf.if %cond3A_6 {
      %iota3A = tpu.iota {dimensions = array<i32: 0>} : vector<16xi32>
      %add3A_7 = arith.constant 1 : i32
      %add3A_8 = vector.broadcast %add3A_7 : i32 to vector<16xi32>
      %add3A_9 = arith.addi %iota3A, %add3A_8 : vector<16xi32>
      %min3A = arith.constant 15 : i32
      %min3A_10 = vector.broadcast %min3A : i32 to vector<16xi32>
      %min3A_11 = arith.minsi %add3A_9, %min3A_10 : vector<16xi32>
      %scan3A = arith.constant 0 : i32
      %scan3A_12 = arith.constant 8 : i32
      %scan3A_13 = arith.addi %scan3A, %scan3A_12 : i32
      %scan3A_14 = arith.constant 1 : i32
      scf.for %scan3A_16 = %scan3A to %scan3A_13 step %scan3A_14  : i32 {
        %mul3A_17 = arith.constant 1 : i32
        %mul3A_18 = arith.muli %scan3A_16, %mul3A_17 : i32
        %add3A_19 = arith.constant 0 : i32
        %add3A_20 = arith.addi %add3A_19, %mul3A_18 : i32
        %mul3A_21 = arith.constant 2048 : i32
        %mul3A_22 = arith.muli %add3A_20, %mul3A_21 : i32
        "tpu.region"() ({
          %run_scoped3A = tpu.sem_alloc : memref<!tpu.dma_semaphore, #tpu.memory_space<semaphore_mem>>
          %dma_start3A = tpu.memref_slice %arg2[%mul3A_22] : memref<16384xi32, #tpu.memory_space<hbm>> -> memref<2048xi32, #tpu.memory_space<hbm>>
          %dma_start3A_28 = tpu.memref_slice %arg2[%mul3A_22] : memref<16384xi32, #tpu.memory_space<hbm>> -> memref<2048xi32, #tpu.memory_space<hbm>>
          tpu.enqueue_dma source(%dma_start3A_28 : memref<2048xi32, #tpu.memory_space<hbm>>) target(%arg8 : memref<2048xi32, #tpu.memory_space<vmem>>) target_semaphore(%run_scoped3A : memref<!tpu.dma_semaphore, #tpu.memory_space<semaphore_mem>>)
          %dma_wait3A = tpu.memref_slice %arg2[%mul3A_22] : memref<16384xi32, #tpu.memory_space<hbm>> -> memref<2048xi32, #tpu.memory_space<hbm>>
          %dma_wait3A_29 = tpu.memref_slice %arg2[%mul3A_22] : memref<16384xi32, #tpu.memory_space<hbm>> -> memref<2048xi32, #tpu.memory_space<hbm>>
          tpu.wait_dma2 semaphore(%run_scoped3A : memref<!tpu.dma_semaphore, #tpu.memory_space<semaphore_mem>>) src(%dma_wait3A_29 : memref<2048xi32, #tpu.memory_space<hbm>>) dst(%arg8 : memref<2048xi32, #tpu.memory_space<vmem>>)
          tpu.yield
        }) : () -> ()
        %scan3A_23 = arith.constant 0 : i32
        %scan3A_24 = arith.constant 128 : i32
        %scan3A_25 = arith.addi %scan3A_23, %scan3A_24 : i32
        %scan3A_26 = arith.constant 8 : i32
        scf.for %scan3A_28 = %scan3A_23 to %scan3A_25 step %scan3A_26  : i32 {
          %mul3A_29 = arith.constant 1 : i32
          %mul3A_30 = arith.muli %scan3A_28, %mul3A_29 : i32
          %add3A_31 = arith.constant 0 : i32
          %add3A_32 = arith.addi %add3A_31, %mul3A_30 : i32
          %mul3A_33 = arith.constant 16 : i32
          %mul3A_34 = arith.muli %add3A_32, %mul3A_33 : i32
          %get3A = arith.index_cast %mul3A_34 : i32 to index
          %get3A_35 = tpu.vector_load %arg8[%get3A] {strides = array<i32>} : memref<2048xi32, #tpu.memory_space<vmem>>, vector<16xi32>,
          %mul3A_36 = arith.constant 2048 : i32
          %mul3A_37 = arith.muli %add3A_20, %mul3A_36 : i32
          %mul3A_38 = arith.constant 16 : i32
          %mul3A_39 = arith.muli %add3A_32, %mul3A_38 : i32
          %add3A_40 = arith.addi %mul3A_37, %mul3A_39 : i32
          %add3A_41 = vector.broadcast %add3A_40 : i32 to vector<16xi32>
          %add3A_42 = arith.addi %iota3A, %add3A_41 : vector<16xi32>
          %mul3A_43 = arith.constant 16384 : i32
          %mul3A_44 = vector.broadcast %mul3A_43 : i32 to vector<16xi32>
          %mul3A_45 = arith.muli %get3A_35, %mul3A_44 : vector<16xi32>
          %add3A_46 = arith.addi %mul3A_45, %add3A_42 : vector<16xi32>
          %masked_sort3A = arith.constant dense<true> : vector<16xi1>
          %masked_sort3A_47 = arith.constant -2147483648 : i32
          %masked_sort3A_48 = vector.broadcast %masked_sort3A_47 : i32 to vector<16xi32>
          %masked_sort3A_49 = arith.xori %add3A_46, %masked_sort3A_48 : vector<16xi32>
          %masked_sort3A_50, %masked_sort3A_51, %masked_sort3A_52 = tpu.sort %masked_sort3A_49, %add3A_42 masked %masked_sort3A : (vector<16xi32>, vector<16xi32>, vector<16xi1>) -> (vector<16xi1>, vector<16xi32>, vector<16xi32>)
          %masked_sort3A_53 = arith.xori %masked_sort3A_51, %masked_sort3A_48 : vector<16xi32>
          %shift_right_logical3A = arith.constant 14 : i32
          %shift_right_logical3A_54 = vector.broadcast %shift_right_logical3A : i32 to vector<16xi32>
          %shift_right_logical3A_55 = arith.shrui %masked_sort3A_53, %shift_right_logical3A_54 : vector<16xi32>
          %and3A = arith.constant 16383 : i32
          %and3A_56 = vector.broadcast %and3A : i32 to vector<16xi32>
          %and3A_57 = arith.andi %masked_sort3A_53, %and3A_56 : vector<16xi32>
          %broadcast_in_dim3A = vector.shape_cast %min3A_11 : vector<16xi32> to vector<16x1xi32>
          %gather3A = vector.shape_cast %broadcast_in_dim3A : vector<16x1xi32> to vector<16xi32>
          %gather3A_58 = tpu.dynamic_gather %shift_right_logical3A_55[%gather3A] in [0] : vector<16xi32>, vector<16xi32> -> vector<16xi32>
          %ne3A_59 = arith.cmpi ne, %shift_right_logical3A_55, %gather3A_58 : vector<16xi32>
          %eq3A_60 = arith.constant 15 : i32
          %eq3A_61 = vector.broadcast %eq3A_60 : i32 to vector<16xi32>
          %eq3A_62 = arith.cmpi eq, %iota3A, %eq3A_61 : vector<16xi32>
          %or3A = arith.ori %ne3A_59, %eq3A_62 : vector<16xi1>
          tpu.vector_store_idx %arg7[%shift_right_logical3A_55], %and3A_57 masked %or3A : memref<100000xi32, #tpu.memory_space<vmem>>[vector<16xi32>], vector<16xi32>, vector<16xi1>
          %scan3A_63 = arith.constant 1 : i32
          %scan3A_64 = arith.addi %scan3A_28, %scan3A_63 : i32
          %mul3A_65 = arith.constant 1 : i32
          %mul3A_66 = arith.muli %scan3A_64, %mul3A_65 : i32
          %add3A_67 = arith.constant 0 : i32
          %add3A_68 = arith.addi %add3A_67, %mul3A_66 : i32
          %mul3A_69 = arith.constant 16 : i32
          %mul3A_70 = arith.muli %add3A_68, %mul3A_69 : i32
          %get3A_71 = arith.index_cast %mul3A_70 : i32 to index
          %get3A_72 = tpu.vector_load %arg8[%get3A_71] {strides = array<i32>} : memref<2048xi32, #tpu.memory_space<vmem>>, vector<16xi32>,
          %mul3A_73 = arith.constant 2048 : i32
          %mul3A_74 = arith.muli %add3A_20, %mul3A_73 : i32
          %mul3A_75 = arith.constant 16 : i32
          %mul3A_76 = arith.muli %add3A_68, %mul3A_75 : i32
          %add3A_77 = arith.addi %mul3A_74, %mul3A_76 : i32
          %add3A_78 = vector.broadcast %add3A_77 : i32 to vector<16xi32>
          %add3A_79 = arith.addi %iota3A, %add3A_78 : vector<16xi32>
          %mul3A_80 = arith.constant 16384 : i32
          %mul3A_81 = vector.broadcast %mul3A_80 : i32 to vector<16xi32>
          %mul3A_82 = arith.muli %get3A_72, %mul3A_81 : vector<16xi32>
          %add3A_83 = arith.addi %mul3A_82, %add3A_79 : vector<16xi32>
          %masked_sort3A_84 = arith.constant dense<true> : vector<16xi1>
          %masked_sort3A_85 = arith.constant -2147483648 : i32
          %masked_sort3A_86 = vector.broadcast %masked_sort3A_85 : i32 to vector<16xi32>
          %masked_sort3A_87 = arith.xori %add3A_83, %masked_sort3A_86 : vector<16xi32>
          %masked_sort3A_88, %masked_sort3A_89, %masked_sort3A_90 = tpu.sort %masked_sort3A_87, %add3A_79 masked %masked_sort3A_84 : (vector<16xi32>, vector<16xi32>, vector<16xi1>) -> (vector<16xi1>, vector<16xi32>, vector<16xi32>)
          %masked_sort3A_91 = arith.xori %masked_sort3A_89, %masked_sort3A_86 : vector<16xi32>
          %shift_right_logical3A_92 = arith.constant 14 : i32
          %shift_right_logical3A_93 = vector.broadcast %shift_right_logical3A_92 : i32 to vector<16xi32>
          %shift_right_logical3A_94 = arith.shrui %masked_sort3A_91, %shift_right_logical3A_93 : vector<16xi32>
          %and3A_95 = arith.constant 16383 : i32
          %and3A_96 = vector.broadcast %and3A_95 : i32 to vector<16xi32>
          %and3A_97 = arith.andi %masked_sort3A_91, %and3A_96 : vector<16xi32>
          %broadcast_in_dim3A_98 = vector.shape_cast %min3A_11 : vector<16xi32> to vector<16x1xi32>
          %gather3A_99 = vector.shape_cast %broadcast_in_dim3A_98 : vector<16x1xi32> to vector<16xi32>
          %gather3A_100 = tpu.dynamic_gather %shift_right_logical3A_94[%gather3A_99] in [0] : vector<16xi32>, vector<16xi32> -> vector<16xi32>
          %ne3A_101 = arith.cmpi ne, %shift_right_logical3A_94, %gather3A_100 : vector<16xi32>
          %eq3A_102 = arith.constant 15 : i32
          %eq3A_103 = vector.broadcast %eq3A_102 : i32 to vector<16xi32>
          %eq3A_104 = arith.cmpi eq, %iota3A, %eq3A_103 : vector<16xi32>
          %or3A_105 = arith.ori %ne3A_101, %eq3A_104 : vector<16xi1>
          tpu.vector_store_idx %arg7[%shift_right_logical3A_94], %and3A_97 masked %or3A_105 : memref<100000xi32, #tpu.memory_space<vmem>>[vector<16xi32>], vector<16xi32>, vector<16xi1>
          %scan3A_106 = arith.constant 2 : i32
          %scan3A_107 = arith.addi %scan3A_28, %scan3A_106 : i32
          %mul3A_108 = arith.constant 1 : i32
          %mul3A_109 = arith.muli %scan3A_107, %mul3A_108 : i32
          %add3A_110 = arith.constant 0 : i32
          %add3A_111 = arith.addi %add3A_110, %mul3A_109 : i32
          %mul3A_112 = arith.constant 16 : i32
          %mul3A_113 = arith.muli %add3A_111, %mul3A_112 : i32
          %get3A_114 = arith.index_cast %mul3A_113 : i32 to index
          %get3A_115 = tpu.vector_load %arg8[%get3A_114] {strides = array<i32>} : memref<2048xi32, #tpu.memory_space<vmem>>, vector<16xi32>,
          %mul3A_116 = arith.constant 2048 : i32
          %mul3A_117 = arith.muli %add3A_20, %mul3A_116 : i32
          %mul3A_118 = arith.constant 16 : i32
          %mul3A_119 = arith.muli %add3A_111, %mul3A_118 : i32
          %add3A_120 = arith.addi %mul3A_117, %mul3A_119 : i32
          %add3A_121 = vector.broadcast %add3A_120 : i32 to vector<16xi32>
          %add3A_122 = arith.addi %iota3A, %add3A_121 : vector<16xi32>
          %mul3A_123 = arith.constant 16384 : i32
          %mul3A_124 = vector.broadcast %mul3A_123 : i32 to vector<16xi32>
          %mul3A_125 = arith.muli %get3A_115, %mul3A_124 : vector<16xi32>
          %add3A_126 = arith.addi %mul3A_125, %add3A_122 : vector<16xi32>
          %masked_sort3A_127 = arith.constant dense<true> : vector<16xi1>
          %masked_sort3A_128 = arith.constant -2147483648 : i32
          %masked_sort3A_129 = vector.broadcast %masked_sort3A_128 : i32 to vector<16xi32>
          %masked_sort3A_130 = arith.xori %add3A_126, %masked_sort3A_129 : vector<16xi32>
          %masked_sort3A_131, %masked_sort3A_132, %masked_sort3A_133 = tpu.sort %masked_sort3A_130, %add3A_122 masked %masked_sort3A_127 : (vector<16xi32>, vector<16xi32>, vector<16xi1>) -> (vector<16xi1>, vector<16xi32>, vector<16xi32>)
          %masked_sort3A_134 = arith.xori %masked_sort3A_132, %masked_sort3A_129 : vector<16xi32>
          %shift_right_logical3A_135 = arith.constant 14 : i32
          %shift_right_logical3A_136 = vector.broadcast %shift_right_logical3A_135 : i32 to vector<16xi32>
          %shift_right_logical3A_137 = arith.shrui %masked_sort3A_134, %shift_right_logical3A_136 : vector<16xi32>
          %and3A_138 = arith.constant 16383 : i32
          %and3A_139 = vector.broadcast %and3A_138 : i32 to vector<16xi32>
          %and3A_140 = arith.andi %masked_sort3A_134, %and3A_139 : vector<16xi32>
          %broadcast_in_dim3A_141 = vector.shape_cast %min3A_11 : vector<16xi32> to vector<16x1xi32>
          %gather3A_142 = vector.shape_cast %broadcast_in_dim3A_141 : vector<16x1xi32> to vector<16xi32>
          %gather3A_143 = tpu.dynamic_gather %shift_right_logical3A_137[%gather3A_142] in [0] : vector<16xi32>, vector<16xi32> -> vector<16xi32>
          %ne3A_144 = arith.cmpi ne, %shift_right_logical3A_137, %gather3A_143 : vector<16xi32>
          %eq3A_145 = arith.constant 15 : i32
          %eq3A_146 = vector.broadcast %eq3A_145 : i32 to vector<16xi32>
          %eq3A_147 = arith.cmpi eq, %iota3A, %eq3A_146 : vector<16xi32>
          %or3A_148 = arith.ori %ne3A_144, %eq3A_147 : vector<16xi1>
          tpu.vector_store_idx %arg7[%shift_right_logical3A_137], %and3A_140 masked %or3A_148 : memref<100000xi32, #tpu.memory_space<vmem>>[vector<16xi32>], vector<16xi32>, vector<16xi1>
          %scan3A_149 = arith.constant 3 : i32
          %scan3A_150 = arith.addi %scan3A_28, %scan3A_149 : i32
          %mul3A_151 = arith.constant 1 : i32
          %mul3A_152 = arith.muli %scan3A_150, %mul3A_151 : i32
          %add3A_153 = arith.constant 0 : i32
          %add3A_154 = arith.addi %add3A_153, %mul3A_152 : i32
          %mul3A_155 = arith.constant 16 : i32
          %mul3A_156 = arith.muli %add3A_154, %mul3A_155 : i32
          %get3A_157 = arith.index_cast %mul3A_156 : i32 to index
          %get3A_158 = tpu.vector_load %arg8[%get3A_157] {strides = array<i32>} : memref<2048xi32, #tpu.memory_space<vmem>>, vector<16xi32>,
          %mul3A_159 = arith.constant 2048 : i32
          %mul3A_160 = arith.muli %add3A_20, %mul3A_159 : i32
          %mul3A_161 = arith.constant 16 : i32
          %mul3A_162 = arith.muli %add3A_154, %mul3A_161 : i32
          %add3A_163 = arith.addi %mul3A_160, %mul3A_162 : i32
          %add3A_164 = vector.broadcast %add3A_163 : i32 to vector<16xi32>
          %add3A_165 = arith.addi %iota3A, %add3A_164 : vector<16xi32>
          %mul3A_166 = arith.constant 16384 : i32
          %mul3A_167 = vector.broadcast %mul3A_166 : i32 to vector<16xi32>
          %mul3A_168 = arith.muli %get3A_158, %mul3A_167 : vector<16xi32>
          %add3A_169 = arith.addi %mul3A_168, %add3A_165 : vector<16xi32>
          %masked_sort3A_170 = arith.constant dense<true> : vector<16xi1>
          %masked_sort3A_171 = arith.constant -2147483648 : i32
          %masked_sort3A_172 = vector.broadcast %masked_sort3A_171 : i32 to vector<16xi32>
          %masked_sort3A_173 = arith.xori %add3A_169, %masked_sort3A_172 : vector<16xi32>
          %masked_sort3A_174, %masked_sort3A_175, %masked_sort3A_176 = tpu.sort %masked_sort3A_173, %add3A_165 masked %masked_sort3A_170 : (vector<16xi32>, vector<16xi32>, vector<16xi1>) -> (vector<16xi1>, vector<16xi32>, vector<16xi32>)
          %masked_sort3A_177 = arith.xori %masked_sort3A_175, %masked_sort3A_172 : vector<16xi32>
          %shift_right_logical3A_178 = arith.constant 14 : i32
          %shift_right_logical3A_179 = vector.broadcast %shift_right_logical3A_178 : i32 to vector<16xi32>
          %shift_right_logical3A_180 = arith.shrui %masked_sort3A_177, %shift_right_logical3A_179 : vector<16xi32>
          %and3A_181 = arith.constant 16383 : i32
          %and3A_182 = vector.broadcast %and3A_181 : i32 to vector<16xi32>
          %and3A_183 = arith.andi %masked_sort3A_177, %and3A_182 : vector<16xi32>
          %broadcast_in_dim3A_184 = vector.shape_cast %min3A_11 : vector<16xi32> to vector<16x1xi32>
          %gather3A_185 = vector.shape_cast %broadcast_in_dim3A_184 : vector<16x1xi32> to vector<16xi32>
          %gather3A_186 = tpu.dynamic_gather %shift_right_logical3A_180[%gather3A_185] in [0] : vector<16xi32>, vector<16xi32> -> vector<16xi32>
          %ne3A_187 = arith.cmpi ne, %shift_right_logical3A_180, %gather3A_186 : vector<16xi32>
          %eq3A_188 = arith.constant 15 : i32
          %eq3A_189 = vector.broadcast %eq3A_188 : i32 to vector<16xi32>
          %eq3A_190 = arith.cmpi eq, %iota3A, %eq3A_189 : vector<16xi32>
          %or3A_191 = arith.ori %ne3A_187, %eq3A_190 : vector<16xi1>
          tpu.vector_store_idx %arg7[%shift_right_logical3A_180], %and3A_183 masked %or3A_191 : memref<100000xi32, #tpu.memory_space<vmem>>[vector<16xi32>], vector<16xi32>, vector<16xi1>
          %scan3A_192 = arith.constant 4 : i32
          %scan3A_193 = arith.addi %scan3A_28, %scan3A_192 : i32
          %mul3A_194 = arith.constant 1 : i32
          %mul3A_195 = arith.muli %scan3A_193, %mul3A_194 : i32
          %add3A_196 = arith.constant 0 : i32
          %add3A_197 = arith.addi %add3A_196, %mul3A_195 : i32
          %mul3A_198 = arith.constant 16 : i32
          %mul3A_199 = arith.muli %add3A_197, %mul3A_198 : i32
          %get3A_200 = arith.index_cast %mul3A_199 : i32 to index
          %get3A_201 = tpu.vector_load %arg8[%get3A_200] {strides = array<i32>} : memref<2048xi32, #tpu.memory_space<vmem>>, vector<16xi32>,
          %mul3A_202 = arith.constant 2048 : i32
          %mul3A_203 = arith.muli %add3A_20, %mul3A_202 : i32
          %mul3A_204 = arith.constant 16 : i32
          %mul3A_205 = arith.muli %add3A_197, %mul3A_204 : i32
          %add3A_206 = arith.addi %mul3A_203, %mul3A_205 : i32
          %add3A_207 = vector.broadcast %add3A_206 : i32 to vector<16xi32>
          %add3A_208 = arith.addi %iota3A, %add3A_207 : vector<16xi32>
          %mul3A_209 = arith.constant 16384 : i32
          %mul3A_210 = vector.broadcast %mul3A_209 : i32 to vector<16xi32>
          %mul3A_211 = arith.muli %get3A_201, %mul3A_210 : vector<16xi32>
          %add3A_212 = arith.addi %mul3A_211, %add3A_208 : vector<16xi32>
          %masked_sort3A_213 = arith.constant dense<true> : vector<16xi1>
          %masked_sort3A_214 = arith.constant -2147483648 : i32
          %masked_sort3A_215 = vector.broadcast %masked_sort3A_214 : i32 to vector<16xi32>
          %masked_sort3A_216 = arith.xori %add3A_212, %masked_sort3A_215 : vector<16xi32>
          %masked_sort3A_217, %masked_sort3A_218, %masked_sort3A_219 = tpu.sort %masked_sort3A_216, %add3A_208 masked %masked_sort3A_213 : (vector<16xi32>, vector<16xi32>, vector<16xi1>) -> (vector<16xi1>, vector<16xi32>, vector<16xi32>)
          %masked_sort3A_220 = arith.xori %masked_sort3A_218, %masked_sort3A_215 : vector<16xi32>
          %shift_right_logical3A_221 = arith.constant 14 : i32
          %shift_right_logical3A_222 = vector.broadcast %shift_right_logical3A_221 : i32 to vector<16xi32>
          %shift_right_logical3A_223 = arith.shrui %masked_sort3A_220, %shift_right_logical3A_222 : vector<16xi32>
          %and3A_224 = arith.constant 16383 : i32
          %and3A_225 = vector.broadcast %and3A_224 : i32 to vector<16xi32>
          %and3A_226 = arith.andi %masked_sort3A_220, %and3A_225 : vector<16xi32>
          %broadcast_in_dim3A_227 = vector.shape_cast %min3A_11 : vector<16xi32> to vector<16x1xi32>
          %gather3A_228 = vector.shape_cast %broadcast_in_dim3A_227 : vector<16x1xi32> to vector<16xi32>
          %gather3A_229 = tpu.dynamic_gather %shift_right_logical3A_223[%gather3A_228] in [0] : vector<16xi32>, vector<16xi32> -> vector<16xi32>
          %ne3A_230 = arith.cmpi ne, %shift_right_logical3A_223, %gather3A_229 : vector<16xi32>
          %eq3A_231 = arith.constant 15 : i32
          %eq3A_232 = vector.broadcast %eq3A_231 : i32 to vector<16xi32>
          %eq3A_233 = arith.cmpi eq, %iota3A, %eq3A_232 : vector<16xi32>
          %or3A_234 = arith.ori %ne3A_230, %eq3A_233 : vector<16xi1>
          tpu.vector_store_idx %arg7[%shift_right_logical3A_223], %and3A_226 masked %or3A_234 : memref<100000xi32, #tpu.memory_space<vmem>>[vector<16xi32>], vector<16xi32>, vector<16xi1>
          %scan3A_235 = arith.constant 5 : i32
          %scan3A_236 = arith.addi %scan3A_28, %scan3A_235 : i32
          %mul3A_237 = arith.constant 1 : i32
          %mul3A_238 = arith.muli %scan3A_236, %mul3A_237 : i32
          %add3A_239 = arith.constant 0 : i32
          %add3A_240 = arith.addi %add3A_239, %mul3A_238 : i32
          %mul3A_241 = arith.constant 16 : i32
          %mul3A_242 = arith.muli %add3A_240, %mul3A_241 : i32
          %get3A_243 = arith.index_cast %mul3A_242 : i32 to index
          %get3A_244 = tpu.vector_load %arg8[%get3A_243] {strides = array<i32>} : memref<2048xi32, #tpu.memory_space<vmem>>, vector<16xi32>,
          %mul3A_245 = arith.constant 2048 : i32
          %mul3A_246 = arith.muli %add3A_20, %mul3A_245 : i32
          %mul3A_247 = arith.constant 16 : i32
          %mul3A_248 = arith.muli %add3A_240, %mul3A_247 : i32
          %add3A_249 = arith.addi %mul3A_246, %mul3A_248 : i32
          %add3A_250 = vector.broadcast %add3A_249 : i32 to vector<16xi32>
          %add3A_251 = arith.addi %iota3A, %add3A_250 : vector<16xi32>
          %mul3A_252 = arith.constant 16384 : i32
          %mul3A_253 = vector.broadcast %mul3A_252 : i32 to vector<16xi32>
          %mul3A_254 = arith.muli %get3A_244, %mul3A_253 : vector<16xi32>
          %add3A_255 = arith.addi %mul3A_254, %add3A_251 : vector<16xi32>
          %masked_sort3A_256 = arith.constant dense<true> : vector<16xi1>
          %masked_sort3A_257 = arith.constant -2147483648 : i32
          %masked_sort3A_258 = vector.broadcast %masked_sort3A_257 : i32 to vector<16xi32>
          %masked_sort3A_259 = arith.xori %add3A_255, %masked_sort3A_258 : vector<16xi32>
          %masked_sort3A_260, %masked_sort3A_261, %masked_sort3A_262 = tpu.sort %masked_sort3A_259, %add3A_251 masked %masked_sort3A_256 : (vector<16xi32>, vector<16xi32>, vector<16xi1>) -> (vector<16xi1>, vector<16xi32>, vector<16xi32>)
          %masked_sort3A_263 = arith.xori %masked_sort3A_261, %masked_sort3A_258 : vector<16xi32>
          %shift_right_logical3A_264 = arith.constant 14 : i32
          %shift_right_logical3A_265 = vector.broadcast %shift_right_logical3A_264 : i32 to vector<16xi32>
          %shift_right_logical3A_266 = arith.shrui %masked_sort3A_263, %shift_right_logical3A_265 : vector<16xi32>
          %and3A_267 = arith.constant 16383 : i32
          %and3A_268 = vector.broadcast %and3A_267 : i32 to vector<16xi32>
          %and3A_269 = arith.andi %masked_sort3A_263, %and3A_268 : vector<16xi32>
          %broadcast_in_dim3A_270 = vector.shape_cast %min3A_11 : vector<16xi32> to vector<16x1xi32>
          %gather3A_271 = vector.shape_cast %broadcast_in_dim3A_270 : vector<16x1xi32> to vector<16xi32>
          %gather3A_272 = tpu.dynamic_gather %shift_right_logical3A_266[%gather3A_271] in [0] : vector<16xi32>, vector<16xi32> -> vector<16xi32>
          %ne3A_273 = arith.cmpi ne, %shift_right_logical3A_266, %gather3A_272 : vector<16xi32>
          %eq3A_274 = arith.constant 15 : i32
          %eq3A_275 = vector.broadcast %eq3A_274 : i32 to vector<16xi32>
          %eq3A_276 = arith.cmpi eq, %iota3A, %eq3A_275 : vector<16xi32>
          %or3A_277 = arith.ori %ne3A_273, %eq3A_276 : vector<16xi1>
          tpu.vector_store_idx %arg7[%shift_right_logical3A_266], %and3A_269 masked %or3A_277 : memref<100000xi32, #tpu.memory_space<vmem>>[vector<16xi32>], vector<16xi32>, vector<16xi1>
          %scan3A_278 = arith.constant 6 : i32
          %scan3A_279 = arith.addi %scan3A_28, %scan3A_278 : i32
          %mul3A_280 = arith.constant 1 : i32
          %mul3A_281 = arith.muli %scan3A_279, %mul3A_280 : i32
          %add3A_282 = arith.constant 0 : i32
          %add3A_283 = arith.addi %add3A_282, %mul3A_281 : i32
          %mul3A_284 = arith.constant 16 : i32
          %mul3A_285 = arith.muli %add3A_283, %mul3A_284 : i32
          %get3A_286 = arith.index_cast %mul3A_285 : i32 to index
          %get3A_287 = tpu.vector_load %arg8[%get3A_286] {strides = array<i32>} : memref<2048xi32, #tpu.memory_space<vmem>>, vector<16xi32>,
          %mul3A_288 = arith.constant 2048 : i32
          %mul3A_289 = arith.muli %add3A_20, %mul3A_288 : i32
          %mul3A_290 = arith.constant 16 : i32
          %mul3A_291 = arith.muli %add3A_283, %mul3A_290 : i32
          %add3A_292 = arith.addi %mul3A_289, %mul3A_291 : i32
          %add3A_293 = vector.broadcast %add3A_292 : i32 to vector<16xi32>
          %add3A_294 = arith.addi %iota3A, %add3A_293 : vector<16xi32>
          %mul3A_295 = arith.constant 16384 : i32
          %mul3A_296 = vector.broadcast %mul3A_295 : i32 to vector<16xi32>
          %mul3A_297 = arith.muli %get3A_287, %mul3A_296 : vector<16xi32>
          %add3A_298 = arith.addi %mul3A_297, %add3A_294 : vector<16xi32>
          %masked_sort3A_299 = arith.constant dense<true> : vector<16xi1>
          %masked_sort3A_300 = arith.constant -2147483648 : i32
          %masked_sort3A_301 = vector.broadcast %masked_sort3A_300 : i32 to vector<16xi32>
          %masked_sort3A_302 = arith.xori %add3A_298, %masked_sort3A_301 : vector<16xi32>
          %masked_sort3A_303, %masked_sort3A_304, %masked_sort3A_305 = tpu.sort %masked_sort3A_302, %add3A_294 masked %masked_sort3A_299 : (vector<16xi32>, vector<16xi32>, vector<16xi1>) -> (vector<16xi1>, vector<16xi32>, vector<16xi32>)
          %masked_sort3A_306 = arith.xori %masked_sort3A_304, %masked_sort3A_301 : vector<16xi32>
          %shift_right_logical3A_307 = arith.constant 14 : i32
          %shift_right_logical3A_308 = vector.broadcast %shift_right_logical3A_307 : i32 to vector<16xi32>
          %shift_right_logical3A_309 = arith.shrui %masked_sort3A_306, %shift_right_logical3A_308 : vector<16xi32>
          %and3A_310 = arith.constant 16383 : i32
          %and3A_311 = vector.broadcast %and3A_310 : i32 to vector<16xi32>
          %and3A_312 = arith.andi %masked_sort3A_306, %and3A_311 : vector<16xi32>
          %broadcast_in_dim3A_313 = vector.shape_cast %min3A_11 : vector<16xi32> to vector<16x1xi32>
          %gather3A_314 = vector.shape_cast %broadcast_in_dim3A_313 : vector<16x1xi32> to vector<16xi32>
          %gather3A_315 = tpu.dynamic_gather %shift_right_logical3A_309[%gather3A_314] in [0] : vector<16xi32>, vector<16xi32> -> vector<16xi32>
          %ne3A_316 = arith.cmpi ne, %shift_right_logical3A_309, %gather3A_315 : vector<16xi32>
          %eq3A_317 = arith.constant 15 : i32
          %eq3A_318 = vector.broadcast %eq3A_317 : i32 to vector<16xi32>
          %eq3A_319 = arith.cmpi eq, %iota3A, %eq3A_318 : vector<16xi32>
          %or3A_320 = arith.ori %ne3A_316, %eq3A_319 : vector<16xi1>
          tpu.vector_store_idx %arg7[%shift_right_logical3A_309], %and3A_312 masked %or3A_320 : memref<100000xi32, #tpu.memory_space<vmem>>[vector<16xi32>], vector<16xi32>, vector<16xi1>
          %scan3A_321 = arith.constant 7 : i32
          %scan3A_322 = arith.addi %scan3A_28, %scan3A_321 : i32
          %mul3A_323 = arith.constant 1 : i32
          %mul3A_324 = arith.muli %scan3A_322, %mul3A_323 : i32
          %add3A_325 = arith.constant 0 : i32
          %add3A_326 = arith.addi %add3A_325, %mul3A_324 : i32
          %mul3A_327 = arith.constant 16 : i32
          %mul3A_328 = arith.muli %add3A_326, %mul3A_327 : i32
          %get3A_329 = arith.index_cast %mul3A_328 : i32 to index
          %get3A_330 = tpu.vector_load %arg8[%get3A_329] {strides = array<i32>} : memref<2048xi32, #tpu.memory_space<vmem>>, vector<16xi32>,
          %mul3A_331 = arith.constant 2048 : i32
          %mul3A_332 = arith.muli %add3A_20, %mul3A_331 : i32
          %mul3A_333 = arith.constant 16 : i32
          %mul3A_334 = arith.muli %add3A_326, %mul3A_333 : i32
          %add3A_335 = arith.addi %mul3A_332, %mul3A_334 : i32
          %add3A_336 = vector.broadcast %add3A_335 : i32 to vector<16xi32>
          %add3A_337 = arith.addi %iota3A, %add3A_336 : vector<16xi32>
          %mul3A_338 = arith.constant 16384 : i32
          %mul3A_339 = vector.broadcast %mul3A_338 : i32 to vector<16xi32>
          %mul3A_340 = arith.muli %get3A_330, %mul3A_339 : vector<16xi32>
          %add3A_341 = arith.addi %mul3A_340, %add3A_337 : vector<16xi32>
          %masked_sort3A_342 = arith.constant dense<true> : vector<16xi1>
          %masked_sort3A_343 = arith.constant -2147483648 : i32
          %masked_sort3A_344 = vector.broadcast %masked_sort3A_343 : i32 to vector<16xi32>
          %masked_sort3A_345 = arith.xori %add3A_341, %masked_sort3A_344 : vector<16xi32>
          %masked_sort3A_346, %masked_sort3A_347, %masked_sort3A_348 = tpu.sort %masked_sort3A_345, %add3A_337 masked %masked_sort3A_342 : (vector<16xi32>, vector<16xi32>, vector<16xi1>) -> (vector<16xi1>, vector<16xi32>, vector<16xi32>)
          %masked_sort3A_349 = arith.xori %masked_sort3A_347, %masked_sort3A_344 : vector<16xi32>
          %shift_right_logical3A_350 = arith.constant 14 : i32
          %shift_right_logical3A_351 = vector.broadcast %shift_right_logical3A_350 : i32 to vector<16xi32>
          %shift_right_logical3A_352 = arith.shrui %masked_sort3A_349, %shift_right_logical3A_351 : vector<16xi32>
          %and3A_353 = arith.constant 16383 : i32
          %and3A_354 = vector.broadcast %and3A_353 : i32 to vector<16xi32>
          %and3A_355 = arith.andi %masked_sort3A_349, %and3A_354 : vector<16xi32>
          %broadcast_in_dim3A_356 = vector.shape_cast %min3A_11 : vector<16xi32> to vector<16x1xi32>
          %gather3A_357 = vector.shape_cast %broadcast_in_dim3A_356 : vector<16x1xi32> to vector<16xi32>
          %gather3A_358 = tpu.dynamic_gather %shift_right_logical3A_352[%gather3A_357] in [0] : vector<16xi32>, vector<16xi32> -> vector<16xi32>
          %ne3A_359 = arith.cmpi ne, %shift_right_logical3A_352, %gather3A_358 : vector<16xi32>
          %eq3A_360 = arith.constant 15 : i32
          %eq3A_361 = vector.broadcast %eq3A_360 : i32 to vector<16xi32>
          %eq3A_362 = arith.cmpi eq, %iota3A, %eq3A_361 : vector<16xi32>
          %or3A_363 = arith.ori %ne3A_359, %eq3A_362 : vector<16xi1>
          tpu.vector_store_idx %arg7[%shift_right_logical3A_352], %and3A_355 masked %or3A_363 : memref<100000xi32, #tpu.memory_space<vmem>>[vector<16xi32>], vector<16xi32>, vector<16xi1>
        }
        %scan3A_27 = arith.constant 128 : i32
      }
      %scan3A_15 = arith.constant 8 : i32
      "tpu.region"() ({
        %run_scoped3A = tpu.sem_alloc : memref<!tpu.dma_semaphore, #tpu.memory_space<semaphore_mem>>
        tpu.enqueue_dma source(%arg7 : memref<100000xi32, #tpu.memory_space<vmem>>) target(%arg5 : memref<100000xi32, #tpu.memory_space<hbm>>) target_semaphore(%run_scoped3A : memref<!tpu.dma_semaphore, #tpu.memory_space<semaphore_mem>>)
        tpu.wait_dma2 semaphore(%run_scoped3A : memref<!tpu.dma_semaphore, #tpu.memory_space<semaphore_mem>>) src(%arg7 : memref<100000xi32, #tpu.memory_space<vmem>>) dst(%arg5 : memref<100000xi32, #tpu.memory_space<hbm>>)
        tpu.yield
      }) : () -> ()
    } else {
    }
    return
  }
}

#map = affine_map<(d0, d1) -> (0, 0)>
#map1 = affine_map<(d0, d1) -> (0)>
module attributes {stable_mosaic.version = 14 : i64} {
  func.func @new_body(%arg0: i32, %arg1: i32, %arg2: memref<16384x128xf32, #tpu.memory_space<hbm>>, %arg3: memref<128x128xi32, #tpu.memory_space<hbm>>, %arg4: memref<100000xi32, #tpu.memory_space<hbm>>, %arg5: memref<16384xf32, #tpu.memory_space<hbm>>, %arg6: memref<100000x128xf32, #tpu.memory_space<hbm>>, %arg7: memref<100000xf32, #tpu.memory_space<hbm>>, %arg8: memref<100000x128xf32, #tpu.memory_space<hbm>>, %arg9: memref<100000xf32, #tpu.memory_space<hbm>>, %arg10: memref<4x128xi32, #tpu.memory_space<vmem>>, %arg11: memref<4x128xi32, #tpu.memory_space<vmem>>, %arg12: memref<512x128xf32, #tpu.memory_space<vmem>>, %arg13: memref<4x128xf32, #tpu.memory_space<vmem>>, %arg14: memref<!tpu.dma_semaphore, #tpu.memory_space<semaphore_mem>>, %arg15: memref<!tpu.dma_semaphore, #tpu.memory_space<semaphore_mem>>, %arg16: memref<!tpu.dma_semaphore, #tpu.memory_space<semaphore_mem>>) attributes {dimension_semantics = [#tpu.dimension_semantics<core_parallel>, #tpu.dimension_semantics<subcore_parallel>], iteration_bounds = array<i64: 2, 16>, scalar_prefetch = 0 : i64, scratch_operands = 7 : i64, tpu.core_type = #tpu.core_type<sc_vector_subcore>, window_params = [{transform_indices = #map}, {transform_indices = #map}, {transform_indices = #map1}, {transform_indices = #map1}, {transform_indices = #map}, {transform_indices = #map1}, {transform_indices = #map}, {transform_indices = #map1}]} {
    %mul3A = arith.constant 2 : i32
    %mul3A_0 = arith.muli %arg1, %mul3A : i32
    %add3A = arith.addi %mul3A_0, %arg0 : i32
    %mul3A_1 = arith.constant 4 : i32
    %mul3A_2 = arith.muli %add3A, %mul3A_1 : i32
    "tpu.region"() ({
      %run_scoped3A = tpu.sem_alloc : memref<!tpu.dma_semaphore, #tpu.memory_space<semaphore_mem>>
      %dma_start3A_401 = arith.constant 0 : i32
      %dma_start3A_402 = tpu.memref_slice %arg3[%mul3A_2, %dma_start3A_401] : memref<128x128xi32, #tpu.memory_space<hbm>> -> memref<4x128xi32, #tpu.memory_space<hbm>>
      %dma_start3A_403 = arith.constant 0 : i32
      %dma_start3A_404 = tpu.memref_slice %arg3[%mul3A_2, %dma_start3A_403] : memref<128x128xi32, #tpu.memory_space<hbm>> -> memref<4x128xi32, #tpu.memory_space<hbm>>
      tpu.enqueue_dma source(%dma_start3A_404 : memref<4x128xi32, #tpu.memory_space<hbm>>) target(%arg10 : memref<4x128xi32, #tpu.memory_space<vmem>>) target_semaphore(%run_scoped3A : memref<!tpu.dma_semaphore, #tpu.memory_space<semaphore_mem>>)
      %dma_wait3A_405 = arith.constant 0 : i32
      %dma_wait3A_406 = tpu.memref_slice %arg3[%mul3A_2, %dma_wait3A_405] : memref<128x128xi32, #tpu.memory_space<hbm>> -> memref<4x128xi32, #tpu.memory_space<hbm>>
      %dma_wait3A_407 = arith.constant 0 : i32
      %dma_wait3A_408 = tpu.memref_slice %arg3[%mul3A_2, %dma_wait3A_407] : memref<128x128xi32, #tpu.memory_space<hbm>> -> memref<4x128xi32, #tpu.memory_space<hbm>>
      tpu.wait_dma2 semaphore(%run_scoped3A : memref<!tpu.dma_semaphore, #tpu.memory_space<semaphore_mem>>) src(%dma_wait3A_408 : memref<4x128xi32, #tpu.memory_space<hbm>>) dst(%arg10 : memref<4x128xi32, #tpu.memory_space<vmem>>)
      tpu.yield
    }) : () -> ()
    %dma_start3A = arith.constant 0 : i32
    %dma_start3A_3 = arith.constant 0 : i32
    %dma_start3A_4 = arith.constant 0 : i32
    %dma_start3A_5 = tpu.memref_slice %arg11[%dma_start3A_3, %dma_start3A_4] : memref<4x128xi32, #tpu.memory_space<vmem>> -> memref<1x128xi32, #tpu.memory_space<vmem>>
    %dma_start3A_6 = tpu.memref_squeeze %dma_start3A_5 : memref<1x128xi32, #tpu.memory_space<vmem>> -> memref<128xi32, #tpu.memory_space<vmem>>
    %dma_start3A_7 = arith.constant 0 : i32
    %dma_start3A_8 = tpu.memref_slice %arg10[%dma_start3A, %dma_start3A_7] : memref<4x128xi32, #tpu.memory_space<vmem>> -> memref<1x128xi32, #tpu.memory_space<vmem>>
    %dma_start3A_9 = tpu.memref_squeeze %dma_start3A_8 : memref<1x128xi32, #tpu.memory_space<vmem>> -> memref<128xi32, #tpu.memory_space<vmem>>
    %dma_start3A_10 = arith.constant 0 : i32
    %dma_start3A_11 = tpu.memref_slice %arg4[%dma_start3A_10] : memref<100000xi32, #tpu.memory_space<hbm>> -> memref<100000xi32, #tpu.memory_space<hbm>>
    tpu.enqueue_indirect_dma source(%dma_start3A_11 : memref<100000xi32, #tpu.memory_space<hbm>>) target(%dma_start3A_6 : memref<128xi32, #tpu.memory_space<vmem>>) offsets(%dma_start3A_9 : memref<128xi32, #tpu.memory_space<vmem>>) semaphore(%arg16 : memref<!tpu.dma_semaphore, #tpu.memory_space<semaphore_mem>>)
    %dma_start3A_12 = arith.constant 1 : i32
    %dma_start3A_13 = arith.constant 1 : i32
    %dma_start3A_14 = arith.constant 0 : i32
    %dma_start3A_15 = tpu.memref_slice %arg11[%dma_start3A_13, %dma_start3A_14] : memref<4x128xi32, #tpu.memory_space<vmem>> -> memref<1x128xi32, #tpu.memory_space<vmem>>
    %dma_start3A_16 = tpu.memref_squeeze %dma_start3A_15 : memref<1x128xi32, #tpu.memory_space<vmem>> -> memref<128xi32, #tpu.memory_space<vmem>>
    %dma_start3A_17 = arith.constant 0 : i32
    %dma_start3A_18 = tpu.memref_slice %arg10[%dma_start3A_12, %dma_start3A_17] : memref<4x128xi32, #tpu.memory_space<vmem>> -> memref<1x128xi32, #tpu.memory_space<vmem>>
    %dma_start3A_19 = tpu.memref_squeeze %dma_start3A_18 : memref<1x128xi32, #tpu.memory_space<vmem>> -> memref<128xi32, #tpu.memory_space<vmem>>
    %dma_start3A_20 = arith.constant 0 : i32
    %dma_start3A_21 = tpu.memref_slice %arg4[%dma_start3A_20] : memref<100000xi32, #tpu.memory_space<hbm>> -> memref<100000xi32, #tpu.memory_space<hbm>>
    tpu.enqueue_indirect_dma source(%dma_start3A_21 : memref<100000xi32, #tpu.memory_space<hbm>>) target(%dma_start3A_16 : memref<128xi32, #tpu.memory_space<vmem>>) offsets(%dma_start3A_19 : memref<128xi32, #tpu.memory_space<vmem>>) semaphore(%arg16 : memref<!tpu.dma_semaphore, #tpu.memory_space<semaphore_mem>>)
    %dma_start3A_22 = arith.constant 2 : i32
    %dma_start3A_23 = arith.constant 2 : i32
    %dma_start3A_24 = arith.constant 0 : i32
    %dma_start3A_25 = tpu.memref_slice %arg11[%dma_start3A_23, %dma_start3A_24] : memref<4x128xi32, #tpu.memory_space<vmem>> -> memref<1x128xi32, #tpu.memory_space<vmem>>
    %dma_start3A_26 = tpu.memref_squeeze %dma_start3A_25 : memref<1x128xi32, #tpu.memory_space<vmem>> -> memref<128xi32, #tpu.memory_space<vmem>>
    %dma_start3A_27 = arith.constant 0 : i32
    %dma_start3A_28 = tpu.memref_slice %arg10[%dma_start3A_22, %dma_start3A_27] : memref<4x128xi32, #tpu.memory_space<vmem>> -> memref<1x128xi32, #tpu.memory_space<vmem>>
    %dma_start3A_29 = tpu.memref_squeeze %dma_start3A_28 : memref<1x128xi32, #tpu.memory_space<vmem>> -> memref<128xi32, #tpu.memory_space<vmem>>
    %dma_start3A_30 = arith.constant 0 : i32
    %dma_start3A_31 = tpu.memref_slice %arg4[%dma_start3A_30] : memref<100000xi32, #tpu.memory_space<hbm>> -> memref<100000xi32, #tpu.memory_space<hbm>>
    tpu.enqueue_indirect_dma source(%dma_start3A_31 : memref<100000xi32, #tpu.memory_space<hbm>>) target(%dma_start3A_26 : memref<128xi32, #tpu.memory_space<vmem>>) offsets(%dma_start3A_29 : memref<128xi32, #tpu.memory_space<vmem>>) semaphore(%arg16 : memref<!tpu.dma_semaphore, #tpu.memory_space<semaphore_mem>>)
    %dma_start3A_32 = arith.constant 3 : i32
    %dma_start3A_33 = arith.constant 3 : i32
    %dma_start3A_34 = arith.constant 0 : i32
    %dma_start3A_35 = tpu.memref_slice %arg11[%dma_start3A_33, %dma_start3A_34] : memref<4x128xi32, #tpu.memory_space<vmem>> -> memref<1x128xi32, #tpu.memory_space<vmem>>
    %dma_start3A_36 = tpu.memref_squeeze %dma_start3A_35 : memref<1x128xi32, #tpu.memory_space<vmem>> -> memref<128xi32, #tpu.memory_space<vmem>>
    %dma_start3A_37 = arith.constant 0 : i32
    %dma_start3A_38 = tpu.memref_slice %arg10[%dma_start3A_32, %dma_start3A_37] : memref<4x128xi32, #tpu.memory_space<vmem>> -> memref<1x128xi32, #tpu.memory_space<vmem>>
    %dma_start3A_39 = tpu.memref_squeeze %dma_start3A_38 : memref<1x128xi32, #tpu.memory_space<vmem>> -> memref<128xi32, #tpu.memory_space<vmem>>
    %dma_start3A_40 = arith.constant 0 : i32
    %dma_start3A_41 = tpu.memref_slice %arg4[%dma_start3A_40] : memref<100000xi32, #tpu.memory_space<hbm>> -> memref<100000xi32, #tpu.memory_space<hbm>>
    tpu.enqueue_indirect_dma source(%dma_start3A_41 : memref<100000xi32, #tpu.memory_space<hbm>>) target(%dma_start3A_36 : memref<128xi32, #tpu.memory_space<vmem>>) offsets(%dma_start3A_39 : memref<128xi32, #tpu.memory_space<vmem>>) semaphore(%arg16 : memref<!tpu.dma_semaphore, #tpu.memory_space<semaphore_mem>>)
    %dma_wait3A = arith.constant 0 : i32
    %dma_wait3A_42 = arith.constant 0 : i32
    %dma_wait3A_43 = arith.constant 0 : i32
    %dma_wait3A_44 = tpu.memref_slice %arg11[%dma_wait3A_42, %dma_wait3A_43] : memref<4x128xi32, #tpu.memory_space<vmem>> -> memref<1x128xi32, #tpu.memory_space<vmem>>
    %dma_wait3A_45 = tpu.memref_squeeze %dma_wait3A_44 : memref<1x128xi32, #tpu.memory_space<vmem>> -> memref<128xi32, #tpu.memory_space<vmem>>
    %dma_wait3A_46 = arith.constant 0 : i32
    %dma_wait3A_47 = tpu.memref_slice %arg10[%dma_wait3A, %dma_wait3A_46] : memref<4x128xi32, #tpu.memory_space<vmem>> -> memref<1x128xi32, #tpu.memory_space<vmem>>
    %dma_wait3A_48 = tpu.memref_squeeze %dma_wait3A_47 : memref<1x128xi32, #tpu.memory_space<vmem>> -> memref<128xi32, #tpu.memory_space<vmem>>
    %dma_wait3A_49 = arith.constant 0 : i32
    %dma_wait3A_50 = tpu.memref_slice %arg4[%dma_wait3A_49] : memref<100000xi32, #tpu.memory_space<hbm>> -> memref<100000xi32, #tpu.memory_space<hbm>>
    tpu.wait_indirect_dma semaphore(%arg16 : memref<!tpu.dma_semaphore, #tpu.memory_space<semaphore_mem>>) src(%dma_wait3A_50 : memref<100000xi32, #tpu.memory_space<hbm>>) dst(%dma_wait3A_45 : memref<128xi32, #tpu.memory_space<vmem>>)
    %dma_wait3A_51 = arith.constant 1 : i32
    %dma_wait3A_52 = arith.constant 1 : i32
    %dma_wait3A_53 = arith.constant 0 : i32
    %dma_wait3A_54 = tpu.memref_slice %arg11[%dma_wait3A_52, %dma_wait3A_53] : memref<4x128xi32, #tpu.memory_space<vmem>> -> memref<1x128xi32, #tpu.memory_space<vmem>>
    %dma_wait3A_55 = tpu.memref_squeeze %dma_wait3A_54 : memref<1x128xi32, #tpu.memory_space<vmem>> -> memref<128xi32, #tpu.memory_space<vmem>>
    %dma_wait3A_56 = arith.constant 0 : i32
    %dma_wait3A_57 = tpu.memref_slice %arg10[%dma_wait3A_51, %dma_wait3A_56] : memref<4x128xi32, #tpu.memory_space<vmem>> -> memref<1x128xi32, #tpu.memory_space<vmem>>
    %dma_wait3A_58 = tpu.memref_squeeze %dma_wait3A_57 : memref<1x128xi32, #tpu.memory_space<vmem>> -> memref<128xi32, #tpu.memory_space<vmem>>
    %dma_wait3A_59 = arith.constant 0 : i32
    %dma_wait3A_60 = tpu.memref_slice %arg4[%dma_wait3A_59] : memref<100000xi32, #tpu.memory_space<hbm>> -> memref<100000xi32, #tpu.memory_space<hbm>>
    tpu.wait_indirect_dma semaphore(%arg16 : memref<!tpu.dma_semaphore, #tpu.memory_space<semaphore_mem>>) src(%dma_wait3A_60 : memref<100000xi32, #tpu.memory_space<hbm>>) dst(%dma_wait3A_55 : memref<128xi32, #tpu.memory_space<vmem>>)
    %dma_wait3A_61 = arith.constant 2 : i32
    %dma_wait3A_62 = arith.constant 2 : i32
    %dma_wait3A_63 = arith.constant 0 : i32
    %dma_wait3A_64 = tpu.memref_slice %arg11[%dma_wait3A_62, %dma_wait3A_63] : memref<4x128xi32, #tpu.memory_space<vmem>> -> memref<1x128xi32, #tpu.memory_space<vmem>>
    %dma_wait3A_65 = tpu.memref_squeeze %dma_wait3A_64 : memref<1x128xi32, #tpu.memory_space<vmem>> -> memref<128xi32, #tpu.memory_space<vmem>>
    %dma_wait3A_66 = arith.constant 0 : i32
    %dma_wait3A_67 = tpu.memref_slice %arg10[%dma_wait3A_61, %dma_wait3A_66] : memref<4x128xi32, #tpu.memory_space<vmem>> -> memref<1x128xi32, #tpu.memory_space<vmem>>
    %dma_wait3A_68 = tpu.memref_squeeze %dma_wait3A_67 : memref<1x128xi32, #tpu.memory_space<vmem>> -> memref<128xi32, #tpu.memory_space<vmem>>
    %dma_wait3A_69 = arith.constant 0 : i32
    %dma_wait3A_70 = tpu.memref_slice %arg4[%dma_wait3A_69] : memref<100000xi32, #tpu.memory_space<hbm>> -> memref<100000xi32, #tpu.memory_space<hbm>>
    tpu.wait_indirect_dma semaphore(%arg16 : memref<!tpu.dma_semaphore, #tpu.memory_space<semaphore_mem>>) src(%dma_wait3A_70 : memref<100000xi32, #tpu.memory_space<hbm>>) dst(%dma_wait3A_65 : memref<128xi32, #tpu.memory_space<vmem>>)
    %dma_wait3A_71 = arith.constant 3 : i32
    %dma_wait3A_72 = arith.constant 3 : i32
    %dma_wait3A_73 = arith.constant 0 : i32
    %dma_wait3A_74 = tpu.memref_slice %arg11[%dma_wait3A_72, %dma_wait3A_73] : memref<4x128xi32, #tpu.memory_space<vmem>> -> memref<1x128xi32, #tpu.memory_space<vmem>>
    %dma_wait3A_75 = tpu.memref_squeeze %dma_wait3A_74 : memref<1x128xi32, #tpu.memory_space<vmem>> -> memref<128xi32, #tpu.memory_space<vmem>>
    %dma_wait3A_76 = arith.constant 0 : i32
    %dma_wait3A_77 = tpu.memref_slice %arg10[%dma_wait3A_71, %dma_wait3A_76] : memref<4x128xi32, #tpu.memory_space<vmem>> -> memref<1x128xi32, #tpu.memory_space<vmem>>
    %dma_wait3A_78 = tpu.memref_squeeze %dma_wait3A_77 : memref<1x128xi32, #tpu.memory_space<vmem>> -> memref<128xi32, #tpu.memory_space<vmem>>
    %dma_wait3A_79 = arith.constant 0 : i32
    %dma_wait3A_80 = tpu.memref_slice %arg4[%dma_wait3A_79] : memref<100000xi32, #tpu.memory_space<hbm>> -> memref<100000xi32, #tpu.memory_space<hbm>>
    tpu.wait_indirect_dma semaphore(%arg16 : memref<!tpu.dma_semaphore, #tpu.memory_space<semaphore_mem>>) src(%dma_wait3A_80 : memref<100000xi32, #tpu.memory_space<hbm>>) dst(%dma_wait3A_75 : memref<128xi32, #tpu.memory_space<vmem>>)
    %dma_start3A_81 = arith.constant 0 : i32
    %dma_start3A_82 = arith.constant 0 : i32
    %dma_start3A_83 = arith.constant 0 : i32
    %dma_start3A_84 = tpu.memref_slice %arg12[%dma_start3A_82, %dma_start3A_83] : memref<512x128xf32, #tpu.memory_space<vmem>> -> memref<128x128xf32, #tpu.memory_space<vmem>>
    %dma_start3A_85 = arith.constant 0 : i32
    %dma_start3A_86 = tpu.memref_slice %arg11[%dma_start3A_81, %dma_start3A_85] : memref<4x128xi32, #tpu.memory_space<vmem>> -> memref<1x128xi32, #tpu.memory_space<vmem>>
    %dma_start3A_87 = tpu.memref_squeeze %dma_start3A_86 : memref<1x128xi32, #tpu.memory_space<vmem>> -> memref<128xi32, #tpu.memory_space<vmem>>
    %dma_start3A_88 = arith.constant 0 : i32
    %dma_start3A_89 = arith.constant 0 : i32
    %dma_start3A_90 = tpu.memref_slice %arg2[%dma_start3A_88, %dma_start3A_89] : memref<16384x128xf32, #tpu.memory_space<hbm>> -> memref<16384x128xf32, #tpu.memory_space<hbm>>
    tpu.enqueue_indirect_dma source(%dma_start3A_90 : memref<16384x128xf32, #tpu.memory_space<hbm>>) target(%dma_start3A_84 : memref<128x128xf32, #tpu.memory_space<vmem>>) offsets(%dma_start3A_87 : memref<128xi32, #tpu.memory_space<vmem>>) semaphore(%arg14 : memref<!tpu.dma_semaphore, #tpu.memory_space<semaphore_mem>>)
    %dma_start3A_91 = arith.constant 0 : i32
    %dma_start3A_92 = arith.constant 0 : i32
    %dma_start3A_93 = arith.constant 0 : i32
    %dma_start3A_94 = tpu.memref_slice %arg13[%dma_start3A_92, %dma_start3A_93] : memref<4x128xf32, #tpu.memory_space<vmem>> -> memref<1x128xf32, #tpu.memory_space<vmem>>
    %dma_start3A_95 = tpu.memref_squeeze %dma_start3A_94 : memref<1x128xf32, #tpu.memory_space<vmem>> -> memref<128xf32, #tpu.memory_space<vmem>>
    %dma_start3A_96 = arith.constant 0 : i32
    %dma_start3A_97 = tpu.memref_slice %arg11[%dma_start3A_91, %dma_start3A_96] : memref<4x128xi32, #tpu.memory_space<vmem>> -> memref<1x128xi32, #tpu.memory_space<vmem>>
    %dma_start3A_98 = tpu.memref_squeeze %dma_start3A_97 : memref<1x128xi32, #tpu.memory_space<vmem>> -> memref<128xi32, #tpu.memory_space<vmem>>
    %dma_start3A_99 = arith.constant 0 : i32
    %dma_start3A_100 = tpu.memref_slice %arg5[%dma_start3A_99] : memref<16384xf32, #tpu.memory_space<hbm>> -> memref<16384xf32, #tpu.memory_space<hbm>>
    tpu.enqueue_indirect_dma source(%dma_start3A_100 : memref<16384xf32, #tpu.memory_space<hbm>>) target(%dma_start3A_95 : memref<128xf32, #tpu.memory_space<vmem>>) offsets(%dma_start3A_98 : memref<128xi32, #tpu.memory_space<vmem>>) semaphore(%arg15 : memref<!tpu.dma_semaphore, #tpu.memory_space<semaphore_mem>>)
    %dma_start3A_101 = arith.constant 1 : i32
    %dma_start3A_102 = arith.constant 128 : i32
    %dma_start3A_103 = arith.constant 0 : i32
    %dma_start3A_104 = tpu.memref_slice %arg12[%dma_start3A_102, %dma_start3A_103] : memref<512x128xf32, #tpu.memory_space<vmem>> -> memref<128x128xf32, #tpu.memory_space<vmem>>
    %dma_start3A_105 = arith.constant 0 : i32
    %dma_start3A_106 = tpu.memref_slice %arg11[%dma_start3A_101, %dma_start3A_105] : memref<4x128xi32, #tpu.memory_space<vmem>> -> memref<1x128xi32, #tpu.memory_space<vmem>>
    %dma_start3A_107 = tpu.memref_squeeze %dma_start3A_106 : memref<1x128xi32, #tpu.memory_space<vmem>> -> memref<128xi32, #tpu.memory_space<vmem>>
    %dma_start3A_108 = arith.constant 0 : i32
    %dma_start3A_109 = arith.constant 0 : i32
    %dma_start3A_110 = tpu.memref_slice %arg2[%dma_start3A_108, %dma_start3A_109] : memref<16384x128xf32, #tpu.memory_space<hbm>> -> memref<16384x128xf32, #tpu.memory_space<hbm>>
    tpu.enqueue_indirect_dma source(%dma_start3A_110 : memref<16384x128xf32, #tpu.memory_space<hbm>>) target(%dma_start3A_104 : memref<128x128xf32, #tpu.memory_space<vmem>>) offsets(%dma_start3A_107 : memref<128xi32, #tpu.memory_space<vmem>>) semaphore(%arg14 : memref<!tpu.dma_semaphore, #tpu.memory_space<semaphore_mem>>)
    %dma_start3A_111 = arith.constant 1 : i32
    %dma_start3A_112 = arith.constant 1 : i32
    %dma_start3A_113 = arith.constant 0 : i32
    %dma_start3A_114 = tpu.memref_slice %arg13[%dma_start3A_112, %dma_start3A_113] : memref<4x128xf32, #tpu.memory_space<vmem>> -> memref<1x128xf32, #tpu.memory_space<vmem>>
    %dma_start3A_115 = tpu.memref_squeeze %dma_start3A_114 : memref<1x128xf32, #tpu.memory_space<vmem>> -> memref<128xf32, #tpu.memory_space<vmem>>
    %dma_start3A_116 = arith.constant 0 : i32
    %dma_start3A_117 = tpu.memref_slice %arg11[%dma_start3A_111, %dma_start3A_116] : memref<4x128xi32, #tpu.memory_space<vmem>> -> memref<1x128xi32, #tpu.memory_space<vmem>>
    %dma_start3A_118 = tpu.memref_squeeze %dma_start3A_117 : memref<1x128xi32, #tpu.memory_space<vmem>> -> memref<128xi32, #tpu.memory_space<vmem>>
    %dma_start3A_119 = arith.constant 0 : i32
    %dma_start3A_120 = tpu.memref_slice %arg5[%dma_start3A_119] : memref<16384xf32, #tpu.memory_space<hbm>> -> memref<16384xf32, #tpu.memory_space<hbm>>
    tpu.enqueue_indirect_dma source(%dma_start3A_120 : memref<16384xf32, #tpu.memory_space<hbm>>) target(%dma_start3A_115 : memref<128xf32, #tpu.memory_space<vmem>>) offsets(%dma_start3A_118 : memref<128xi32, #tpu.memory_space<vmem>>) semaphore(%arg15 : memref<!tpu.dma_semaphore, #tpu.memory_space<semaphore_mem>>)
    %dma_start3A_121 = arith.constant 2 : i32
    %dma_start3A_122 = arith.constant 256 : i32
    %dma_start3A_123 = arith.constant 0 : i32
    %dma_start3A_124 = tpu.memref_slice %arg12[%dma_start3A_122, %dma_start3A_123] : memref<512x128xf32, #tpu.memory_space<vmem>> -> memref<128x128xf32, #tpu.memory_space<vmem>>
    %dma_start3A_125 = arith.constant 0 : i32
    %dma_start3A_126 = tpu.memref_slice %arg11[%dma_start3A_121, %dma_start3A_125] : memref<4x128xi32, #tpu.memory_space<vmem>> -> memref<1x128xi32, #tpu.memory_space<vmem>>
    %dma_start3A_127 = tpu.memref_squeeze %dma_start3A_126 : memref<1x128xi32, #tpu.memory_space<vmem>> -> memref<128xi32, #tpu.memory_space<vmem>>
    %dma_start3A_128 = arith.constant 0 : i32
    %dma_start3A_129 = arith.constant 0 : i32
    %dma_start3A_130 = tpu.memref_slice %arg2[%dma_start3A_128, %dma_start3A_129] : memref<16384x128xf32, #tpu.memory_space<hbm>> -> memref<16384x128xf32, #tpu.memory_space<hbm>>
    tpu.enqueue_indirect_dma source(%dma_start3A_130 : memref<16384x128xf32, #tpu.memory_space<hbm>>) target(%dma_start3A_124 : memref<128x128xf32, #tpu.memory_space<vmem>>) offsets(%dma_start3A_127 : memref<128xi32, #tpu.memory_space<vmem>>) semaphore(%arg14 : memref<!tpu.dma_semaphore, #tpu.memory_space<semaphore_mem>>)
    %dma_start3A_131 = arith.constant 2 : i32
    %dma_start3A_132 = arith.constant 2 : i32
    %dma_start3A_133 = arith.constant 0 : i32
    %dma_start3A_134 = tpu.memref_slice %arg13[%dma_start3A_132, %dma_start3A_133] : memref<4x128xf32, #tpu.memory_space<vmem>> -> memref<1x128xf32, #tpu.memory_space<vmem>>
    %dma_start3A_135 = tpu.memref_squeeze %dma_start3A_134 : memref<1x128xf32, #tpu.memory_space<vmem>> -> memref<128xf32, #tpu.memory_space<vmem>>
    %dma_start3A_136 = arith.constant 0 : i32
    %dma_start3A_137 = tpu.memref_slice %arg11[%dma_start3A_131, %dma_start3A_136] : memref<4x128xi32, #tpu.memory_space<vmem>> -> memref<1x128xi32, #tpu.memory_space<vmem>>
    %dma_start3A_138 = tpu.memref_squeeze %dma_start3A_137 : memref<1x128xi32, #tpu.memory_space<vmem>> -> memref<128xi32, #tpu.memory_space<vmem>>
    %dma_start3A_139 = arith.constant 0 : i32
    %dma_start3A_140 = tpu.memref_slice %arg5[%dma_start3A_139] : memref<16384xf32, #tpu.memory_space<hbm>> -> memref<16384xf32, #tpu.memory_space<hbm>>
    tpu.enqueue_indirect_dma source(%dma_start3A_140 : memref<16384xf32, #tpu.memory_space<hbm>>) target(%dma_start3A_135 : memref<128xf32, #tpu.memory_space<vmem>>) offsets(%dma_start3A_138 : memref<128xi32, #tpu.memory_space<vmem>>) semaphore(%arg15 : memref<!tpu.dma_semaphore, #tpu.memory_space<semaphore_mem>>)
    %dma_start3A_141 = arith.constant 3 : i32
    %dma_start3A_142 = arith.constant 384 : i32
    %dma_start3A_143 = arith.constant 0 : i32
    %dma_start3A_144 = tpu.memref_slice %arg12[%dma_start3A_142, %dma_start3A_143] : memref<512x128xf32, #tpu.memory_space<vmem>> -> memref<128x128xf32, #tpu.memory_space<vmem>>
    %dma_start3A_145 = arith.constant 0 : i32
    %dma_start3A_146 = tpu.memref_slice %arg11[%dma_start3A_141, %dma_start3A_145] : memref<4x128xi32, #tpu.memory_space<vmem>> -> memref<1x128xi32, #tpu.memory_space<vmem>>
    %dma_start3A_147 = tpu.memref_squeeze %dma_start3A_146 : memref<1x128xi32, #tpu.memory_space<vmem>> -> memref<128xi32, #tpu.memory_space<vmem>>
    %dma_start3A_148 = arith.constant 0 : i32
    %dma_start3A_149 = arith.constant 0 : i32
    %dma_start3A_150 = tpu.memref_slice %arg2[%dma_start3A_148, %dma_start3A_149] : memref<16384x128xf32, #tpu.memory_space<hbm>> -> memref<16384x128xf32, #tpu.memory_space<hbm>>
    tpu.enqueue_indirect_dma source(%dma_start3A_150 : memref<16384x128xf32, #tpu.memory_space<hbm>>) target(%dma_start3A_144 : memref<128x128xf32, #tpu.memory_space<vmem>>) offsets(%dma_start3A_147 : memref<128xi32, #tpu.memory_space<vmem>>) semaphore(%arg14 : memref<!tpu.dma_semaphore, #tpu.memory_space<semaphore_mem>>)
    %dma_start3A_151 = arith.constant 3 : i32
    %dma_start3A_152 = arith.constant 3 : i32
    %dma_start3A_153 = arith.constant 0 : i32
    %dma_start3A_154 = tpu.memref_slice %arg13[%dma_start3A_152, %dma_start3A_153] : memref<4x128xf32, #tpu.memory_space<vmem>> -> memref<1x128xf32, #tpu.memory_space<vmem>>
    %dma_start3A_155 = tpu.memref_squeeze %dma_start3A_154 : memref<1x128xf32, #tpu.memory_space<vmem>> -> memref<128xf32, #tpu.memory_space<vmem>>
    %dma_start3A_156 = arith.constant 0 : i32
    %dma_start3A_157 = tpu.memref_slice %arg11[%dma_start3A_151, %dma_start3A_156] : memref<4x128xi32, #tpu.memory_space<vmem>> -> memref<1x128xi32, #tpu.memory_space<vmem>>
    %dma_start3A_158 = tpu.memref_squeeze %dma_start3A_157 : memref<1x128xi32, #tpu.memory_space<vmem>> -> memref<128xi32, #tpu.memory_space<vmem>>
    %dma_start3A_159 = arith.constant 0 : i32
    %dma_start3A_160 = tpu.memref_slice %arg5[%dma_start3A_159] : memref<16384xf32, #tpu.memory_space<hbm>> -> memref<16384xf32, #tpu.memory_space<hbm>>
    tpu.enqueue_indirect_dma source(%dma_start3A_160 : memref<16384xf32, #tpu.memory_space<hbm>>) target(%dma_start3A_155 : memref<128xf32, #tpu.memory_space<vmem>>) offsets(%dma_start3A_158 : memref<128xi32, #tpu.memory_space<vmem>>) semaphore(%arg15 : memref<!tpu.dma_semaphore, #tpu.memory_space<semaphore_mem>>)
    %dma_wait3A_161 = arith.constant 0 : i32
    %dma_wait3A_162 = arith.constant 0 : i32
    %dma_wait3A_163 = arith.constant 0 : i32
    %dma_wait3A_164 = tpu.memref_slice %arg12[%dma_wait3A_162, %dma_wait3A_163] : memref<512x128xf32, #tpu.memory_space<vmem>> -> memref<128x128xf32, #tpu.memory_space<vmem>>
    %dma_wait3A_165 = arith.constant 0 : i32
    %dma_wait3A_166 = tpu.memref_slice %arg11[%dma_wait3A_161, %dma_wait3A_165] : memref<4x128xi32, #tpu.memory_space<vmem>> -> memref<1x128xi32, #tpu.memory_space<vmem>>
    %dma_wait3A_167 = tpu.memref_squeeze %dma_wait3A_166 : memref<1x128xi32, #tpu.memory_space<vmem>> -> memref<128xi32, #tpu.memory_space<vmem>>
    %dma_wait3A_168 = arith.constant 0 : i32
    %dma_wait3A_169 = arith.constant 0 : i32
    %dma_wait3A_170 = tpu.memref_slice %arg2[%dma_wait3A_168, %dma_wait3A_169] : memref<16384x128xf32, #tpu.memory_space<hbm>> -> memref<16384x128xf32, #tpu.memory_space<hbm>>
    tpu.wait_indirect_dma semaphore(%arg14 : memref<!tpu.dma_semaphore, #tpu.memory_space<semaphore_mem>>) src(%dma_wait3A_170 : memref<16384x128xf32, #tpu.memory_space<hbm>>) dst(%dma_wait3A_164 : memref<128x128xf32, #tpu.memory_space<vmem>>)
    %dma_wait3A_171 = arith.constant 1 : i32
    %dma_wait3A_172 = arith.constant 128 : i32
    %dma_wait3A_173 = arith.constant 0 : i32
    %dma_wait3A_174 = tpu.memref_slice %arg12[%dma_wait3A_172, %dma_wait3A_173] : memref<512x128xf32, #tpu.memory_space<vmem>> -> memref<128x128xf32, #tpu.memory_space<vmem>>
    %dma_wait3A_175 = arith.constant 0 : i32
    %dma_wait3A_176 = tpu.memref_slice %arg11[%dma_wait3A_171, %dma_wait3A_175] : memref<4x128xi32, #tpu.memory_space<vmem>> -> memref<1x128xi32, #tpu.memory_space<vmem>>
    %dma_wait3A_177 = tpu.memref_squeeze %dma_wait3A_176 : memref<1x128xi32, #tpu.memory_space<vmem>> -> memref<128xi32, #tpu.memory_space<vmem>>
    %dma_wait3A_178 = arith.constant 0 : i32
    %dma_wait3A_179 = arith.constant 0 : i32
    %dma_wait3A_180 = tpu.memref_slice %arg2[%dma_wait3A_178, %dma_wait3A_179] : memref<16384x128xf32, #tpu.memory_space<hbm>> -> memref<16384x128xf32, #tpu.memory_space<hbm>>
    tpu.wait_indirect_dma semaphore(%arg14 : memref<!tpu.dma_semaphore, #tpu.memory_space<semaphore_mem>>) src(%dma_wait3A_180 : memref<16384x128xf32, #tpu.memory_space<hbm>>) dst(%dma_wait3A_174 : memref<128x128xf32, #tpu.memory_space<vmem>>)
    %dma_wait3A_181 = arith.constant 2 : i32
    %dma_wait3A_182 = arith.constant 256 : i32
    %dma_wait3A_183 = arith.constant 0 : i32
    %dma_wait3A_184 = tpu.memref_slice %arg12[%dma_wait3A_182, %dma_wait3A_183] : memref<512x128xf32, #tpu.memory_space<vmem>> -> memref<128x128xf32, #tpu.memory_space<vmem>>
    %dma_wait3A_185 = arith.constant 0 : i32
    %dma_wait3A_186 = tpu.memref_slice %arg11[%dma_wait3A_181, %dma_wait3A_185] : memref<4x128xi32, #tpu.memory_space<vmem>> -> memref<1x128xi32, #tpu.memory_space<vmem>>
    %dma_wait3A_187 = tpu.memref_squeeze %dma_wait3A_186 : memref<1x128xi32, #tpu.memory_space<vmem>> -> memref<128xi32, #tpu.memory_space<vmem>>
    %dma_wait3A_188 = arith.constant 0 : i32
    %dma_wait3A_189 = arith.constant 0 : i32
    %dma_wait3A_190 = tpu.memref_slice %arg2[%dma_wait3A_188, %dma_wait3A_189] : memref<16384x128xf32, #tpu.memory_space<hbm>> -> memref<16384x128xf32, #tpu.memory_space<hbm>>
    tpu.wait_indirect_dma semaphore(%arg14 : memref<!tpu.dma_semaphore, #tpu.memory_space<semaphore_mem>>) src(%dma_wait3A_190 : memref<16384x128xf32, #tpu.memory_space<hbm>>) dst(%dma_wait3A_184 : memref<128x128xf32, #tpu.memory_space<vmem>>)
    %dma_wait3A_191 = arith.constant 3 : i32
    %dma_wait3A_192 = arith.constant 384 : i32
    %dma_wait3A_193 = arith.constant 0 : i32
    %dma_wait3A_194 = tpu.memref_slice %arg12[%dma_wait3A_192, %dma_wait3A_193] : memref<512x128xf32, #tpu.memory_space<vmem>> -> memref<128x128xf32, #tpu.memory_space<vmem>>
    %dma_wait3A_195 = arith.constant 0 : i32
    %dma_wait3A_196 = tpu.memref_slice %arg11[%dma_wait3A_191, %dma_wait3A_195] : memref<4x128xi32, #tpu.memory_space<vmem>> -> memref<1x128xi32, #tpu.memory_space<vmem>>
    %dma_wait3A_197 = tpu.memref_squeeze %dma_wait3A_196 : memref<1x128xi32, #tpu.memory_space<vmem>> -> memref<128xi32, #tpu.memory_space<vmem>>
    %dma_wait3A_198 = arith.constant 0 : i32
    %dma_wait3A_199 = arith.constant 0 : i32
    %dma_wait3A_200 = tpu.memref_slice %arg2[%dma_wait3A_198, %dma_wait3A_199] : memref<16384x128xf32, #tpu.memory_space<hbm>> -> memref<16384x128xf32, #tpu.memory_space<hbm>>
    tpu.wait_indirect_dma semaphore(%arg14 : memref<!tpu.dma_semaphore, #tpu.memory_space<semaphore_mem>>) src(%dma_wait3A_200 : memref<16384x128xf32, #tpu.memory_space<hbm>>) dst(%dma_wait3A_194 : memref<128x128xf32, #tpu.memory_space<vmem>>)
    %dma_wait3A_201 = arith.constant 0 : i32
    %dma_wait3A_202 = arith.constant 0 : i32
    %dma_wait3A_203 = arith.constant 0 : i32
    %dma_wait3A_204 = tpu.memref_slice %arg13[%dma_wait3A_202, %dma_wait3A_203] : memref<4x128xf32, #tpu.memory_space<vmem>> -> memref<1x128xf32, #tpu.memory_space<vmem>>
    %dma_wait3A_205 = tpu.memref_squeeze %dma_wait3A_204 : memref<1x128xf32, #tpu.memory_space<vmem>> -> memref<128xf32, #tpu.memory_space<vmem>>
    %dma_wait3A_206 = arith.constant 0 : i32
    %dma_wait3A_207 = tpu.memref_slice %arg11[%dma_wait3A_201, %dma_wait3A_206] : memref<4x128xi32, #tpu.memory_space<vmem>> -> memref<1x128xi32, #tpu.memory_space<vmem>>
    %dma_wait3A_208 = tpu.memref_squeeze %dma_wait3A_207 : memref<1x128xi32, #tpu.memory_space<vmem>> -> memref<128xi32, #tpu.memory_space<vmem>>
    %dma_wait3A_209 = arith.constant 0 : i32
    %dma_wait3A_210 = tpu.memref_slice %arg5[%dma_wait3A_209] : memref<16384xf32, #tpu.memory_space<hbm>> -> memref<16384xf32, #tpu.memory_space<hbm>>
    tpu.wait_indirect_dma semaphore(%arg15 : memref<!tpu.dma_semaphore, #tpu.memory_space<semaphore_mem>>) src(%dma_wait3A_210 : memref<16384xf32, #tpu.memory_space<hbm>>) dst(%dma_wait3A_205 : memref<128xf32, #tpu.memory_space<vmem>>)
    %dma_wait3A_211 = arith.constant 1 : i32
    %dma_wait3A_212 = arith.constant 1 : i32
    %dma_wait3A_213 = arith.constant 0 : i32
    %dma_wait3A_214 = tpu.memref_slice %arg13[%dma_wait3A_212, %dma_wait3A_213] : memref<4x128xf32, #tpu.memory_space<vmem>> -> memref<1x128xf32, #tpu.memory_space<vmem>>
    %dma_wait3A_215 = tpu.memref_squeeze %dma_wait3A_214 : memref<1x128xf32, #tpu.memory_space<vmem>> -> memref<128xf32, #tpu.memory_space<vmem>>
    %dma_wait3A_216 = arith.constant 0 : i32
    %dma_wait3A_217 = tpu.memref_slice %arg11[%dma_wait3A_211, %dma_wait3A_216] : memref<4x128xi32, #tpu.memory_space<vmem>> -> memref<1x128xi32, #tpu.memory_space<vmem>>
    %dma_wait3A_218 = tpu.memref_squeeze %dma_wait3A_217 : memref<1x128xi32, #tpu.memory_space<vmem>> -> memref<128xi32, #tpu.memory_space<vmem>>
    %dma_wait3A_219 = arith.constant 0 : i32
    %dma_wait3A_220 = tpu.memref_slice %arg5[%dma_wait3A_219] : memref<16384xf32, #tpu.memory_space<hbm>> -> memref<16384xf32, #tpu.memory_space<hbm>>
    tpu.wait_indirect_dma semaphore(%arg15 : memref<!tpu.dma_semaphore, #tpu.memory_space<semaphore_mem>>) src(%dma_wait3A_220 : memref<16384xf32, #tpu.memory_space<hbm>>) dst(%dma_wait3A_215 : memref<128xf32, #tpu.memory_space<vmem>>)
    %dma_wait3A_221 = arith.constant 2 : i32
    %dma_wait3A_222 = arith.constant 2 : i32
    %dma_wait3A_223 = arith.constant 0 : i32
    %dma_wait3A_224 = tpu.memref_slice %arg13[%dma_wait3A_222, %dma_wait3A_223] : memref<4x128xf32, #tpu.memory_space<vmem>> -> memref<1x128xf32, #tpu.memory_space<vmem>>
    %dma_wait3A_225 = tpu.memref_squeeze %dma_wait3A_224 : memref<1x128xf32, #tpu.memory_space<vmem>> -> memref<128xf32, #tpu.memory_space<vmem>>
    %dma_wait3A_226 = arith.constant 0 : i32
    %dma_wait3A_227 = tpu.memref_slice %arg11[%dma_wait3A_221, %dma_wait3A_226] : memref<4x128xi32, #tpu.memory_space<vmem>> -> memref<1x128xi32, #tpu.memory_space<vmem>>
    %dma_wait3A_228 = tpu.memref_squeeze %dma_wait3A_227 : memref<1x128xi32, #tpu.memory_space<vmem>> -> memref<128xi32, #tpu.memory_space<vmem>>
    %dma_wait3A_229 = arith.constant 0 : i32
    %dma_wait3A_230 = tpu.memref_slice %arg5[%dma_wait3A_229] : memref<16384xf32, #tpu.memory_space<hbm>> -> memref<16384xf32, #tpu.memory_space<hbm>>
    tpu.wait_indirect_dma semaphore(%arg15 : memref<!tpu.dma_semaphore, #tpu.memory_space<semaphore_mem>>) src(%dma_wait3A_230 : memref<16384xf32, #tpu.memory_space<hbm>>) dst(%dma_wait3A_225 : memref<128xf32, #tpu.memory_space<vmem>>)
    %dma_wait3A_231 = arith.constant 3 : i32
    %dma_wait3A_232 = arith.constant 3 : i32
    %dma_wait3A_233 = arith.constant 0 : i32
    %dma_wait3A_234 = tpu.memref_slice %arg13[%dma_wait3A_232, %dma_wait3A_233] : memref<4x128xf32, #tpu.memory_space<vmem>> -> memref<1x128xf32, #tpu.memory_space<vmem>>
    %dma_wait3A_235 = tpu.memref_squeeze %dma_wait3A_234 : memref<1x128xf32, #tpu.memory_space<vmem>> -> memref<128xf32, #tpu.memory_space<vmem>>
    %dma_wait3A_236 = arith.constant 0 : i32
    %dma_wait3A_237 = tpu.memref_slice %arg11[%dma_wait3A_231, %dma_wait3A_236] : memref<4x128xi32, #tpu.memory_space<vmem>> -> memref<1x128xi32, #tpu.memory_space<vmem>>
    %dma_wait3A_238 = tpu.memref_squeeze %dma_wait3A_237 : memref<1x128xi32, #tpu.memory_space<vmem>> -> memref<128xi32, #tpu.memory_space<vmem>>
    %dma_wait3A_239 = arith.constant 0 : i32
    %dma_wait3A_240 = tpu.memref_slice %arg5[%dma_wait3A_239] : memref<16384xf32, #tpu.memory_space<hbm>> -> memref<16384xf32, #tpu.memory_space<hbm>>
    tpu.wait_indirect_dma semaphore(%arg15 : memref<!tpu.dma_semaphore, #tpu.memory_space<semaphore_mem>>) src(%dma_wait3A_240 : memref<16384xf32, #tpu.memory_space<hbm>>) dst(%dma_wait3A_235 : memref<128xf32, #tpu.memory_space<vmem>>)
    %dma_start3A_241 = arith.constant 0 : i32
    %dma_start3A_242 = arith.constant 0 : i32
    %dma_start3A_243 = arith.constant 0 : i32
    %dma_start3A_244 = tpu.memref_slice %arg12[%dma_start3A_242, %dma_start3A_243] : memref<512x128xf32, #tpu.memory_space<vmem>> -> memref<128x128xf32, #tpu.memory_space<vmem>>
    %dma_start3A_245 = arith.constant 0 : i32
    %dma_start3A_246 = tpu.memref_slice %arg10[%dma_start3A_241, %dma_start3A_245] : memref<4x128xi32, #tpu.memory_space<vmem>> -> memref<1x128xi32, #tpu.memory_space<vmem>>
    %dma_start3A_247 = tpu.memref_squeeze %dma_start3A_246 : memref<1x128xi32, #tpu.memory_space<vmem>> -> memref<128xi32, #tpu.memory_space<vmem>>
    %dma_start3A_248 = arith.constant 0 : i32
    %dma_start3A_249 = arith.constant 0 : i32
    %dma_start3A_250 = tpu.memref_slice %arg6[%dma_start3A_248, %dma_start3A_249] : memref<100000x128xf32, #tpu.memory_space<hbm>> -> memref<100000x128xf32, #tpu.memory_space<hbm>>
    tpu.enqueue_indirect_dma source(%dma_start3A_244 : memref<128x128xf32, #tpu.memory_space<vmem>>) target(%dma_start3A_250 : memref<100000x128xf32, #tpu.memory_space<hbm>>) offsets(%dma_start3A_247 : memref<128xi32, #tpu.memory_space<vmem>>) semaphore(%arg14 : memref<!tpu.dma_semaphore, #tpu.memory_space<semaphore_mem>>)
    %dma_start3A_251 = arith.constant 0 : i32
    %dma_start3A_252 = arith.constant 0 : i32
    %dma_start3A_253 = arith.constant 0 : i32
    %dma_start3A_254 = tpu.memref_slice %arg13[%dma_start3A_251, %dma_start3A_253] : memref<4x128xf32, #tpu.memory_space<vmem>> -> memref<1x128xf32, #tpu.memory_space<vmem>>
    %dma_start3A_255 = tpu.memref_squeeze %dma_start3A_254 : memref<1x128xf32, #tpu.memory_space<vmem>> -> memref<128xf32, #tpu.memory_space<vmem>>
    %dma_start3A_256 = arith.constant 0 : i32
    %dma_start3A_257 = tpu.memref_slice %arg10[%dma_start3A_252, %dma_start3A_256] : memref<4x128xi32, #tpu.memory_space<vmem>> -> memref<1x128xi32, #tpu.memory_space<vmem>>
    %dma_start3A_258 = tpu.memref_squeeze %dma_start3A_257 : memref<1x128xi32, #tpu.memory_space<vmem>> -> memref<128xi32, #tpu.memory_space<vmem>>
    %dma_start3A_259 = arith.constant 0 : i32
    %dma_start3A_260 = tpu.memref_slice %arg7[%dma_start3A_259] : memref<100000xf32, #tpu.memory_space<hbm>> -> memref<100000xf32, #tpu.memory_space<hbm>>
    tpu.enqueue_indirect_dma source(%dma_start3A_255 : memref<128xf32, #tpu.memory_space<vmem>>) target(%dma_start3A_260 : memref<100000xf32, #tpu.memory_space<hbm>>) offsets(%dma_start3A_258 : memref<128xi32, #tpu.memory_space<vmem>>) semaphore(%arg15 : memref<!tpu.dma_semaphore, #tpu.memory_space<semaphore_mem>>)
    %dma_start3A_261 = arith.constant 1 : i32
    %dma_start3A_262 = arith.constant 128 : i32
    %dma_start3A_263 = arith.constant 0 : i32
    %dma_start3A_264 = tpu.memref_slice %arg12[%dma_start3A_262, %dma_start3A_263] : memref<512x128xf32, #tpu.memory_space<vmem>> -> memref<128x128xf32, #tpu.memory_space<vmem>>
    %dma_start3A_265 = arith.constant 0 : i32
    %dma_start3A_266 = tpu.memref_slice %arg10[%dma_start3A_261, %dma_start3A_265] : memref<4x128xi32, #tpu.memory_space<vmem>> -> memref<1x128xi32, #tpu.memory_space<vmem>>
    %dma_start3A_267 = tpu.memref_squeeze %dma_start3A_266 : memref<1x128xi32, #tpu.memory_space<vmem>> -> memref<128xi32, #tpu.memory_space<vmem>>
    %dma_start3A_268 = arith.constant 0 : i32
    %dma_start3A_269 = arith.constant 0 : i32
    %dma_start3A_270 = tpu.memref_slice %arg6[%dma_start3A_268, %dma_start3A_269] : memref<100000x128xf32, #tpu.memory_space<hbm>> -> memref<100000x128xf32, #tpu.memory_space<hbm>>
    tpu.enqueue_indirect_dma source(%dma_start3A_264 : memref<128x128xf32, #tpu.memory_space<vmem>>) target(%dma_start3A_270 : memref<100000x128xf32, #tpu.memory_space<hbm>>) offsets(%dma_start3A_267 : memref<128xi32, #tpu.memory_space<vmem>>) semaphore(%arg14 : memref<!tpu.dma_semaphore, #tpu.memory_space<semaphore_mem>>)
    %dma_start3A_271 = arith.constant 1 : i32
    %dma_start3A_272 = arith.constant 1 : i32
    %dma_start3A_273 = arith.constant 0 : i32
    %dma_start3A_274 = tpu.memref_slice %arg13[%dma_start3A_271, %dma_start3A_273] : memref<4x128xf32, #tpu.memory_space<vmem>> -> memref<1x128xf32, #tpu.memory_space<vmem>>
    %dma_start3A_275 = tpu.memref_squeeze %dma_start3A_274 : memref<1x128xf32, #tpu.memory_space<vmem>> -> memref<128xf32, #tpu.memory_space<vmem>>
    %dma_start3A_276 = arith.constant 0 : i32
    %dma_start3A_277 = tpu.memref_slice %arg10[%dma_start3A_272, %dma_start3A_276] : memref<4x128xi32, #tpu.memory_space<vmem>> -> memref<1x128xi32, #tpu.memory_space<vmem>>
    %dma_start3A_278 = tpu.memref_squeeze %dma_start3A_277 : memref<1x128xi32, #tpu.memory_space<vmem>> -> memref<128xi32, #tpu.memory_space<vmem>>
    %dma_start3A_279 = arith.constant 0 : i32
    %dma_start3A_280 = tpu.memref_slice %arg7[%dma_start3A_279] : memref<100000xf32, #tpu.memory_space<hbm>> -> memref<100000xf32, #tpu.memory_space<hbm>>
    tpu.enqueue_indirect_dma source(%dma_start3A_275 : memref<128xf32, #tpu.memory_space<vmem>>) target(%dma_start3A_280 : memref<100000xf32, #tpu.memory_space<hbm>>) offsets(%dma_start3A_278 : memref<128xi32, #tpu.memory_space<vmem>>) semaphore(%arg15 : memref<!tpu.dma_semaphore, #tpu.memory_space<semaphore_mem>>)
    %dma_start3A_281 = arith.constant 2 : i32
    %dma_start3A_282 = arith.constant 256 : i32
    %dma_start3A_283 = arith.constant 0 : i32
    %dma_start3A_284 = tpu.memref_slice %arg12[%dma_start3A_282, %dma_start3A_283] : memref<512x128xf32, #tpu.memory_space<vmem>> -> memref<128x128xf32, #tpu.memory_space<vmem>>
    %dma_start3A_285 = arith.constant 0 : i32
    %dma_start3A_286 = tpu.memref_slice %arg10[%dma_start3A_281, %dma_start3A_285] : memref<4x128xi32, #tpu.memory_space<vmem>> -> memref<1x128xi32, #tpu.memory_space<vmem>>
    %dma_start3A_287 = tpu.memref_squeeze %dma_start3A_286 : memref<1x128xi32, #tpu.memory_space<vmem>> -> memref<128xi32, #tpu.memory_space<vmem>>
    %dma_start3A_288 = arith.constant 0 : i32
    %dma_start3A_289 = arith.constant 0 : i32
    %dma_start3A_290 = tpu.memref_slice %arg6[%dma_start3A_288, %dma_start3A_289] : memref<100000x128xf32, #tpu.memory_space<hbm>> -> memref<100000x128xf32, #tpu.memory_space<hbm>>
    tpu.enqueue_indirect_dma source(%dma_start3A_284 : memref<128x128xf32, #tpu.memory_space<vmem>>) target(%dma_start3A_290 : memref<100000x128xf32, #tpu.memory_space<hbm>>) offsets(%dma_start3A_287 : memref<128xi32, #tpu.memory_space<vmem>>) semaphore(%arg14 : memref<!tpu.dma_semaphore, #tpu.memory_space<semaphore_mem>>)
    %dma_start3A_291 = arith.constant 2 : i32
    %dma_start3A_292 = arith.constant 2 : i32
    %dma_start3A_293 = arith.constant 0 : i32
    %dma_start3A_294 = tpu.memref_slice %arg13[%dma_start3A_291, %dma_start3A_293] : memref<4x128xf32, #tpu.memory_space<vmem>> -> memref<1x128xf32, #tpu.memory_space<vmem>>
    %dma_start3A_295 = tpu.memref_squeeze %dma_start3A_294 : memref<1x128xf32, #tpu.memory_space<vmem>> -> memref<128xf32, #tpu.memory_space<vmem>>
    %dma_start3A_296 = arith.constant 0 : i32
    %dma_start3A_297 = tpu.memref_slice %arg10[%dma_start3A_292, %dma_start3A_296] : memref<4x128xi32, #tpu.memory_space<vmem>> -> memref<1x128xi32, #tpu.memory_space<vmem>>
    %dma_start3A_298 = tpu.memref_squeeze %dma_start3A_297 : memref<1x128xi32, #tpu.memory_space<vmem>> -> memref<128xi32, #tpu.memory_space<vmem>>
    %dma_start3A_299 = arith.constant 0 : i32
    %dma_start3A_300 = tpu.memref_slice %arg7[%dma_start3A_299] : memref<100000xf32, #tpu.memory_space<hbm>> -> memref<100000xf32, #tpu.memory_space<hbm>>
    tpu.enqueue_indirect_dma source(%dma_start3A_295 : memref<128xf32, #tpu.memory_space<vmem>>) target(%dma_start3A_300 : memref<100000xf32, #tpu.memory_space<hbm>>) offsets(%dma_start3A_298 : memref<128xi32, #tpu.memory_space<vmem>>) semaphore(%arg15 : memref<!tpu.dma_semaphore, #tpu.memory_space<semaphore_mem>>)
    %dma_start3A_301 = arith.constant 3 : i32
    %dma_start3A_302 = arith.constant 384 : i32
    %dma_start3A_303 = arith.constant 0 : i32
    %dma_start3A_304 = tpu.memref_slice %arg12[%dma_start3A_302, %dma_start3A_303] : memref<512x128xf32, #tpu.memory_space<vmem>> -> memref<128x128xf32, #tpu.memory_space<vmem>>
    %dma_start3A_305 = arith.constant 0 : i32
    %dma_start3A_306 = tpu.memref_slice %arg10[%dma_start3A_301, %dma_start3A_305] : memref<4x128xi32, #tpu.memory_space<vmem>> -> memref<1x128xi32, #tpu.memory_space<vmem>>
    %dma_start3A_307 = tpu.memref_squeeze %dma_start3A_306 : memref<1x128xi32, #tpu.memory_space<vmem>> -> memref<128xi32, #tpu.memory_space<vmem>>
    %dma_start3A_308 = arith.constant 0 : i32
    %dma_start3A_309 = arith.constant 0 : i32
    %dma_start3A_310 = tpu.memref_slice %arg6[%dma_start3A_308, %dma_start3A_309] : memref<100000x128xf32, #tpu.memory_space<hbm>> -> memref<100000x128xf32, #tpu.memory_space<hbm>>
    tpu.enqueue_indirect_dma source(%dma_start3A_304 : memref<128x128xf32, #tpu.memory_space<vmem>>) target(%dma_start3A_310 : memref<100000x128xf32, #tpu.memory_space<hbm>>) offsets(%dma_start3A_307 : memref<128xi32, #tpu.memory_space<vmem>>) semaphore(%arg14 : memref<!tpu.dma_semaphore, #tpu.memory_space<semaphore_mem>>)
    %dma_start3A_311 = arith.constant 3 : i32
    %dma_start3A_312 = arith.constant 3 : i32
    %dma_start3A_313 = arith.constant 0 : i32
    %dma_start3A_314 = tpu.memref_slice %arg13[%dma_start3A_311, %dma_start3A_313] : memref<4x128xf32, #tpu.memory_space<vmem>> -> memref<1x128xf32, #tpu.memory_space<vmem>>
    %dma_start3A_315 = tpu.memref_squeeze %dma_start3A_314 : memref<1x128xf32, #tpu.memory_space<vmem>> -> memref<128xf32, #tpu.memory_space<vmem>>
    %dma_start3A_316 = arith.constant 0 : i32
    %dma_start3A_317 = tpu.memref_slice %arg10[%dma_start3A_312, %dma_start3A_316] : memref<4x128xi32, #tpu.memory_space<vmem>> -> memref<1x128xi32, #tpu.memory_space<vmem>>
    %dma_start3A_318 = tpu.memref_squeeze %dma_start3A_317 : memref<1x128xi32, #tpu.memory_space<vmem>> -> memref<128xi32, #tpu.memory_space<vmem>>
    %dma_start3A_319 = arith.constant 0 : i32
    %dma_start3A_320 = tpu.memref_slice %arg7[%dma_start3A_319] : memref<100000xf32, #tpu.memory_space<hbm>> -> memref<100000xf32, #tpu.memory_space<hbm>>
    tpu.enqueue_indirect_dma source(%dma_start3A_315 : memref<128xf32, #tpu.memory_space<vmem>>) target(%dma_start3A_320 : memref<100000xf32, #tpu.memory_space<hbm>>) offsets(%dma_start3A_318 : memref<128xi32, #tpu.memory_space<vmem>>) semaphore(%arg15 : memref<!tpu.dma_semaphore, #tpu.memory_space<semaphore_mem>>)
    %dma_wait3A_321 = arith.constant 0 : i32
    %dma_wait3A_322 = arith.constant 0 : i32
    %dma_wait3A_323 = arith.constant 0 : i32
    %dma_wait3A_324 = tpu.memref_slice %arg12[%dma_wait3A_322, %dma_wait3A_323] : memref<512x128xf32, #tpu.memory_space<vmem>> -> memref<128x128xf32, #tpu.memory_space<vmem>>
    %dma_wait3A_325 = arith.constant 0 : i32
    %dma_wait3A_326 = tpu.memref_slice %arg10[%dma_wait3A_321, %dma_wait3A_325] : memref<4x128xi32, #tpu.memory_space<vmem>> -> memref<1x128xi32, #tpu.memory_space<vmem>>
    %dma_wait3A_327 = tpu.memref_squeeze %dma_wait3A_326 : memref<1x128xi32, #tpu.memory_space<vmem>> -> memref<128xi32, #tpu.memory_space<vmem>>
    %dma_wait3A_328 = arith.constant 0 : i32
    %dma_wait3A_329 = arith.constant 0 : i32
    %dma_wait3A_330 = tpu.memref_slice %arg6[%dma_wait3A_328, %dma_wait3A_329] : memref<100000x128xf32, #tpu.memory_space<hbm>> -> memref<100000x128xf32, #tpu.memory_space<hbm>>
    tpu.wait_indirect_dma semaphore(%arg14 : memref<!tpu.dma_semaphore, #tpu.memory_space<semaphore_mem>>) src(%dma_wait3A_324 : memref<128x128xf32, #tpu.memory_space<vmem>>) dst(%dma_wait3A_330 : memref<100000x128xf32, #tpu.memory_space<hbm>>)
    %dma_wait3A_331 = arith.constant 0 : i32
    %dma_wait3A_332 = arith.constant 0 : i32
    %dma_wait3A_333 = arith.constant 0 : i32
    %dma_wait3A_334 = tpu.memref_slice %arg13[%dma_wait3A_331, %dma_wait3A_333] : memref<4x128xf32, #tpu.memory_space<vmem>> -> memref<1x128xf32, #tpu.memory_space<vmem>>
    %dma_wait3A_335 = tpu.memref_squeeze %dma_wait3A_334 : memref<1x128xf32, #tpu.memory_space<vmem>> -> memref<128xf32, #tpu.memory_space<vmem>>
    %dma_wait3A_336 = arith.constant 0 : i32
    %dma_wait3A_337 = tpu.memref_slice %arg10[%dma_wait3A_332, %dma_wait3A_336] : memref<4x128xi32, #tpu.memory_space<vmem>> -> memref<1x128xi32, #tpu.memory_space<vmem>>
    %dma_wait3A_338 = tpu.memref_squeeze %dma_wait3A_337 : memref<1x128xi32, #tpu.memory_space<vmem>> -> memref<128xi32, #tpu.memory_space<vmem>>
    %dma_wait3A_339 = arith.constant 0 : i32
    %dma_wait3A_340 = tpu.memref_slice %arg7[%dma_wait3A_339] : memref<100000xf32, #tpu.memory_space<hbm>> -> memref<100000xf32, #tpu.memory_space<hbm>>
    tpu.wait_indirect_dma semaphore(%arg15 : memref<!tpu.dma_semaphore, #tpu.memory_space<semaphore_mem>>) src(%dma_wait3A_335 : memref<128xf32, #tpu.memory_space<vmem>>) dst(%dma_wait3A_340 : memref<100000xf32, #tpu.memory_space<hbm>>)
    %dma_wait3A_341 = arith.constant 1 : i32
    %dma_wait3A_342 = arith.constant 128 : i32
    %dma_wait3A_343 = arith.constant 0 : i32
    %dma_wait3A_344 = tpu.memref_slice %arg12[%dma_wait3A_342, %dma_wait3A_343] : memref<512x128xf32, #tpu.memory_space<vmem>> -> memref<128x128xf32, #tpu.memory_space<vmem>>
    %dma_wait3A_345 = arith.constant 0 : i32
    %dma_wait3A_346 = tpu.memref_slice %arg10[%dma_wait3A_341, %dma_wait3A_345] : memref<4x128xi32, #tpu.memory_space<vmem>> -> memref<1x128xi32, #tpu.memory_space<vmem>>
    %dma_wait3A_347 = tpu.memref_squeeze %dma_wait3A_346 : memref<1x128xi32, #tpu.memory_space<vmem>> -> memref<128xi32, #tpu.memory_space<vmem>>
    %dma_wait3A_348 = arith.constant 0 : i32
    %dma_wait3A_349 = arith.constant 0 : i32
    %dma_wait3A_350 = tpu.memref_slice %arg6[%dma_wait3A_348, %dma_wait3A_349] : memref<100000x128xf32, #tpu.memory_space<hbm>> -> memref<100000x128xf32, #tpu.memory_space<hbm>>
    tpu.wait_indirect_dma semaphore(%arg14 : memref<!tpu.dma_semaphore, #tpu.memory_space<semaphore_mem>>) src(%dma_wait3A_344 : memref<128x128xf32, #tpu.memory_space<vmem>>) dst(%dma_wait3A_350 : memref<100000x128xf32, #tpu.memory_space<hbm>>)
    %dma_wait3A_351 = arith.constant 1 : i32
    %dma_wait3A_352 = arith.constant 1 : i32
    %dma_wait3A_353 = arith.constant 0 : i32
    %dma_wait3A_354 = tpu.memref_slice %arg13[%dma_wait3A_351, %dma_wait3A_353] : memref<4x128xf32, #tpu.memory_space<vmem>> -> memref<1x128xf32, #tpu.memory_space<vmem>>
    %dma_wait3A_355 = tpu.memref_squeeze %dma_wait3A_354 : memref<1x128xf32, #tpu.memory_space<vmem>> -> memref<128xf32, #tpu.memory_space<vmem>>
    %dma_wait3A_356 = arith.constant 0 : i32
    %dma_wait3A_357 = tpu.memref_slice %arg10[%dma_wait3A_352, %dma_wait3A_356] : memref<4x128xi32, #tpu.memory_space<vmem>> -> memref<1x128xi32, #tpu.memory_space<vmem>>
    %dma_wait3A_358 = tpu.memref_squeeze %dma_wait3A_357 : memref<1x128xi32, #tpu.memory_space<vmem>> -> memref<128xi32, #tpu.memory_space<vmem>>
    %dma_wait3A_359 = arith.constant 0 : i32
    %dma_wait3A_360 = tpu.memref_slice %arg7[%dma_wait3A_359] : memref<100000xf32, #tpu.memory_space<hbm>> -> memref<100000xf32, #tpu.memory_space<hbm>>
    tpu.wait_indirect_dma semaphore(%arg15 : memref<!tpu.dma_semaphore, #tpu.memory_space<semaphore_mem>>) src(%dma_wait3A_355 : memref<128xf32, #tpu.memory_space<vmem>>) dst(%dma_wait3A_360 : memref<100000xf32, #tpu.memory_space<hbm>>)
    %dma_wait3A_361 = arith.constant 2 : i32
    %dma_wait3A_362 = arith.constant 256 : i32
    %dma_wait3A_363 = arith.constant 0 : i32
    %dma_wait3A_364 = tpu.memref_slice %arg12[%dma_wait3A_362, %dma_wait3A_363] : memref<512x128xf32, #tpu.memory_space<vmem>> -> memref<128x128xf32, #tpu.memory_space<vmem>>
    %dma_wait3A_365 = arith.constant 0 : i32
    %dma_wait3A_366 = tpu.memref_slice %arg10[%dma_wait3A_361, %dma_wait3A_365] : memref<4x128xi32, #tpu.memory_space<vmem>> -> memref<1x128xi32, #tpu.memory_space<vmem>>
    %dma_wait3A_367 = tpu.memref_squeeze %dma_wait3A_366 : memref<1x128xi32, #tpu.memory_space<vmem>> -> memref<128xi32, #tpu.memory_space<vmem>>
    %dma_wait3A_368 = arith.constant 0 : i32
    %dma_wait3A_369 = arith.constant 0 : i32
    %dma_wait3A_370 = tpu.memref_slice %arg6[%dma_wait3A_368, %dma_wait3A_369] : memref<100000x128xf32, #tpu.memory_space<hbm>> -> memref<100000x128xf32, #tpu.memory_space<hbm>>
    tpu.wait_indirect_dma semaphore(%arg14 : memref<!tpu.dma_semaphore, #tpu.memory_space<semaphore_mem>>) src(%dma_wait3A_364 : memref<128x128xf32, #tpu.memory_space<vmem>>) dst(%dma_wait3A_370 : memref<100000x128xf32, #tpu.memory_space<hbm>>)
    %dma_wait3A_371 = arith.constant 2 : i32
    %dma_wait3A_372 = arith.constant 2 : i32
    %dma_wait3A_373 = arith.constant 0 : i32
    %dma_wait3A_374 = tpu.memref_slice %arg13[%dma_wait3A_371, %dma_wait3A_373] : memref<4x128xf32, #tpu.memory_space<vmem>> -> memref<1x128xf32, #tpu.memory_space<vmem>>
    %dma_wait3A_375 = tpu.memref_squeeze %dma_wait3A_374 : memref<1x128xf32, #tpu.memory_space<vmem>> -> memref<128xf32, #tpu.memory_space<vmem>>
    %dma_wait3A_376 = arith.constant 0 : i32
    %dma_wait3A_377 = tpu.memref_slice %arg10[%dma_wait3A_372, %dma_wait3A_376] : memref<4x128xi32, #tpu.memory_space<vmem>> -> memref<1x128xi32, #tpu.memory_space<vmem>>
    %dma_wait3A_378 = tpu.memref_squeeze %dma_wait3A_377 : memref<1x128xi32, #tpu.memory_space<vmem>> -> memref<128xi32, #tpu.memory_space<vmem>>
    %dma_wait3A_379 = arith.constant 0 : i32
    %dma_wait3A_380 = tpu.memref_slice %arg7[%dma_wait3A_379] : memref<100000xf32, #tpu.memory_space<hbm>> -> memref<100000xf32, #tpu.memory_space<hbm>>
    tpu.wait_indirect_dma semaphore(%arg15 : memref<!tpu.dma_semaphore, #tpu.memory_space<semaphore_mem>>) src(%dma_wait3A_375 : memref<128xf32, #tpu.memory_space<vmem>>) dst(%dma_wait3A_380 : memref<100000xf32, #tpu.memory_space<hbm>>)
    %dma_wait3A_381 = arith.constant 3 : i32
    %dma_wait3A_382 = arith.constant 384 : i32
    %dma_wait3A_383 = arith.constant 0 : i32
    %dma_wait3A_384 = tpu.memref_slice %arg12[%dma_wait3A_382, %dma_wait3A_383] : memref<512x128xf32, #tpu.memory_space<vmem>> -> memref<128x128xf32, #tpu.memory_space<vmem>>
    %dma_wait3A_385 = arith.constant 0 : i32
    %dma_wait3A_386 = tpu.memref_slice %arg10[%dma_wait3A_381, %dma_wait3A_385] : memref<4x128xi32, #tpu.memory_space<vmem>> -> memref<1x128xi32, #tpu.memory_space<vmem>>
    %dma_wait3A_387 = tpu.memref_squeeze %dma_wait3A_386 : memref<1x128xi32, #tpu.memory_space<vmem>> -> memref<128xi32, #tpu.memory_space<vmem>>
    %dma_wait3A_388 = arith.constant 0 : i32
    %dma_wait3A_389 = arith.constant 0 : i32
    %dma_wait3A_390 = tpu.memref_slice %arg6[%dma_wait3A_388, %dma_wait3A_389] : memref<100000x128xf32, #tpu.memory_space<hbm>> -> memref<100000x128xf32, #tpu.memory_space<hbm>>
    tpu.wait_indirect_dma semaphore(%arg14 : memref<!tpu.dma_semaphore, #tpu.memory_space<semaphore_mem>>) src(%dma_wait3A_384 : memref<128x128xf32, #tpu.memory_space<vmem>>) dst(%dma_wait3A_390 : memref<100000x128xf32, #tpu.memory_space<hbm>>)
    %dma_wait3A_391 = arith.constant 3 : i32
    %dma_wait3A_392 = arith.constant 3 : i32
    %dma_wait3A_393 = arith.constant 0 : i32
    %dma_wait3A_394 = tpu.memref_slice %arg13[%dma_wait3A_391, %dma_wait3A_393] : memref<4x128xf32, #tpu.memory_space<vmem>> -> memref<1x128xf32, #tpu.memory_space<vmem>>
    %dma_wait3A_395 = tpu.memref_squeeze %dma_wait3A_394 : memref<1x128xf32, #tpu.memory_space<vmem>> -> memref<128xf32, #tpu.memory_space<vmem>>
    %dma_wait3A_396 = arith.constant 0 : i32
    %dma_wait3A_397 = tpu.memref_slice %arg10[%dma_wait3A_392, %dma_wait3A_396] : memref<4x128xi32, #tpu.memory_space<vmem>> -> memref<1x128xi32, #tpu.memory_space<vmem>>
    %dma_wait3A_398 = tpu.memref_squeeze %dma_wait3A_397 : memref<1x128xi32, #tpu.memory_space<vmem>> -> memref<128xi32, #tpu.memory_space<vmem>>
    %dma_wait3A_399 = arith.constant 0 : i32
    %dma_wait3A_400 = tpu.memref_slice %arg7[%dma_wait3A_399] : memref<100000xf32, #tpu.memory_space<hbm>> -> memref<100000xf32, #tpu.memory_space<hbm>>
    tpu.wait_indirect_dma semaphore(%arg15 : memref<!tpu.dma_semaphore, #tpu.memory_space<semaphore_mem>>) src(%dma_wait3A_395 : memref<128xf32, #tpu.memory_space<vmem>>) dst(%dma_wait3A_400 : memref<100000xf32, #tpu.memory_space<hbm>>)
    return
  }
}

module attributes {stable_mosaic.version = 14 : i64} {
  func.func @_gru_body(%arg0: i32, %arg1: memref<1024x128xf32, #tpu.memory_space<vmem>>, %arg2: memref<1024x128xf32, #tpu.memory_space<vmem>>, %arg3: memref<128x384xf32, #tpu.memory_space<vmem>>, %arg4: memref<128x384xf32, #tpu.memory_space<vmem>>, %arg5: memref<1x384xf32, #tpu.memory_space<vmem>>, %arg6: memref<1x384xf32, #tpu.memory_space<vmem>>, %arg7: memref<1024x128xf32, #tpu.memory_space<vmem>>) attributes {dimension_semantics = [#tpu.dimension_semantics<arbitrary>], iteration_bounds = array<i64: 16>, scalar_prefetch = 0 : i64, scratch_operands = 0 : i64, tpu.core_type = #tpu.core_type<tc>, window_params = [{transform_indices = @transform_0, window_bounds = array<i64: 1024, 128>}, {transform_indices = @transform_1, window_bounds = array<i64: 1024, 128>}, {pipeline_mode = #tpu.pipeline_mode<synchronous>, transform_indices = @transform_2, window_bounds = array<i64: 128, 384>}, {pipeline_mode = #tpu.pipeline_mode<synchronous>, transform_indices = @transform_3, window_bounds = array<i64: 128, 384>}, {pipeline_mode = #tpu.pipeline_mode<synchronous>, transform_indices = @transform_4, window_bounds = array<i64: 1, 384>}, {pipeline_mode = #tpu.pipeline_mode<synchronous>, transform_indices = @transform_5, window_bounds = array<i64: 1, 384>}, {transform_indices = @transform_6, window_bounds = array<i64: 1024, 128>}]} {
    %get3A = arith.constant 0 : index
    %get3A_0 = arith.constant 0 : index
    %get3A_1 = vector.load %arg1[%get3A, %get3A_0] : memref<1024x128xf32, #tpu.memory_space<vmem>>, vector<1024x128xf32>
    %get3A_2 = arith.constant 0 : index
    %get3A_3 = arith.constant 0 : index
    %get3A_4 = vector.load %arg2[%get3A_2, %get3A_3] : memref<1024x128xf32, #tpu.memory_space<vmem>>, vector<1024x128xf32>
    %get3A_5 = arith.constant 0 : index
    %get3A_6 = arith.constant 0 : index
    %get3A_7 = vector.load %arg3[%get3A_5, %get3A_6] : memref<128x384xf32, #tpu.memory_space<vmem>>, vector<128x384xf32>
    %dot_general3A = arith.constant dense<0.000000e+00> : vector<1024x384xf32>
    %dot_general3A_8 = tpu.matmul %get3A_1, %get3A_7, %dot_general3A {dimension_numbers = #tpu.dot_dimension_numbers<[1], [0], [0], [1], [0, 0, 1, 1], [], []>, transpose_lhs_hint = false} : vector<1024x128xf32>, vector<128x384xf32>, vector<1024x384xf32> -> vector<1024x384xf32>
    %get3A_9 = arith.constant 0 : index
    %get3A_10 = arith.constant 0 : index
    %get3A_11 = vector.load %arg5[%get3A_9, %get3A_10] : memref<1x384xf32, #tpu.memory_space<vmem>>, vector<1x384xf32>
    %add3A = vector.broadcast %get3A_11 : vector<1x384xf32> to vector<1024x384xf32>
    %add3A_12 = arith.addf %dot_general3A_8, %add3A : vector<1024x384xf32>
    %get3A_13 = arith.constant 0 : index
    %get3A_14 = arith.constant 0 : index
    %get3A_15 = vector.load %arg4[%get3A_13, %get3A_14] : memref<128x384xf32, #tpu.memory_space<vmem>>, vector<128x384xf32>
    %dot_general3A_16 = arith.constant dense<0.000000e+00> : vector<1024x384xf32>
    %dot_general3A_17 = tpu.matmul %get3A_4, %get3A_15, %dot_general3A_16 {dimension_numbers = #tpu.dot_dimension_numbers<[1], [0], [0], [1], [0, 0, 1, 1], [], []>, transpose_lhs_hint = false} : vector<1024x128xf32>, vector<128x384xf32>, vector<1024x384xf32> -> vector<1024x384xf32>
    %get3A_18 = arith.constant 0 : index
    %get3A_19 = arith.constant 0 : index
    %get3A_20 = vector.load %arg6[%get3A_18, %get3A_19] : memref<1x384xf32, #tpu.memory_space<vmem>>, vector<1x384xf32>
    %add3A_21 = vector.broadcast %get3A_20 : vector<1x384xf32> to vector<1024x384xf32>
    %add3A_22 = arith.addf %dot_general3A_17, %add3A_21 : vector<1024x384xf32>
    %slice3A = vector.extract_strided_slice %add3A_12 {offsets = [0, 0], sizes = [1024, 128], strides = [1, 1]} : vector<1024x384xf32> to vector<1024x128xf32>
    %slice3A_23 = vector.extract_strided_slice %add3A_22 {offsets = [0, 0], sizes = [1024, 128], strides = [1, 1]} : vector<1024x384xf32> to vector<1024x128xf32>
    %add3A_24 = arith.addf %slice3A, %slice3A_23 : vector<1024x128xf32>
    %logistic3A = arith.negf %add3A_24 : vector<1024x128xf32>
    %logistic3A_25 = math.exp %logistic3A : vector<1024x128xf32>
    %logistic3A_26 = arith.constant 1.000000e+00 : f32
    %logistic3A_27 = vector.broadcast %logistic3A_26 : f32 to vector<1024x128xf32>
    %logistic3A_28 = arith.addf %logistic3A_27, %logistic3A_25 : vector<1024x128xf32>
    %logistic3A_29 = arith.divf %logistic3A_27, %logistic3A_28 : vector<1024x128xf32>
    %slice3A_30 = vector.extract_strided_slice %add3A_12 {offsets = [0, 128], sizes = [1024, 128], strides = [1, 1]} : vector<1024x384xf32> to vector<1024x128xf32>
    %slice3A_31 = vector.extract_strided_slice %add3A_22 {offsets = [0, 128], sizes = [1024, 128], strides = [1, 1]} : vector<1024x384xf32> to vector<1024x128xf32>
    %add3A_32 = arith.addf %slice3A_30, %slice3A_31 : vector<1024x128xf32>
    %logistic3A_33 = arith.negf %add3A_32 : vector<1024x128xf32>
    %logistic3A_34 = math.exp %logistic3A_33 : vector<1024x128xf32>
    %logistic3A_35 = arith.constant 1.000000e+00 : f32
    %logistic3A_36 = vector.broadcast %logistic3A_35 : f32 to vector<1024x128xf32>
    %logistic3A_37 = arith.addf %logistic3A_36, %logistic3A_34 : vector<1024x128xf32>
    %logistic3A_38 = arith.divf %logistic3A_36, %logistic3A_37 : vector<1024x128xf32>
    %slice3A_39 = vector.extract_strided_slice %add3A_12 {offsets = [0, 256], sizes = [1024, 128], strides = [1, 1]} : vector<1024x384xf32> to vector<1024x128xf32>
    %slice3A_40 = vector.extract_strided_slice %add3A_22 {offsets = [0, 256], sizes = [1024, 128], strides = [1, 1]} : vector<1024x384xf32> to vector<1024x128xf32>
    %mul3A = arith.mulf %logistic3A_29, %slice3A_40 : vector<1024x128xf32>
    %add3A_41 = arith.addf %slice3A_39, %mul3A : vector<1024x128xf32>
    %tanh3A = math.tanh %add3A_41 : vector<1024x128xf32>
    %sub3A = arith.constant 1.000000e+00 : f32
    %sub3A_42 = vector.broadcast %sub3A : f32 to vector<1024x128xf32>
    %sub3A_43 = arith.subf %sub3A_42, %logistic3A_38 : vector<1024x128xf32>
    %mul3A_44 = arith.mulf %sub3A_43, %tanh3A : vector<1024x128xf32>
    %mul3A_45 = arith.mulf %logistic3A_38, %get3A_4 : vector<1024x128xf32>
    %add3A_46 = arith.addf %mul3A_44, %mul3A_45 : vector<1024x128xf32>
    %swap3A = arith.constant 0 : index
    %swap3A_47 = arith.constant 0 : index
    %swap3A_48 = vector.load %arg7[%swap3A, %swap3A_47] : memref<1024x128xf32, #tpu.memory_space<vmem>>, vector<1024x128xf32>
    tpu.vector_store %arg7[%swap3A, %swap3A_47], %add3A_46 {strides = array<i32>} : memref<1024x128xf32, #tpu.memory_space<vmem>>, vector<1024x128xf32>,
    return
  }
  func.func @transform_0(%arg0: i32) -> (i32, i32) {
    %c0_i32 = arith.constant 0 : i32
    %c0_i32_0 = arith.constant 0 : i32
    return %arg0, %c0_i32 : i32, i32
  }
  func.func @transform_1(%arg0: i32) -> (i32, i32) {
    %c0_i32 = arith.constant 0 : i32
    %c0_i32_0 = arith.constant 0 : i32
    return %arg0, %c0_i32 : i32, i32
  }
  func.func @transform_2(%arg0: i32) -> (i32, i32) {
    %c0_i32 = arith.constant 0 : i32
    %c0_i32_0 = arith.constant 0 : i32
    %c0_i32_1 = arith.constant 0 : i32
    return %c0_i32, %c0_i32_0 : i32, i32
  }
  func.func @transform_3(%arg0: i32) -> (i32, i32) {
    %c0_i32 = arith.constant 0 : i32
    %c0_i32_0 = arith.constant 0 : i32
    %c0_i32_1 = arith.constant 0 : i32
    return %c0_i32, %c0_i32_0 : i32, i32
  }
  func.func @transform_4(%arg0: i32) -> (i32, i32) {
    %c0_i32 = arith.constant 0 : i32
    %c0_i32_0 = arith.constant 0 : i32
    %c0_i32_1 = arith.constant 0 : i32
    return %c0_i32, %c0_i32_0 : i32, i32
  }
  func.func @transform_5(%arg0: i32) -> (i32, i32) {
    %c0_i32 = arith.constant 0 : i32
    %c0_i32_0 = arith.constant 0 : i32
    %c0_i32_1 = arith.constant 0 : i32
    return %c0_i32, %c0_i32_0 : i32, i32
  }
  func.func @transform_6(%arg0: i32) -> (i32, i32) {
    %c0_i32 = arith.constant 0 : i32
    %c0_i32_0 = arith.constant 0 : i32
    return %arg0, %c0_i32 : i32, i32
  }
}

</mosaic_0001>

<sc_bundles>
// kernel: kernel.12.cloned.1.call-start
scs
__scs_entry_jumppad:
0x0: {  	(pc) =	sbr.rel $0x88, $3  }
0x1: {  	(tag) =	ssettag $0x0;
	lr =	simm.s32 $0x1  }
0x2: {  	[smem:$0x3F98] =	sst lr;
	_ =	strace $0xD0000000  }
0x3: {  	_ = 	snop  }
0x4: {  	_ = 	snop  }
0x5: {  	_ = 	snop  }
0x6: {  	_ = 	snop  }
0x7: {  	_ = 	snop  }
__scs_overlays_trampoline_lowered:
0x8: {  	[smem:$0x3FA7] =	sst s0  }
0x9: {  	[smem:$0x3FA8] =	sst s1  }
0xa: {  	[smem:$0x3FA9] =	sst s2  }
0xb: {  	[smem:$0x3FAA] =	sst s3  }
0xc: {  	[smem:$0x3FAB] =	sst s4  }
0xd: {  	[smem:$0x3FAC] =	sst s5  }
0xe: {  	[smem:$0x3FAD] =	sst s6  }
0xf: {  	[smem:$0x3FAE] =	sst s7  }
0x10: {  	[smem:$0x3FAF] =	sst s8  }
0x11: {  	[smem:$0x3FB0] =	sst s9;
	s0 =	simm.s32 @!p0 $0x0  }
0x12: {  	s1 =	sld [smem:$0x3F96];
	s0 =	simm.s32 @p0 $0x1  }
0x13: {  	[smem:$0x3FB1] =	sst s0;
	s0 =	simm.s32 @!p1 $0x0  }
0x14: {  	s2 =	sld [smem:$0x3F95];
	s0 =	simm.s32 @p1 $0x1  }
0x15: {  	[smem:$0x3FB2] =	sst s0;
	s0 =	simm.s32 @!p2 $0x0  }
0x16: {  	s3 =	sld [smem:$0x3FDB];
	s0 =	simm.s32 @p2 $0x1  }
0x17: {  	s4 =	simm.s32 $0x1BF5;
	[smem:$0x3FB4] =	sst s0  }
0x18: {  	s0 =	sld [smem:$0x3F97];
	_ =	swait.ge [sflag:s4], $0x0  }
0x19: {  	s7 =	sld [smem:$0x3F98]  }
0x1a: {  	s8 =	sadd.s32 $0xFFFFE003, lr  }
0x1b: {  	s9 =	sadd.s32 $0xFFFFFEF7, lr;
	s5 =	simm.s32 $0xFFFFFFFF;
	p2 =	slt.u32 s8, $0xFFFFF086  }
0x1c: {  	p1 =	slt.u32 s9, $0xF7A;
	s5 =	simm.s32 @!p2 $0x0  }
0x1d: {  	s5 =	simm.s32 @p1 $0x1;
	p0 =	seq.s32 s7, s2  }
0x1e: {  	s7 =	smul.u32 @!p0 $0xF7A, s2;
	p2 =	seq.s32 @!p0 s5, $0x0  }
0x1f: {  	s9 =	smul.u32 $0xF7A, s1;
	s8 =	simm.s32 @!p0 $0x1BF5;
	p2 =	por !p2, p0  }
0x20: {  	[sflag:s8] =	ssyncset.s32 @!p0 $0xFFFFF086;
	s6 =	sadd.s32 @!p0 s3, s7;
	s7 =	simm.s32 @!p0 $0x108  }
0x21: {  	s3 =	sadd.s32 s3, s9;
	s6 =	sadd.s32 @!p0 $0x88, s6;
	s7 =	simm.s32 @p2 $0x1082  }
0x22: {  	[simem:s7], [sflag:s8] =	dma.local @!p0 [hbm:s6], $0xF7A  }
0x23: {  	s9 =	sor.u32 $0xD0000000, s2;
	s6 =	simm.s32 $0x108;
	_ =	swait.ge @!p0 [sflag:s8], $0x0  }
0x24: {  	s3 =	sadd.s32 $0x88, s3;
	s6 =	simm.s32 @!p1 $0x1082;
	[sflag:s4] =	ssyncset.s32 $0xFFFFF086  }
0x25: {  	[simem:s6], [sflag:s4] =	dma.local [hbm:s3], $0xF7A  }
0x26: {  	[smem:$0x3F98] =	sst s1;
	(tag) =	ssettag s2;
	_ =	strace s9  }
0x27: {  	s1 =	sld [smem:$0x3FA8]  }
0x28: {  	s2 =	sld [smem:$0x3FA9]  }
0x29: {  	s4 =	sld [smem:$0x3FAB]  }
0x2a: {  	p0 =	seq.s32 s5, $0x0;
	s5 =	sld [smem:$0x3FAC]  }
0x2b: {  	s6 =	sld [smem:$0x3FAD]  }
0x2c: {  	s7 =	sld [smem:$0x3FAE]  }
0x2d: {  	s3 =	simm.s32 $0x108;
	s8 =	sld [smem:$0x3FAF]  }
0x2e: {  	s3 =	simm.s32 @!p0 $0x1082;
	s9 =	sld [smem:$0x3FB0]  }
0x2f: {  	lr =	sadd.s32 s0, s3;
	s0 =	sld [smem:$0x3FA7]  }
0x30: {  	s3 =	sld [smem:$0x3FAA]  }
0x31: {  	[smem:$0x3FB3] =	sst s10  }
0x32: {  	s10 =	sld [smem:$0x3FB1];
	_ =	sdelay $0x3  }
0x33: {  	p0 =	seq.s32 s10, $0x1;
	s10 =	sld [smem:$0x3FB3];
	_ =	sdelay $0x3  }
0x34: {  	[smem:$0x3FB3] =	sst s10  }
0x35: {  	s10 =	sld [smem:$0x3FB2];
	_ =	sdelay $0x3  }
0x36: {  	p1 =	seq.s32 s10, $0x1;
	s10 =	sld [smem:$0x3FB3];
	_ =	sdelay $0x3  }
0x37: {  	[smem:$0x3FB3] =	sst s10  }
0x38: {  	s10 =	sld [smem:$0x3FB4]  }
0x39: {  	_ = 	snop;
	(pc) =	sbr.ind lr, $3  }
0x3a: {  	_ = 	snop  }
0x3b: {  	_ = 	snop  }
0x3c: {  	p2 =	seq.s32 s10, $0x1;
	s10 =	sld [smem:$0x3FB3]  }
0x3d: {  	_ =	shalt  }
0x3e: {  	_ =	shalt  }
0x3f: {  	_ =	shalt  }
0x40: {  	_ =	shalt  }
0x41: {  	_ =	shalt  }
0x42: {  	_ =	shalt  }
0x43: {  	_ =	shalt  }
0x44: {  	_ =	shalt  }
0x45: {  	_ =	shalt  }
0x46: {  	_ =	shalt  }
0x47: {  	_ =	shalt  }
0x48: {  	_ =	shalt  }
0x49: {  	_ =	shalt  }
0x4a: {  	_ =	shalt  }
0x4b: {  	_ =	shalt  }
0x4c: {  	_ =	shalt  }
0x4d: {  	_ =	shalt  }
0x4e: {  	_ =	shalt  }
0x4f: {  	_ =	shalt  }
0x50: {  	_ =	shalt  }
0x51: {  	_ =	shalt  }
0x52: {  	_ =	shalt  }
0x53: {  	_ =	shalt  }
0x54: {  	_ =	shalt  }
0x55: {  	_ =	shalt  }
0x56: {  	_ =	shalt  }
0x57: {  	_ =	shalt  }
0x58: {  	_ =	shalt  }
0x59: {  	_ =	shalt  }
0x5a: {  	_ =	shalt  }
0x5b: {  	_ =	shalt  }
0x5c: {  	_ =	shalt  }
0x5d: {  	_ =	shalt  }
0x5e: {  	_ =	shalt  }
0x5f: {  	_ =	shalt  }
0x60: {  	_ =	shalt  }
0x61: {  	_ =	shalt  }
0x62: {  	_ =	shalt  }
0x63: {  	_ =	shalt  }
0x64: {  	_ =	shalt  }
0x65: {  	_ =	shalt  }
0x66: {  	_ =	shalt  }
0x67: {  	_ =	shalt  }
0x68: {  	_ =	shalt  }
0x69: {  	_ =	shalt  }
0x6a: {  	_ =	shalt  }
0x6b: {  	_ =	shalt  }
0x6c: {  	_ =	shalt  }
0x6d: {  	_ =	shalt  }
0x6e: {  	_ =	shalt  }
0x6f: {  	_ =	shalt  }
0x70: {  	_ =	shalt  }
0x71: {  	_ =	shalt  }
0x72: {  	_ =	shalt  }
0x73: {  	_ =	shalt  }
0x74: {  	_ =	shalt  }
0x75: {  	_ =	shalt  }
0x76: {  	_ =	shalt  }
0x77: {  	_ =	shalt  }
0x78: {  	_ =	shalt  }
0x79: {  	_ =	shalt  }
0x7a: {  	_ =	shalt  }
0x7b: {  	_ =	shalt  }
0x7c: {  	_ =	shalt  }
0x7d: {  	_ =	shalt  }
0x7e: {  	_ =	shalt  }
0x7f: {  	_ =	shalt  }
0x80: {  	_ =	shalt  }
0x81: {  	_ =	shalt  }
0x82: {  	_ =	shalt  }
0x83: {  	_ =	shalt  }
0x84: {  	_ =	shalt  }
0x85: {  	_ =	shalt  }
0x86: {  	_ =	shalt  }
0x87: {  	_ =	shalt  }
.Lfunc_end0:
.L_simem_size_0:
called_computation.2_lowered:
.L_overlay_start_0:
0x88: {  	s2 =	sld [smem:$0x3FD9]  }
0x89: {  	s3 =	sld [smem:$0x3FFE];
	_ =	sdelay $0x1  }
0x8a: {  	s1 =	srdreg.scid  }
0x8b: {  	s0 =	sand.u32 $0x1, s1  }
0x8c: {  	s14 =	sshll.u32 s0, $0xA;
	s2 =	sadd.s32 s3, s2  }
0x8d: {  	s2 =	sadd.s32 s2, s14  }
0x8e: {  	[smem:$0x3FBF] =	sst s2  }
0x8f: {  	_ = 	snop  }
0x90: {  	s2 =	sld [smem:$0x3FD0];
	_ =	sdelay $0x1  }
0x91: {  	s15 =	sld [smem:$0x3FC7]  }
0x92: {  	s5 =	simm.s32 $0xB;
	s6 =	simm.s32 $0x10;
	s4 =	sld [smem:$0x3FC5]  }
0x93: {  	[smem:s6], [sflag:s5] =	dma.local [hbm:s2], $0x1  }
0x94: {  	_ =	swait.eq [sflag:s5], $0x1  }
0x95: {  	[sflag:s5] =	ssyncset.done $0x0  }
0x96: {  	s16 =	sld [smem:$0x10];
	[sflag:s5] =	ssyncadd.s32 $0xFFFFFFFF  }
0x97: {  	s17 =	sld [smem:$0x11];
	(tm) =	ssettm $0x1  }
0x98: {  	s18 =	sld [smem:$0x3FFB];
	_ =	sdelay $0x3  }
0x99: {  	_ =	strace s18  }
0x9a: {  	s6 =	sld [smem:$0x3FFC];
	_ =	sdelay $0x3  }
0x9b: {  	_ =	strace s6  }
0x9c: {  	s6 =	sld [smem:$0x3FFD];
	_ =	sdelay $0x3  }
0x9d: {  	_ =	strace s6  }
0x9e: {  	_ =	strace $0x8FFFFFFF  }
0x9f: {  	s19 =	sld [smem:$0x3FDB];
	_ =	sdelay $0x1  }
0xa0: {  	s7 =	simm.s32 $_scs_section_size  }
0xa1: {  	s8 =	simm.s32 $_size__tile_overlayer_lowered;
	s9 =	simm.s32 $_tile_overlayer_lowered  }
0xa2: {  	s22 =	simm.s32 $0x1BFF;
	s21 =	sshll.u32 s9, $0x1;
	s6 =	sadd.s32 s7, s19  }
0xa3: {  	s10 =	simm.s32 $0x0;
	s20 =	sshll.u32 s8, $0x1;
	s8 =	sadd.s32 s21, s6  }
0xa4: {  	[timem:s10], [sflag:s22] =	dma.local [hbm:s8], s20  }
0xa5: {  	_ =	swait.ge [sflag:s22], s20  }
0xa6: {  	s7 =	ssub.s32 $0x0, s20;
	[sflag:s22] =	ssyncset.done $0x0  }
0xa7: {  	[sflag:s22] =	ssyncadd.s32 s7;
	_ =	sdelay $0x1  }
0xa8: {  	s23 =	simm.s32 $0x1B8B  }
0xa9: {  	_ =	swait.ge [sflag:s23], $0x1  }
0xaa: {  	[sflag:s23] =	ssyncset.done $0x0  }
0xab: {  	s25 =	simm.s32 $0x1B8E;
	s24 =	sld [smem:$0x3FFE];
	[sflag:s23] =	ssyncadd.s32 $0xFFFFFFFF  }
0xac: {  	s26 =	simm.s32 $execute0_lowered;
	[smem:$0x3FD2] =	sst s25  }
0xad: {  	s8 =	sshll.u32 s26, $0x1;
	_ =	strace $0x8000004C;
	[dreg:$0x1] =	wrdreg $0xFFFFFFFF  }
0xae: {  	s28 =	simm.s32 $_size_execute0_lowered;
	s6 =	sadd.s32 s6, s8;
	[dreg:$0x0] =	wrdreg $0x0  }
0xaf: {  	s8 =	sshll.u32 s28, $0x1;
	[dreg:$0x2] =	wrdreg s6  }
0xb0: {  	[dreg:$0x3] =	wrdreg s8  }
0xb1: {  	[dreg:$0x4] =	wrdreg $0xC0  }
0xb2: {  	_ =	task [dreg:s10], $0x5FFFF  }
0xb3: {  	[dreg:$0x1] =	wrdreg $0xFFFFFFFF  }
0xb4: {  	[dreg:$0x0] =	wrdreg $0x60  }
0xb5: {  	[dreg:$0x2] =	wrdreg s24  }
0xb6: {  	[dreg:$0x3] =	wrdreg s15  }
0xb7: {  	[dreg:$0x4] =	wrdreg s4  }
0xb8: {  	[dreg:$0x5] =	wrdreg s16  }
0xb9: {  	[dreg:$0x6] =	wrdreg s17  }
0xba: {  	[dreg:$0x7] =	wrdreg $0x9  }
0xbb: {  	_ =	task.clear_ibuf [dreg:s10], $0x8FFFF;
	_ =	strace $0x9000004C  }
0xbc: {  	s29 =	simm.s32 $0x9;
	_ =	strace $0x8000004E  }
0xbd: {  	_ =	swait.ge [sflag:s29], $0x1  }
0xbe: {  	[sflag:s29] =	ssyncadd.s32 $0xFFFFFFFF  }
0xbf: {  	_ =	strace $0x9000004E  }
0xc0: {  	_ =	sfence  }
0xc1: {  	s30 =	sld [smem:$0x0];
	_ =	sdelay $0x2  }
0xc2: {  	s31 =	sshll.u32 s1, $0xD;
	s1 =	sshrl.u32 s1, $0x2  }
0xc3: {  	s3 =	sand.u32 $0x4000, s31;
	s1 =	sadd.s32 s1, s30  }
0xc4: {  	s0 =	sor.u32 s3, s0;
	s1 =	sshll.u32 s1, $0x11  }
0xc5: {  	s0 =	sor.u32 s1, s0  }
0xc6: {  	s0 =	sadd.s32 $0x8F2B, s0  }
0xc7: {  	[sflag:s0] =	ssyncadd.remote.s32 $0x1  }
0xc8: {  	_ =	sfence.sel $0xFFFF  }
0xc9: {  	[dreg:$0x0] =	wrdreg $0xFFFFFFFF;
	(pc) =	sbr.abs _section_cstart, $3  }
0xca: {  	[dreg:$0x1] =	wrdreg $0xFFFFFFFF  }
0xcb: {  	_ =	task.clear_ibuf [dreg:s10], $0x2FFFF;
	_ =	strace $0x9FFFFFFF  }
0xcc: {  	(tm) =	ssettm $0x7FFFFFFF  }
0xcd: {  	_ =	shalt  }
tec
execute0_lowered:
.L_overlay_start_1:
0x0: {  	(tag) =	ssettag $0x1  }
0x1: {  	s17 =	rddreg [dreg:$0x0]  }
0x2: {  	s6 =	rddreg [dreg:$0x1]  }
0x3: {  	s1 =	rddreg [dreg:$0x2]  }
0x4: {  	s2 =	rddreg [dreg:$0x3]  }
0x5: {  	s4 =	rddreg [dreg:$0x4];
	s3 =	srdreg.scid  }
0x6: {  	s0 =	rddreg [dreg:$0x5];
	s29 =	sand.u32 $0x1, s3  }
0x7: {  	s5 =	simm.s32 $0x0;
	s3 =	stileid.u32;
	s7 =	sshll.u32 s29, $0x6  }
0x8: {  	[smem:$0x7FF] =	sst s5;
	s8 =	sshll.u32 s3, $0x7;
	s6 =	sadd.s32 s6, s7  }
0x9: {  	_ =	strace $0x8000004D;
	s7 =	simm.s32 $0x4;
	s6 =	sadd.s32 s8, s6  }
0xa: {  	[tilespmem:s5], [sflag:$0x4] =	stream.linear.gather [hbm4b:s6+s5], $0x200, $0x38;
	[tilespmem:$0x10600] =	vst v63  }
0xb: {  	_ =	swait.ge [sflag:s7], $0x200  }
0xc: {  	s9 =	simm.s32 $0x80;
	[sflag:s7] =	ssyncset.done $0x0  }
0xd: {  	s10 =	simm.s32 $0x200;
	s8 =	sadd.s32 $0x42400, s17;
	[sflag:s7] =	ssyncadd.s32 $0xFFFFFE00  }
0xe: {  	[tilespmem:s10], [sflag:$0x3] =	stream.indirect.gather [hbm4b:s8+s9], $0x1, s5, s9, $0xb8;
	[tilespmem:$0x10600] =	vst v63  }
0xf: {  	s11 =	simm.s32 $0x280  }
0x10: {  	[tilespmem:s11], [sflag:$0x3] =	stream.indirect.gather [hbm4b:s8+s9], $0x1, s9, s9, $0xb8;
	[tilespmem:$0x10600] =	vst v63  }
0x11: {  	s12 =	simm.s32 $0x100;
	s13 =	simm.s32 $0x300  }
0x12: {  	[tilespmem:s13], [sflag:$0x3] =	stream.indirect.gather [hbm4b:s8+s9], $0x1, s12, s9, $0xb8;
	[tilespmem:$0x10600] =	vst v63  }
0x13: {  	s14 =	simm.s32 $0x180;
	s15 =	simm.s32 $0x380;
	s16 =	simm.s32 $0x3  }
0x14: {  	[tilespmem:s15], [sflag:$0x3] =	stream.indirect.gather [hbm4b:s8+s9], $0x1, s14, s9, $0xb8;
	[tilespmem:$0x10600] =	vst v63  }
0x15: {  	_ =	swait.ge [sflag:s16], $0x80  }
0x16: {  	[sflag:s16] =	ssyncset.done $0x0  }
0x17: {  	[sflag:s16] =	ssyncadd.s32 $0xFFFFFF80  }
0x18: {  	_ =	swait.ge [sflag:s16], $0x80  }
0x19: {  	[sflag:s16] =	ssyncset.done $0x0  }
0x1a: {  	[sflag:s16] =	ssyncadd.s32 $0xFFFFFF80  }
0x1b: {  	_ =	swait.ge [sflag:s16], $0x80  }
0x1c: {  	[sflag:s16] =	ssyncset.done $0x0  }
0x1d: {  	[sflag:s16] =	ssyncadd.s32 $0xFFFFFF80  }
0x1e: {  	_ =	swait.ge [sflag:s16], $0x80  }
0x1f: {  	[sflag:s16] =	ssyncset.done $0x0  }
0x20: {  	s18 =	simm.s32 $0x400;
	s17 =	sadd.s32 $0x2400, s17;
	[sflag:s16] =	ssyncadd.s32 $0xFFFFFF80  }
0x21: {  	[tilespmem:s18], [sflag:$0x1] =	stream.indirect.gather [hbm4b:s17+s9], $0x80, s10, s9, $0xb8;
	[tilespmem:$0x10600] =	vst v63  }
0x22: {  	s19 =	simm.s32 $0x10400  }
0x23: {  	[tilespmem:s19], [sflag:$0x2] =	stream.indirect.gather [hbm4b:s1+s9], $0x1, s10, s9, $0xb8;
	[tilespmem:$0x10600] =	vst v63  }
0x24: {  	s20 =	simm.s32 $0x4400  }
0x25: {  	[tilespmem:s20], [sflag:$0x1] =	stream.indirect.gather [hbm4b:s17+s9], $0x80, s11, s9, $0xb8;
	[tilespmem:$0x10600] =	vst v63  }
0x26: {  	s21 =	simm.s32 $0x10480  }
0x27: {  	[tilespmem:s21], [sflag:$0x2] =	stream.indirect.gather [hbm4b:s1+s9], $0x1, s11, s9, $0xb8;
	[tilespmem:$0x10600] =	vst v63  }
0x28: {  	s22 =	simm.s32 $0x8400  }
0x29: {  	[tilespmem:s22], [sflag:$0x1] =	stream.indirect.gather [hbm4b:s17+s9], $0x80, s13, s9, $0xb8;
	[tilespmem:$0x10600] =	vst v63  }
0x2a: {  	s23 =	simm.s32 $0x10500  }
0x2b: {  	[tilespmem:s23], [sflag:$0x2] =	stream.indirect.gather [hbm4b:s1+s9], $0x1, s13, s9, $0xb8;
	[tilespmem:$0x10600] =	vst v63  }
0x2c: {  	s24 =	simm.s32 $0xC400  }
0x2d: {  	[tilespmem:s24], [sflag:$0x1] =	stream.indirect.gather [hbm4b:s17+s9], $0x80, s15, s9, $0xb8;
	[tilespmem:$0x10600] =	vst v63  }
0x2e: {  	s25 =	simm.s32 $0x10580;
	s26 =	simm.s32 $0x1  }
0x2f: {  	[tilespmem:s25], [sflag:$0x2] =	stream.indirect.gather [hbm4b:s1+s9], $0x1, s15, s9, $0xb8;
	[tilespmem:$0x10600] =	vst v63  }
0x30: {  	_ =	swait.ge [sflag:s26], $0x4000  }
0x31: {  	[sflag:s26] =	ssyncset.done $0x0  }
0x32: {  	[sflag:s26] =	ssyncadd.s32 $0xFFFFC000  }
0x33: {  	_ =	swait.ge [sflag:s26], $0x4000  }
0x34: {  	[sflag:s26] =	ssyncset.done $0x0  }
0x35: {  	[sflag:s26] =	ssyncadd.s32 $0xFFFFC000  }
0x36: {  	_ =	swait.ge [sflag:s26], $0x4000  }
0x37: {  	[sflag:s26] =	ssyncset.done $0x0  }
0x38: {  	[sflag:s26] =	ssyncadd.s32 $0xFFFFC000  }
0x39: {  	_ =	swait.ge [sflag:s26], $0x4000  }
0x3a: {  	[sflag:s26] =	ssyncset.done $0x0  }
0x3b: {  	s28 =	simm.s32 $0x2;
	[sflag:s26] =	ssyncadd.s32 $0xFFFFC000  }
0x3c: {  	_ =	swait.ge [sflag:s28], $0x80  }
0x3d: {  	[sflag:s28] =	ssyncset.done $0x0  }
0x3e: {  	[sflag:s28] =	ssyncadd.s32 $0xFFFFFF80  }
0x3f: {  	_ =	swait.ge [sflag:s28], $0x80  }
0x40: {  	[sflag:s28] =	ssyncset.done $0x0  }
0x41: {  	[sflag:s28] =	ssyncadd.s32 $0xFFFFFF80  }
0x42: {  	_ =	swait.ge [sflag:s28], $0x80  }
0x43: {  	[sflag:s28] =	ssyncset.done $0x0  }
0x44: {  	[sflag:s28] =	ssyncadd.s32 $0xFFFFFF80  }
0x45: {  	_ =	swait.ge [sflag:s28], $0x80  }
0x46: {  	[sflag:s28] =	ssyncset.done $0x0  }
0x47: {  	[sflag:s28] =	ssyncadd.s32 $0xFFFFFF80  }
0x48: {  	[hbm4b:s2+s9] =	stream.indirect.scatter [tilespmem:s18], [sflag:$0x1], $0x80, s5, s9, $0xb8;
	[tilespmem:$0x10600] =	vst v63  }
0x49: {  	_ = 	snop  }
0x4a: {  	[hbm4b:s4+s9] =	stream.indirect.scatter [tilespmem:s19], [sflag:$0x2], $0x1, s5, s9, $0xb8;
	[tilespmem:$0x10600] =	vst v63  }
0x4b: {  	_ = 	snop  }
0x4c: {  	[hbm4b:s2+s9] =	stream.indirect.scatter [tilespmem:s20], [sflag:$0x1], $0x80, s9, s9, $0xb8;
	[tilespmem:$0x10600] =	vst v63  }
0x4d: {  	_ = 	snop  }
0x4e: {  	[hbm4b:s4+s9] =	stream.indirect.scatter [tilespmem:s21], [sflag:$0x2], $0x1, s9, s9, $0xb8;
	[tilespmem:$0x10600] =	vst v63  }
0x4f: {  	_ = 	snop  }
0x50: {  	[hbm4b:s2+s9] =	stream.indirect.scatter [tilespmem:s22], [sflag:$0x1], $0x80, s12, s9, $0xb8;
	[tilespmem:$0x10600] =	vst v63  }
0x51: {  	_ = 	snop  }
0x52: {  	[hbm4b:s4+s9] =	stream.indirect.scatter [tilespmem:s23], [sflag:$0x2], $0x1, s12, s9, $0xb8;
	[tilespmem:$0x10600] =	vst v63  }
0x53: {  	_ = 	snop  }
0x54: {  	[hbm4b:s2+s9] =	stream.indirect.scatter [tilespmem:s24], [sflag:$0x1], $0x80, s14, s9, $0xb8;
	[tilespmem:$0x10600] =	vst v63  }
0x55: {  	_ = 	snop  }
0x56: {  	[hbm4b:s4+s9] =	stream.indirect.scatter [tilespmem:s25], [sflag:$0x2], $0x1, s14, s9, $0xb8;
	[tilespmem:$0x10600] =	vst v63  }
0x57: {  	_ =	swait.ge [sflag:s26], $0x4000  }
0x58: {  	[sflag:s26] =	ssyncset.done $0x0  }
0x59: {  	[sflag:s26] =	ssyncadd.s32 $0xFFFFC000  }
0x5a: {  	_ =	swait.ge [sflag:s28], $0x80  }
0x5b: {  	[sflag:s28] =	ssyncset.done $0x0  }
0x5c: {  	[sflag:s28] =	ssyncadd.s32 $0xFFFFFF80  }
0x5d: {  	_ =	swait.ge [sflag:s26], $0x4000  }
0x5e: {  	[sflag:s26] =	ssyncset.done $0x0  }
0x5f: {  	[sflag:s26] =	ssyncadd.s32 $0xFFFFC000  }
0x60: {  	_ =	swait.ge [sflag:s28], $0x80  }
0x61: {  	[sflag:s28] =	ssyncset.done $0x0  }
0x62: {  	[sflag:s28] =	ssyncadd.s32 $0xFFFFFF80  }
0x63: {  	_ =	swait.ge [sflag:s26], $0x4000  }
0x64: {  	s29 =	ssub.s32 $0x2, s29;
	[sflag:s26] =	ssyncset.done $0x0  }
0x65: {  	s30 =	sshrl.u32 s29, $0x1;
	[sflag:s26] =	ssyncadd.s32 $0xFFFFC000  }
0x66: {  	s29 =	ssub.s32 s29, s30;
	_ =	swait.ge [sflag:s28], $0x80  }
0x67: {  	s29 =	smax.u32 s29, $0x1;
	[sflag:s28] =	ssyncset.done $0x0  }
0x68: {  	p0 =	sne.s32 s29, $0x1;
	[sflag:s28] =	ssyncadd.s32 $0xFFFFFF80  }
.Ltmp0:
0x69: {  	_ =	swait.ge [sflag:s26], $0x4000;
	(pc) =	sbr.rel @!p0 .LBB2_2-.Ltmp0, $4  }
0x6a: {  	[sflag:s26] =	ssyncset.done $0x0  }
0x6b: {  	[sflag:s26] =	ssyncadd.s32 $0xFFFFC000  }
0x6c: {  	_ =	swait.ge [sflag:s28], $0x80  }
0x6d: {  	s29 =	sadd.s32 $0xFFFFFFFF, s29;
	[sflag:s28] =	ssyncset.done $0x0  }
.LBB2_1:
0x6e: {  	p0 =	sne.s32 s29, $0x1;
	s29 =	sadd.s32 $0xFFFFFFFF, s29;
	[sflag:s28] =	ssyncadd.s32 $0xFFFFFF80  }
0x6f: {  	[tilespmem:s5], [sflag:$0x4] =	stream.linear.gather [hbm4b:s6+s5], $0x200, $0x38;
	[tilespmem:$0x10600] =	vst v63  }
0x70: {  	_ =	swait.ge [sflag:s7], $0x200  }
0x71: {  	[sflag:s7] =	ssyncset.done $0x0  }
0x72: {  	[sflag:s7] =	ssyncadd.s32 $0xFFFFFE00  }
0x73: {  	[tilespmem:s10], [sflag:$0x3] =	stream.indirect.gather [hbm4b:s8+s9], $0x1, s5, s9, $0xb8;
	[tilespmem:$0x10600] =	vst v63  }
0x74: {  	_ = 	snop  }
0x75: {  	[tilespmem:s11], [sflag:$0x3] =	stream.indirect.gather [hbm4b:s8+s9], $0x1, s9, s9, $0xb8;
	[tilespmem:$0x10600] =	vst v63  }
0x76: {  	_ = 	snop  }
0x77: {  	[tilespmem:s13], [sflag:$0x3] =	stream.indirect.gather [hbm4b:s8+s9], $0x1, s12, s9, $0xb8;
	[tilespmem:$0x10600] =	vst v63  }
0x78: {  	_ = 	snop  }
0x79: {  	[tilespmem:s15], [sflag:$0x3] =	stream.indirect.gather [hbm4b:s8+s9], $0x1, s14, s9, $0xb8;
	[tilespmem:$0x10600] =	vst v63  }
0x7a: {  	_ =	swait.ge [sflag:s16], $0x80  }
0x7b: {  	[sflag:s16] =	ssyncset.done $0x0  }
0x7c: {  	[sflag:s16] =	ssyncadd.s32 $0xFFFFFF80  }
0x7d: {  	_ =	swait.ge [sflag:s16], $0x80  }
0x7e: {  	[sflag:s16] =	ssyncset.done $0x0  }
0x7f: {  	[sflag:s16] =	ssyncadd.s32 $0xFFFFFF80  }
0x80: {  	_ =	swait.ge [sflag:s16], $0x80  }
0x81: {  	[sflag:s16] =	ssyncset.done $0x0  }
0x82: {  	[sflag:s16] =	ssyncadd.s32 $0xFFFFFF80  }
0x83: {  	_ =	swait.ge [sflag:s16], $0x80  }
0x84: {  	[sflag:s16] =	ssyncset.done $0x0  }
0x85: {  	[sflag:s16] =	ssyncadd.s32 $0xFFFFFF80  }
0x86: {  	[tilespmem:s18], [sflag:$0x1] =	stream.indirect.gather [hbm4b:s17+s9], $0x80, s10, s9, $0xb8;
	[tilespmem:$0x10600] =	vst v63  }
0x87: {  	_ = 	snop  }
0x88: {  	[tilespmem:s19], [sflag:$0x2] =	stream.indirect.gather [hbm4b:s1+s9], $0x1, s10, s9, $0xb8;
	[tilespmem:$0x10600] =	vst v63  }
0x89: {  	_ = 	snop  }
0x8a: {  	[tilespmem:s20], [sflag:$0x1] =	stream.indirect.gather [hbm4b:s17+s9], $0x80, s11, s9, $0xb8;
	[tilespmem:$0x10600] =	vst v63  }
0x8b: {  	_ = 	snop  }
0x8c: {  	[tilespmem:s21], [sflag:$0x2] =	stream.indirect.gather [hbm4b:s1+s9], $0x1, s11, s9, $0xb8;
	[tilespmem:$0x10600] =	vst v63  }
0x8d: {  	_ = 	snop  }
0x8e: {  	[tilespmem:s22], [sflag:$0x1] =	stream.indirect.gather [hbm4b:s17+s9], $0x80, s13, s9, $0xb8;
	[tilespmem:$0x10600] =	vst v63  }
0x8f: {  	_ = 	snop  }
0x90: {  	[tilespmem:s23], [sflag:$0x2] =	stream.indirect.gather [hbm4b:s1+s9], $0x1, s13, s9, $0xb8;
	[tilespmem:$0x10600] =	vst v63  }
0x91: {  	_ = 	snop  }
0x92: {  	[tilespmem:s24], [sflag:$0x1] =	stream.indirect.gather [hbm4b:s17+s9], $0x80, s15, s9, $0xb8;
	[tilespmem:$0x10600] =	vst v63  }
0x93: {  	_ = 	snop  }
0x94: {  	[tilespmem:s25], [sflag:$0x2] =	stream.indirect.gather [hbm4b:s1+s9], $0x1, s15, s9, $0xb8;
	[tilespmem:$0x10600] =	vst v63  }
0x95: {  	_ =	swait.ge [sflag:s26], $0x4000  }
0x96: {  	[sflag:s26] =	ssyncset.done $0x0  }
0x97: {  	[sflag:s26] =	ssyncadd.s32 $0xFFFFC000  }
0x98: {  	_ =	swait.ge [sflag:s26], $0x4000  }
0x99: {  	[sflag:s26] =	ssyncset.done $0x0  }
0x9a: {  	[sflag:s26] =	ssyncadd.s32 $0xFFFFC000  }
0x9b: {  	_ =	swait.ge [sflag:s26], $0x4000  }
0x9c: {  	[sflag:s26] =	ssyncset.done $0x0  }
0x9d: {  	[sflag:s26] =	ssyncadd.s32 $0xFFFFC000  }
0x9e: {  	_ =	swait.ge [sflag:s26], $0x4000  }
0x9f: {  	[sflag:s26] =	ssyncset.done $0x0  }
0xa0: {  	[sflag:s26] =	ssyncadd.s32 $0xFFFFC000  }
0xa1: {  	_ =	swait.ge [sflag:s28], $0x80  }
0xa2: {  	[sflag:s28] =	ssyncset.done $0x0  }
0xa3: {  	[sflag:s28] =	ssyncadd.s32 $0xFFFFFF80  }
0xa4: {  	_ =	swait.ge [sflag:s28], $0x80  }
0xa5: {  	[sflag:s28] =	ssyncset.done $0x0  }
0xa6: {  	[sflag:s28] =	ssyncadd.s32 $0xFFFFFF80  }
0xa7: {  	_ =	swait.ge [sflag:s28], $0x80  }
0xa8: {  	[sflag:s28] =	ssyncset.done $0x0  }
0xa9: {  	[sflag:s28] =	ssyncadd.s32 $0xFFFFFF80  }
0xaa: {  	_ =	swait.ge [sflag:s28], $0x80  }
0xab: {  	[sflag:s28] =	ssyncset.done $0x0  }
0xac: {  	[sflag:s28] =	ssyncadd.s32 $0xFFFFFF80  }
0xad: {  	[hbm4b:s2+s9] =	stream.indirect.scatter [tilespmem:s18], [sflag:$0x1], $0x80, s5, s9, $0xb8;
	[tilespmem:$0x10600] =	vst v63  }
0xae: {  	_ = 	snop  }
0xaf: {  	[hbm4b:s4+s9] =	stream.indirect.scatter [tilespmem:s19], [sflag:$0x2], $0x1, s5, s9, $0xb8;
	[tilespmem:$0x10600] =	vst v63  }
0xb0: {  	_ = 	snop  }
0xb1: {  	[hbm4b:s2+s9] =	stream.indirect.scatter [tilespmem:s20], [sflag:$0x1], $0x80, s9, s9, $0xb8;
	[tilespmem:$0x10600] =	vst v63  }
0xb2: {  	_ = 	snop  }
0xb3: {  	[hbm4b:s4+s9] =	stream.indirect.scatter [tilespmem:s21], [sflag:$0x2], $0x1, s9, s9, $0xb8;
	[tilespmem:$0x10600] =	vst v63  }
0xb4: {  	_ = 	snop  }
0xb5: {  	[hbm4b:s2+s9] =	stream.indirect.scatter [tilespmem:s22], [sflag:$0x1], $0x80, s12, s9, $0xb8;
	[tilespmem:$0x10600] =	vst v63  }
0xb6: {  	_ = 	snop  }
0xb7: {  	[hbm4b:s4+s9] =	stream.indirect.scatter [tilespmem:s23], [sflag:$0x2], $0x1, s12, s9, $0xb8;
	[tilespmem:$0x10600] =	vst v63  }
0xb8: {  	_ = 	snop  }
0xb9: {  	[hbm4b:s2+s9] =	stream.indirect.scatter [tilespmem:s24], [sflag:$0x1], $0x80, s14, s9, $0xb8;
	[tilespmem:$0x10600] =	vst v63  }
0xba: {  	_ = 	snop  }
0xbb: {  	[hbm4b:s4+s9] =	stream.indirect.scatter [tilespmem:s25], [sflag:$0x2], $0x1, s14, s9, $0xb8;
	[tilespmem:$0x10600] =	vst v63  }
0xbc: {  	_ =	swait.ge [sflag:s26], $0x4000  }
0xbd: {  	[sflag:s26] =	ssyncset.done $0x0  }
0xbe: {  	[sflag:s26] =	ssyncadd.s32 $0xFFFFC000  }
0xbf: {  	_ =	swait.ge [sflag:s28], $0x80  }
0xc0: {  	[sflag:s28] =	ssyncset.done $0x0  }
0xc1: {  	[sflag:s28] =	ssyncadd.s32 $0xFFFFFF80  }
0xc2: {  	_ =	swait.ge [sflag:s26], $0x4000  }
0xc3: {  	[sflag:s26] =	ssyncset.done $0x0  }
0xc4: {  	[sflag:s26] =	ssyncadd.s32 $0xFFFFC000  }
0xc5: {  	_ =	swait.ge [sflag:s28], $0x80  }
0xc6: {  	[sflag:s28] =	ssyncset.done $0x0  }
0xc7: {  	[sflag:s28] =	ssyncadd.s32 $0xFFFFFF80  }
0xc8: {  	_ =	swait.ge [sflag:s26], $0x4000  }
0xc9: {  	[sflag:s26] =	ssyncset.done $0x0  }
0xca: {  	[sflag:s26] =	ssyncadd.s32 $0xFFFFC000  }
0xcb: {  	_ =	swait.ge [sflag:s28], $0x80  }
0xcc: {  	[sflag:s28] =	ssyncset.done $0x0  }
0xcd: {  	[sflag:s28] =	ssyncadd.s32 $0xFFFFFF80  }
.Ltmp1:
0xce: {  	_ =	swait.ge [sflag:s26], $0x4000;
	(pc) =	sbr.rel @p0 .LBB2_1-.Ltmp1, $4  }
0xcf: {  	[sflag:s26] =	ssyncset.done $0x0  }
0xd0: {  	[sflag:s26] =	ssyncadd.s32 $0xFFFFC000  }
0xd1: {  	_ =	swait.ge [sflag:s28], $0x80  }
0xd2: {  	[sflag:s28] =	ssyncset.done $0x0  }
.LBB2_2:
0xd3: {  	[sflag:s28] =	ssyncadd.s32 $0xFFFFFF80  }
0xd4: {  	_ =	sfence.sel $0x180000  }
0xd5: {  	[bflag:$0x0] =	sbarrier.arrive $0xFFFF  }
0xd6: {  	p0 =	sne.s32 s3, $0x0;
	_ =	strace $0x9000004D  }
0xd7: {  	s0 =	sadd.s32 @!p0 $0x100000, s0;
	[bflag:$0x2] =	sbarrier.arrive $0xFFFF  }
0xd8: {  	[sflag:s0] =	ssyncadd.tile.s32 @!p0 $0x1;
	_ =	shalt  }
.Lfunc_end2:
_tile_overlayer_lowered:
.L_overlay_start_2:
0xd9: {  	(tag) =	ssettag $0x2  }
0xda: {  	s0 =	rddreg [dreg:$0x0];
	s2 =	stileid.u32  }
0xdb: {  	s1 =	rddreg [dreg:$0x1];
	p0 =	sne.s32 s2, $0x0  }
0xdc: {  	s3 =	rddreg [dreg:$0x2];
	[bflag:$0x3] =	sbarrier.arrive $0xFFFF;
	s2 =	simm.s32 @!p0 $0x1C04  }
0xdd: {  	[timem:s3], [sflag:s2] =	dma.local @!p0 [hbm:s0], s1  }
0xde: {  	s0 =	simm.s32 @!p0 $0x4  }
0xdf: {  	_ =	swait.ge @!p0 [sflag:s0], s1  }
0xe0: {  	s1 =	ssub.s32 @!p0 $0x0, s1;
	[sflag:s0] =	ssyncset.done @!p0 $0x0  }
0xe1: {  	[sflag:s0] =	ssyncadd.s32 @!p0 s1  }
0xe2: {  	[bflag:$0x3] =	sbarrier.arrive $0xFFFF  }
0xe3: {  	_ =	shalt  }

// kernel: kernel.6.cloned.1.call-start
scs
__scs_entry_jumppad:
0x0: {  	(pc) =	sbr.rel $0x88, $3  }
0x1: {  	(tag) =	ssettag $0x0;
	lr =	simm.s32 $0x1  }
0x2: {  	[smem:$0x3F98] =	sst lr;
	_ =	strace $0xD0000000  }
0x3: {  	_ = 	snop  }
0x4: {  	_ = 	snop  }
0x5: {  	_ = 	snop  }
0x6: {  	_ = 	snop  }
0x7: {  	_ = 	snop  }
__scs_overlays_trampoline_lowered:
0x8: {  	[smem:$0x3FA7] =	sst s0  }
0x9: {  	[smem:$0x3FA8] =	sst s1  }
0xa: {  	[smem:$0x3FA9] =	sst s2  }
0xb: {  	[smem:$0x3FAA] =	sst s3  }
0xc: {  	[smem:$0x3FAB] =	sst s4  }
0xd: {  	[smem:$0x3FAC] =	sst s5  }
0xe: {  	[smem:$0x3FAD] =	sst s6  }
0xf: {  	[smem:$0x3FAE] =	sst s7  }
0x10: {  	[smem:$0x3FAF] =	sst s8  }
0x11: {  	[smem:$0x3FB0] =	sst s9;
	s0 =	simm.s32 @!p0 $0x0  }
0x12: {  	s1 =	sld [smem:$0x3F96];
	s0 =	simm.s32 @p0 $0x1  }
0x13: {  	[smem:$0x3FB1] =	sst s0;
	s0 =	simm.s32 @!p1 $0x0  }
0x14: {  	s2 =	sld [smem:$0x3F95];
	s0 =	simm.s32 @p1 $0x1  }
0x15: {  	[smem:$0x3FB2] =	sst s0;
	s0 =	simm.s32 @!p2 $0x0  }
0x16: {  	s3 =	sld [smem:$0x3FDB];
	s0 =	simm.s32 @p2 $0x1  }
0x17: {  	s4 =	simm.s32 $0x1BF5;
	[smem:$0x3FB4] =	sst s0  }
0x18: {  	s0 =	sld [smem:$0x3F97];
	_ =	swait.ge [sflag:s4], $0x0  }
0x19: {  	s7 =	sld [smem:$0x3F98]  }
0x1a: {  	s8 =	sadd.s32 $0xFFFFE003, lr  }
0x1b: {  	s9 =	sadd.s32 $0xFFFFFEF7, lr;
	s5 =	simm.s32 $0xFFFFFFFF;
	p2 =	slt.u32 s8, $0xFFFFF086  }
0x1c: {  	p1 =	slt.u32 s9, $0xF7A;
	s5 =	simm.s32 @!p2 $0x0  }
0x1d: {  	s5 =	simm.s32 @p1 $0x1;
	p0 =	seq.s32 s7, s2  }
0x1e: {  	s7 =	smul.u32 @!p0 $0xF7A, s2;
	p2 =	seq.s32 @!p0 s5, $0x0  }
0x1f: {  	s9 =	smul.u32 $0xF7A, s1;
	s8 =	simm.s32 @!p0 $0x1BF5;
	p2 =	por !p2, p0  }
0x20: {  	[sflag:s8] =	ssyncset.s32 @!p0 $0xFFFFF086;
	s6 =	sadd.s32 @!p0 s3, s7;
	s7 =	simm.s32 @!p0 $0x108  }
0x21: {  	s3 =	sadd.s32 s3, s9;
	s6 =	sadd.s32 @!p0 $0x88, s6;
	s7 =	simm.s32 @p2 $0x1082  }
0x22: {  	[simem:s7], [sflag:s8] =	dma.local @!p0 [hbm:s6], $0xF7A  }
0x23: {  	s9 =	sor.u32 $0xD0000000, s2;
	s6 =	simm.s32 $0x108;
	_ =	swait.ge @!p0 [sflag:s8], $0x0  }
0x24: {  	s3 =	sadd.s32 $0x88, s3;
	s6 =	simm.s32 @!p1 $0x1082;
	[sflag:s4] =	ssyncset.s32 $0xFFFFF086  }
0x25: {  	[simem:s6], [sflag:s4] =	dma.local [hbm:s3], $0xF7A  }
0x26: {  	[smem:$0x3F98] =	sst s1;
	(tag) =	ssettag s2;
	_ =	strace s9  }
0x27: {  	s1 =	sld [smem:$0x3FA8]  }
0x28: {  	s2 =	sld [smem:$0x3FA9]  }
0x29: {  	s4 =	sld [smem:$0x3FAB]  }
0x2a: {  	p0 =	seq.s32 s5, $0x0;
	s5 =	sld [smem:$0x3FAC]  }
0x2b: {  	s6 =	sld [smem:$0x3FAD]  }
0x2c: {  	s7 =	sld [smem:$0x3FAE]  }
0x2d: {  	s3 =	simm.s32 $0x108;
	s8 =	sld [smem:$0x3FAF]  }
0x2e: {  	s3 =	simm.s32 @!p0 $0x1082;
	s9 =	sld [smem:$0x3FB0]  }
0x2f: {  	lr =	sadd.s32 s0, s3;
	s0 =	sld [smem:$0x3FA7]  }
0x30: {  	s3 =	sld [smem:$0x3FAA]  }
0x31: {  	[smem:$0x3FB3] =	sst s10  }
0x32: {  	s10 =	sld [smem:$0x3FB1];
	_ =	sdelay $0x3  }
0x33: {  	p0 =	seq.s32 s10, $0x1;
	s10 =	sld [smem:$0x3FB3];
	_ =	sdelay $0x3  }
0x34: {  	[smem:$0x3FB3] =	sst s10  }
0x35: {  	s10 =	sld [smem:$0x3FB2];
	_ =	sdelay $0x3  }
0x36: {  	p1 =	seq.s32 s10, $0x1;
	s10 =	sld [smem:$0x3FB3];
	_ =	sdelay $0x3  }
0x37: {  	[smem:$0x3FB3] =	sst s10  }
0x38: {  	s10 =	sld [smem:$0x3FB4]  }
0x39: {  	_ = 	snop;
	(pc) =	sbr.ind lr, $3  }
0x3a: {  	_ = 	snop  }
0x3b: {  	_ = 	snop  }
0x3c: {  	p2 =	seq.s32 s10, $0x1;
	s10 =	sld [smem:$0x3FB3]  }
0x3d: {  	_ =	shalt  }
0x3e: {  	_ =	shalt  }
0x3f: {  	_ =	shalt  }
0x40: {  	_ =	shalt  }
0x41: {  	_ =	shalt  }
0x42: {  	_ =	shalt  }
0x43: {  	_ =	shalt  }
0x44: {  	_ =	shalt  }
0x45: {  	_ =	shalt  }
0x46: {  	_ =	shalt  }
0x47: {  	_ =	shalt  }
0x48: {  	_ =	shalt  }
0x49: {  	_ =	shalt  }
0x4a: {  	_ =	shalt  }
0x4b: {  	_ =	shalt  }
0x4c: {  	_ =	shalt  }
0x4d: {  	_ =	shalt  }
0x4e: {  	_ =	shalt  }
0x4f: {  	_ =	shalt  }
0x50: {  	_ =	shalt  }
0x51: {  	_ =	shalt  }
0x52: {  	_ =	shalt  }
0x53: {  	_ =	shalt  }
0x54: {  	_ =	shalt  }
0x55: {  	_ =	shalt  }
0x56: {  	_ =	shalt  }
0x57: {  	_ =	shalt  }
0x58: {  	_ =	shalt  }
0x59: {  	_ =	shalt  }
0x5a: {  	_ =	shalt  }
0x5b: {  	_ =	shalt  }
0x5c: {  	_ =	shalt  }
0x5d: {  	_ =	shalt  }
0x5e: {  	_ =	shalt  }
0x5f: {  	_ =	shalt  }
0x60: {  	_ =	shalt  }
0x61: {  	_ =	shalt  }
0x62: {  	_ =	shalt  }
0x63: {  	_ =	shalt  }
0x64: {  	_ =	shalt  }
0x65: {  	_ =	shalt  }
0x66: {  	_ =	shalt  }
0x67: {  	_ =	shalt  }
0x68: {  	_ =	shalt  }
0x69: {  	_ =	shalt  }
0x6a: {  	_ =	shalt  }
0x6b: {  	_ =	shalt  }
0x6c: {  	_ =	shalt  }
0x6d: {  	_ =	shalt  }
0x6e: {  	_ =	shalt  }
0x6f: {  	_ =	shalt  }
0x70: {  	_ =	shalt  }
0x71: {  	_ =	shalt  }
0x72: {  	_ =	shalt  }
0x73: {  	_ =	shalt  }
0x74: {  	_ =	shalt  }
0x75: {  	_ =	shalt  }
0x76: {  	_ =	shalt  }
0x77: {  	_ =	shalt  }
0x78: {  	_ =	shalt  }
0x79: {  	_ =	shalt  }
0x7a: {  	_ =	shalt  }
0x7b: {  	_ =	shalt  }
0x7c: {  	_ =	shalt  }
0x7d: {  	_ =	shalt  }
0x7e: {  	_ =	shalt  }
0x7f: {  	_ =	shalt  }
0x80: {  	_ =	shalt  }
0x81: {  	_ =	shalt  }
0x82: {  	_ =	shalt  }
0x83: {  	_ =	shalt  }
0x84: {  	_ =	shalt  }
0x85: {  	_ =	shalt  }
0x86: {  	_ =	shalt  }
0x87: {  	_ =	shalt  }
.Lfunc_end0:
.L_simem_size_0:
called_computation_lowered:
.L_overlay_start_0:
0x88: {  	s2 =	sld [smem:$0x3FD9]  }
0x89: {  	s3 =	sld [smem:$0x3FFE];
	_ =	sdelay $0x1  }
0x8a: {  	s1 =	srdreg.scid  }
0x8b: {  	s0 =	sand.u32 $0x1, s1  }
0x8c: {  	s17 =	sshll.u32 s0, $0xA;
	s2 =	sadd.s32 s3, s2  }
0x8d: {  	s2 =	sadd.s32 s2, s17  }
0x8e: {  	[smem:$0x3FBF] =	sst s2  }
0x8f: {  	_ = 	snop  }
0x90: {  	s2 =	sld [smem:$0x3FC9]  }
0x91: {  	s18 =	sld [smem:$0x3FC7];
	(tm) =	ssettm $0x1  }
0x92: {  	s4 =	sld [smem:$0x3FFB];
	_ =	sdelay $0x3  }
0x93: {  	_ =	strace s4  }
0x94: {  	s4 =	sld [smem:$0x3FFC];
	_ =	sdelay $0x3  }
0x95: {  	_ =	strace s4  }
0x96: {  	s4 =	sld [smem:$0x3FFD];
	_ =	sdelay $0x3  }
0x97: {  	_ =	strace s4  }
0x98: {  	_ =	strace $0x8FFFFFFF  }
0x99: {  	s19 =	sld [smem:$0x3FDB];
	_ =	sdelay $0x1  }
0x9a: {  	s5 =	simm.s32 $_scs_section_size  }
0x9b: {  	s6 =	simm.s32 $_size__tile_overlayer_lowered;
	s7 =	simm.s32 $_tile_overlayer_lowered  }
0x9c: {  	s22 =	simm.s32 $0x1BFF;
	s21 =	sshll.u32 s7, $0x1;
	s4 =	sadd.s32 s5, s19  }
0x9d: {  	s8 =	simm.s32 $0x0;
	s20 =	sshll.u32 s6, $0x1;
	s6 =	sadd.s32 s21, s4  }
0x9e: {  	[timem:s8], [sflag:s22] =	dma.local [hbm:s6], s20  }
0x9f: {  	_ =	swait.ge [sflag:s22], s20  }
0xa0: {  	s5 =	ssub.s32 $0x0, s20;
	[sflag:s22] =	ssyncset.done $0x0  }
0xa1: {  	[sflag:s22] =	ssyncadd.s32 s5;
	_ =	sdelay $0x1  }
0xa2: {  	s23 =	simm.s32 $0x1B8B  }
0xa3: {  	_ =	swait.ge [sflag:s23], $0x1  }
0xa4: {  	[sflag:s23] =	ssyncset.done $0x0  }
0xa5: {  	s25 =	simm.s32 $0x1B8E;
	s24 =	sld [smem:$0x3FFE];
	[sflag:s23] =	ssyncadd.s32 $0xFFFFFFFF  }
0xa6: {  	s26 =	simm.s32 $execute0_lowered;
	[smem:$0x3FD2] =	sst s25  }
0xa7: {  	s6 =	sshll.u32 s26, $0x1;
	_ =	strace $0x80000046;
	[dreg:$0x1] =	wrdreg $0xFFFFFFFF  }
0xa8: {  	s28 =	simm.s32 $_size_execute0_lowered;
	s4 =	sadd.s32 s4, s6;
	[dreg:$0x0] =	wrdreg $0x0  }
0xa9: {  	s6 =	sshll.u32 s28, $0x1;
	[dreg:$0x2] =	wrdreg s4  }
0xaa: {  	[dreg:$0x3] =	wrdreg s6  }
0xab: {  	[dreg:$0x4] =	wrdreg $0xC0  }
0xac: {  	_ =	task [dreg:s8], $0x5FFFF  }
0xad: {  	[dreg:$0x1] =	wrdreg $0xFFFFFFFF  }
0xae: {  	[dreg:$0x0] =	wrdreg $0x60  }
0xaf: {  	[dreg:$0x2] =	wrdreg s2  }
0xb0: {  	[dreg:$0x3] =	wrdreg s18  }
0xb1: {  	[dreg:$0x4] =	wrdreg s24  }
0xb2: {  	[dreg:$0x5] =	wrdreg $0x9  }
0xb3: {  	_ =	task.clear_ibuf [dreg:s8], $0x6FFFF;
	_ =	strace $0x90000046  }
0xb4: {  	s29 =	simm.s32 $0x9;
	_ =	strace $0x80000048  }
0xb5: {  	_ =	swait.ge [sflag:s29], $0x1  }
0xb6: {  	[sflag:s29] =	ssyncadd.s32 $0xFFFFFFFF  }
0xb7: {  	_ =	strace $0x90000048  }
0xb8: {  	_ =	sfence  }
0xb9: {  	s30 =	sld [smem:$0x0];
	_ =	sdelay $0x2  }
0xba: {  	s31 =	sshll.u32 s1, $0xD;
	s1 =	sshrl.u32 s1, $0x2  }
0xbb: {  	s3 =	sand.u32 $0x4000, s31;
	s1 =	sadd.s32 s1, s30  }
0xbc: {  	s0 =	sor.u32 s3, s0;
	s1 =	sshll.u32 s1, $0x11  }
0xbd: {  	s0 =	sor.u32 s1, s0  }
0xbe: {  	s0 =	sadd.s32 $0x8F2B, s0  }
0xbf: {  	[sflag:s0] =	ssyncadd.remote.s32 $0x1  }
0xc0: {  	_ =	sfence.sel $0xFFFF  }
0xc1: {  	[dreg:$0x0] =	wrdreg $0xFFFFFFFF;
	(pc) =	sbr.abs _section_cstart, $3  }
0xc2: {  	[dreg:$0x1] =	wrdreg $0xFFFFFFFF  }
0xc3: {  	_ =	task.clear_ibuf [dreg:s8], $0x2FFFF;
	_ =	strace $0x9FFFFFFF  }
0xc4: {  	(tm) =	ssettm $0x7FFFFFFF  }
0xc5: {  	_ =	shalt  }
tec
execute0_lowered:
.L_overlay_start_1:
0x0: {  	(tag) =	ssettag $0x1  }
0x1: {  	s1 =	rddreg [dreg:$0x0]  }
0x2: {  	s4 =	rddreg [dreg:$0x1]  }
0x3: {  	s14 =	rddreg [dreg:$0x2];
	s2 =	srdreg.scid  }
0x4: {  	s0 =	rddreg [dreg:$0x3];
	s15 =	sand.u32 $0x1, s2  }
0x5: {  	s3 =	simm.s32 $0x0;
	s2 =	stileid.u32;
	s5 =	sshll.u32 s15, $0x6  }
0x6: {  	[smem:$0x7FF] =	sst s3;
	s6 =	sshll.u32 s2, $0x7;
	s4 =	sadd.s32 s4, s5  }
0x7: {  	_ =	strace $0x80000047;
	s5 =	sadd.s32 s6, s4;
	s4 =	simm.s32 $0x2  }
0x8: {  	[tilespmem:s3], [sflag:$0x2] =	stream.linear.gather [hbm4b:s5+s3], $0x200, $0x38;
	[tilespmem:$0x10200] =	vst v63  }
0x9: {  	_ =	swait.ge [sflag:s4], $0x200  }
0xa: {  	[sflag:s4] =	ssyncset.done $0x0  }
0xb: {  	s7 =	simm.s32 $0x200;
	s6 =	simm.s32 $0x80;
	[sflag:s4] =	ssyncadd.s32 $0xFFFFFE00  }
0xc: {  	[tilespmem:s7], [sflag:$0x1] =	stream.indirect.gather [hbm4b:s1+s6], $0x80, s3, s6, $0xb8;
	[tilespmem:$0x10200] =	vst v63  }
0xd: {  	s8 =	simm.s32 $0x4200  }
0xe: {  	[tilespmem:s8], [sflag:$0x1] =	stream.indirect.gather [hbm4b:s1+s6], $0x80, s6, s6, $0xb8;
	[tilespmem:$0x10200] =	vst v63  }
0xf: {  	s9 =	simm.s32 $0x100;
	s10 =	simm.s32 $0x8200  }
0x10: {  	[tilespmem:s10], [sflag:$0x1] =	stream.indirect.gather [hbm4b:s1+s6], $0x80, s9, s6, $0xb8;
	[tilespmem:$0x10200] =	vst v63  }
0x11: {  	s11 =	simm.s32 $0x180;
	s12 =	simm.s32 $0xC200;
	s13 =	simm.s32 $0x1  }
0x12: {  	[tilespmem:s12], [sflag:$0x1] =	stream.indirect.gather [hbm4b:s1+s6], $0x80, s11, s6, $0xb8;
	[tilespmem:$0x10200] =	vst v63  }
0x13: {  	_ =	swait.ge [sflag:s13], $0x4000  }
0x14: {  	[sflag:s13] =	ssyncset.done $0x0  }
0x15: {  	[sflag:s13] =	ssyncadd.s32 $0xFFFFC000  }
0x16: {  	_ =	swait.ge [sflag:s13], $0x4000  }
0x17: {  	[sflag:s13] =	ssyncset.done $0x0  }
0x18: {  	s16 =	sshll.u32 s15, $0xD;
	s15 =	ssub.s32 $0x2, s15;
	[sflag:s13] =	ssyncadd.s32 $0xFFFFC000  }
0x19: {  	s31 =	sshrl.u32 s15, $0x1;
	_ =	swait.ge [sflag:s13], $0x4000  }
0x1a: {  	s15 =	ssub.s32 s15, s31;
	[sflag:s13] =	ssyncset.done $0x0  }
0x1b: {  	s17 =	sshll.u32 s2, $0xE;
	s15 =	smax.u32 s15, $0x1;
	[sflag:s13] =	ssyncadd.s32 $0xFFFFC000  }
0x1c: {  	s14 =	sadd.s32 s16, s14;
	p0 =	sne.s32 s15, $0x1;
	_ =	swait.ge [sflag:s13], $0x4000  }
.Ltmp0:
0x1d: {  	s14 =	sadd.s32 s17, s14;
	[sflag:s13] =	ssyncset.done $0x0;
	(pc) =	sbr.rel @!p0 .LBB2_2-.Ltmp0, $4  }
0x1e: {  	s14 =	sadd.s32 $0x2400, s14;
	[sflag:s13] =	ssyncadd.s32 $0xFFFFC000  }
0x1f: {  	[hbm4b:s14+s3] =	stream.linear.scatter [tilespmem:s7], [sflag:$0x2], $0x10000, $0x38;
	[tilespmem:$0x10200] =	vst v63  }
0x20: {  	_ =	swait.ge [sflag:s4], $0x10000  }
0x21: {  	s15 =	sadd.s32 $0xFFFFFFFF, s15;
	[sflag:s4] =	ssyncset.done $0x0  }
.LBB2_1:
0x22: {  	p0 =	sne.s32 s15, $0x1;
	s15 =	sadd.s32 $0xFFFFFFFF, s15;
	[sflag:s4] =	ssyncadd.s32 $0xFFFF0000  }
0x23: {  	[tilespmem:s3], [sflag:$0x2] =	stream.linear.gather [hbm4b:s5+s3], $0x200, $0x38;
	[tilespmem:$0x10200] =	vst v63  }
0x24: {  	_ =	swait.ge [sflag:s4], $0x200  }
0x25: {  	[sflag:s4] =	ssyncset.done $0x0  }
0x26: {  	[sflag:s4] =	ssyncadd.s32 $0xFFFFFE00  }
0x27: {  	[tilespmem:s7], [sflag:$0x1] =	stream.indirect.gather [hbm4b:s1+s6], $0x80, s3, s6, $0xb8;
	[tilespmem:$0x10200] =	vst v63  }
0x28: {  	_ = 	snop  }
0x29: {  	[tilespmem:s8], [sflag:$0x1] =	stream.indirect.gather [hbm4b:s1+s6], $0x80, s6, s6, $0xb8;
	[tilespmem:$0x10200] =	vst v63  }
0x2a: {  	_ = 	snop  }
0x2b: {  	[tilespmem:s10], [sflag:$0x1] =	stream.indirect.gather [hbm4b:s1+s6], $0x80, s9, s6, $0xb8;
	[tilespmem:$0x10200] =	vst v63  }
0x2c: {  	_ = 	snop  }
0x2d: {  	[tilespmem:s12], [sflag:$0x1] =	stream.indirect.gather [hbm4b:s1+s6], $0x80, s11, s6, $0xb8;
	[tilespmem:$0x10200] =	vst v63  }
0x2e: {  	_ =	swait.ge [sflag:s13], $0x4000  }
0x2f: {  	[sflag:s13] =	ssyncset.done $0x0  }
0x30: {  	[sflag:s13] =	ssyncadd.s32 $0xFFFFC000  }
0x31: {  	_ =	swait.ge [sflag:s13], $0x4000  }
0x32: {  	[sflag:s13] =	ssyncset.done $0x0  }
0x33: {  	[sflag:s13] =	ssyncadd.s32 $0xFFFFC000  }
0x34: {  	_ =	swait.ge [sflag:s13], $0x4000  }
0x35: {  	[sflag:s13] =	ssyncset.done $0x0  }
0x36: {  	[sflag:s13] =	ssyncadd.s32 $0xFFFFC000  }
0x37: {  	_ =	swait.ge [sflag:s13], $0x4000  }
.Ltmp1:
0x38: {  	[sflag:s13] =	ssyncset.done $0x0;
	(pc) =	sbr.rel @p0 .LBB2_1-.Ltmp1, $4  }
0x39: {  	[sflag:s13] =	ssyncadd.s32 $0xFFFFC000  }
0x3a: {  	[hbm4b:s14+s3] =	stream.linear.scatter [tilespmem:s7], [sflag:$0x2], $0x10000, $0x38;
	[tilespmem:$0x10200] =	vst v63  }
0x3b: {  	_ =	swait.ge [sflag:s4], $0x10000  }
0x3c: {  	[sflag:s4] =	ssyncset.done $0x0  }
.LBB2_2:
0x3d: {  	[sflag:s4] =	ssyncadd.s32 $0xFFFF0000  }
0x3e: {  	_ =	sfence.sel $0x180000  }
0x3f: {  	[bflag:$0x0] =	sbarrier.arrive $0xFFFF  }
0x40: {  	p0 =	sne.s32 s2, $0x0;
	_ =	strace $0x90000047  }
0x41: {  	s0 =	sadd.s32 @!p0 $0x100000, s0;
	[bflag:$0x2] =	sbarrier.arrive $0xFFFF  }
0x42: {  	[sflag:s0] =	ssyncadd.tile.s32 @!p0 $0x1;
	_ =	shalt  }
.Lfunc_end2:
_tile_overlayer_lowered:
.L_overlay_start_2:
0x43: {  	(tag) =	ssettag $0x2  }
0x44: {  	s0 =	rddreg [dreg:$0x0];
	s2 =	stileid.u32  }
0x45: {  	s1 =	rddreg [dreg:$0x1];
	p0 =	sne.s32 s2, $0x0  }
0x46: {  	s3 =	rddreg [dreg:$0x2];
	[bflag:$0x3] =	sbarrier.arrive $0xFFFF;
	s2 =	simm.s32 @!p0 $0x1C02  }
0x47: {  	[timem:s3], [sflag:s2] =	dma.local @!p0 [hbm:s0], s1  }
0x48: {  	s0 =	simm.s32 @!p0 $0x2  }
0x49: {  	_ =	swait.ge @!p0 [sflag:s0], s1  }
0x4a: {  	s1 =	ssub.s32 @!p0 $0x0, s1;
	[sflag:s0] =	ssyncset.done @!p0 $0x0  }
0x4b: {  	[sflag:s0] =	ssyncadd.s32 @!p0 s1  }
0x4c: {  	[bflag:$0x3] =	sbarrier.arrive $0xFFFF  }
0x4d: {  	_ =	shalt  }

// kernel: kernel.9.cloned.1.call-start
scs
__scs_entry_jumppad:
0x0: {  	(pc) =	sbr.rel $0x88, $3  }
0x1: {  	(tag) =	ssettag $0x0;
	lr =	simm.s32 $0x1  }
0x2: {  	[smem:$0x3F98] =	sst lr;
	_ =	strace $0xD0000000  }
0x3: {  	_ = 	snop  }
0x4: {  	_ = 	snop  }
0x5: {  	_ = 	snop  }
0x6: {  	_ = 	snop  }
0x7: {  	_ = 	snop  }
__scs_overlays_trampoline_lowered:
0x8: {  	[smem:$0x3FA7] =	sst s0  }
0x9: {  	[smem:$0x3FA8] =	sst s1  }
0xa: {  	[smem:$0x3FA9] =	sst s2  }
0xb: {  	[smem:$0x3FAA] =	sst s3  }
0xc: {  	[smem:$0x3FAB] =	sst s4  }
0xd: {  	[smem:$0x3FAC] =	sst s5  }
0xe: {  	[smem:$0x3FAD] =	sst s6  }
0xf: {  	[smem:$0x3FAE] =	sst s7  }
0x10: {  	[smem:$0x3FAF] =	sst s8  }
0x11: {  	[smem:$0x3FB0] =	sst s9;
	s0 =	simm.s32 @!p0 $0x0  }
0x12: {  	s1 =	sld [smem:$0x3F96];
	s0 =	simm.s32 @p0 $0x1  }
0x13: {  	[smem:$0x3FB1] =	sst s0;
	s0 =	simm.s32 @!p1 $0x0  }
0x14: {  	s2 =	sld [smem:$0x3F95];
	s0 =	simm.s32 @p1 $0x1  }
0x15: {  	[smem:$0x3FB2] =	sst s0;
	s0 =	simm.s32 @!p2 $0x0  }
0x16: {  	s3 =	sld [smem:$0x3FDB];
	s0 =	simm.s32 @p2 $0x1  }
0x17: {  	s4 =	simm.s32 $0x1BF5;
	[smem:$0x3FB4] =	sst s0  }
0x18: {  	s0 =	sld [smem:$0x3F97];
	_ =	swait.ge [sflag:s4], $0x0  }
0x19: {  	s7 =	sld [smem:$0x3F98]  }
0x1a: {  	s8 =	sadd.s32 $0xFFFFE003, lr  }
0x1b: {  	s9 =	sadd.s32 $0xFFFFFEF7, lr;
	s5 =	simm.s32 $0xFFFFFFFF;
	p2 =	slt.u32 s8, $0xFFFFF086  }
0x1c: {  	p1 =	slt.u32 s9, $0xF7A;
	s5 =	simm.s32 @!p2 $0x0  }
0x1d: {  	s5 =	simm.s32 @p1 $0x1;
	p0 =	seq.s32 s7, s2  }
0x1e: {  	s7 =	smul.u32 @!p0 $0xF7A, s2;
	p2 =	seq.s32 @!p0 s5, $0x0  }
0x1f: {  	s9 =	smul.u32 $0xF7A, s1;
	s8 =	simm.s32 @!p0 $0x1BF5;
	p2 =	por !p2, p0  }
0x20: {  	[sflag:s8] =	ssyncset.s32 @!p0 $0xFFFFF086;
	s6 =	sadd.s32 @!p0 s3, s7;
	s7 =	simm.s32 @!p0 $0x108  }
0x21: {  	s3 =	sadd.s32 s3, s9;
	s6 =	sadd.s32 @!p0 $0x88, s6;
	s7 =	simm.s32 @p2 $0x1082  }
0x22: {  	[simem:s7], [sflag:s8] =	dma.local @!p0 [hbm:s6], $0xF7A  }
0x23: {  	s9 =	sor.u32 $0xD0000000, s2;
	s6 =	simm.s32 $0x108;
	_ =	swait.ge @!p0 [sflag:s8], $0x0  }
0x24: {  	s3 =	sadd.s32 $0x88, s3;
	s6 =	simm.s32 @!p1 $0x1082;
	[sflag:s4] =	ssyncset.s32 $0xFFFFF086  }
0x25: {  	[simem:s6], [sflag:s4] =	dma.local [hbm:s3], $0xF7A  }
0x26: {  	[smem:$0x3F98] =	sst s1;
	(tag) =	ssettag s2;
	_ =	strace s9  }
0x27: {  	s1 =	sld [smem:$0x3FA8]  }
0x28: {  	s2 =	sld [smem:$0x3FA9]  }
0x29: {  	s4 =	sld [smem:$0x3FAB]  }
0x2a: {  	p0 =	seq.s32 s5, $0x0;
	s5 =	sld [smem:$0x3FAC]  }
0x2b: {  	s6 =	sld [smem:$0x3FAD]  }
0x2c: {  	s7 =	sld [smem:$0x3FAE]  }
0x2d: {  	s3 =	simm.s32 $0x108;
	s8 =	sld [smem:$0x3FAF]  }
0x2e: {  	s3 =	simm.s32 @!p0 $0x1082;
	s9 =	sld [smem:$0x3FB0]  }
0x2f: {  	lr =	sadd.s32 s0, s3;
	s0 =	sld [smem:$0x3FA7]  }
0x30: {  	s3 =	sld [smem:$0x3FAA]  }
0x31: {  	[smem:$0x3FB3] =	sst s10  }
0x32: {  	s10 =	sld [smem:$0x3FB1];
	_ =	sdelay $0x3  }
0x33: {  	p0 =	seq.s32 s10, $0x1;
	s10 =	sld [smem:$0x3FB3];
	_ =	sdelay $0x3  }
0x34: {  	[smem:$0x3FB3] =	sst s10  }
0x35: {  	s10 =	sld [smem:$0x3FB2];
	_ =	sdelay $0x3  }
0x36: {  	p1 =	seq.s32 s10, $0x1;
	s10 =	sld [smem:$0x3FB3];
	_ =	sdelay $0x3  }
0x37: {  	[smem:$0x3FB3] =	sst s10  }
0x38: {  	s10 =	sld [smem:$0x3FB4]  }
0x39: {  	_ = 	snop;
	(pc) =	sbr.ind lr, $3  }
0x3a: {  	_ = 	snop  }
0x3b: {  	_ = 	snop  }
0x3c: {  	p2 =	seq.s32 s10, $0x1;
	s10 =	sld [smem:$0x3FB3]  }
0x3d: {  	_ =	shalt  }
0x3e: {  	_ =	shalt  }
0x3f: {  	_ =	shalt  }
0x40: {  	_ =	shalt  }
0x41: {  	_ =	shalt  }
0x42: {  	_ =	shalt  }
0x43: {  	_ =	shalt  }
0x44: {  	_ =	shalt  }
0x45: {  	_ =	shalt  }
0x46: {  	_ =	shalt  }
0x47: {  	_ =	shalt  }
0x48: {  	_ =	shalt  }
0x49: {  	_ =	shalt  }
0x4a: {  	_ =	shalt  }
0x4b: {  	_ =	shalt  }
0x4c: {  	_ =	shalt  }
0x4d: {  	_ =	shalt  }
0x4e: {  	_ =	shalt  }
0x4f: {  	_ =	shalt  }
0x50: {  	_ =	shalt  }
0x51: {  	_ =	shalt  }
0x52: {  	_ =	shalt  }
0x53: {  	_ =	shalt  }
0x54: {  	_ =	shalt  }
0x55: {  	_ =	shalt  }
0x56: {  	_ =	shalt  }
0x57: {  	_ =	shalt  }
0x58: {  	_ =	shalt  }
0x59: {  	_ =	shalt  }
0x5a: {  	_ =	shalt  }
0x5b: {  	_ =	shalt  }
0x5c: {  	_ =	shalt  }
0x5d: {  	_ =	shalt  }
0x5e: {  	_ =	shalt  }
0x5f: {  	_ =	shalt  }
0x60: {  	_ =	shalt  }
0x61: {  	_ =	shalt  }
0x62: {  	_ =	shalt  }
0x63: {  	_ =	shalt  }
0x64: {  	_ =	shalt  }
0x65: {  	_ =	shalt  }
0x66: {  	_ =	shalt  }
0x67: {  	_ =	shalt  }
0x68: {  	_ =	shalt  }
0x69: {  	_ =	shalt  }
0x6a: {  	_ =	shalt  }
0x6b: {  	_ =	shalt  }
0x6c: {  	_ =	shalt  }
0x6d: {  	_ =	shalt  }
0x6e: {  	_ =	shalt  }
0x6f: {  	_ =	shalt  }
0x70: {  	_ =	shalt  }
0x71: {  	_ =	shalt  }
0x72: {  	_ =	shalt  }
0x73: {  	_ =	shalt  }
0x74: {  	_ =	shalt  }
0x75: {  	_ =	shalt  }
0x76: {  	_ =	shalt  }
0x77: {  	_ =	shalt  }
0x78: {  	_ =	shalt  }
0x79: {  	_ =	shalt  }
0x7a: {  	_ =	shalt  }
0x7b: {  	_ =	shalt  }
0x7c: {  	_ =	shalt  }
0x7d: {  	_ =	shalt  }
0x7e: {  	_ =	shalt  }
0x7f: {  	_ =	shalt  }
0x80: {  	_ =	shalt  }
0x81: {  	_ =	shalt  }
0x82: {  	_ =	shalt  }
0x83: {  	_ =	shalt  }
0x84: {  	_ =	shalt  }
0x85: {  	_ =	shalt  }
0x86: {  	_ =	shalt  }
0x87: {  	_ =	shalt  }
.Lfunc_end0:
.L_simem_size_0:
called_computation.1_lowered:
.L_overlay_start_0:
0x88: {  	s2 =	sld [smem:$0x3FD9]  }
0x89: {  	s3 =	sld [smem:$0x3FFE];
	_ =	sdelay $0x1  }
0x8a: {  	s1 =	srdreg.scid  }
0x8b: {  	s0 =	sand.u32 $0x1, s1  }
0x8c: {  	s15 =	sshll.u32 s0, $0xA;
	s2 =	sadd.s32 s3, s2  }
0x8d: {  	s2 =	sadd.s32 s2, s15  }
0x8e: {  	[smem:$0x3FBF] =	sst s2  }
0x8f: {  	_ = 	snop  }
0x90: {  	s16 =	sld [smem:$0x3FD0];
	_ =	sdelay $0x1  }
0x91: {  	s2 =	sld [smem:$0x3FC9]  }
0x92: {  	s5 =	simm.s32 $0xB;
	s6 =	simm.s32 $0x10;
	s4 =	sld [smem:$0x3FC7]  }
0x93: {  	[smem:s6], [sflag:s5] =	dma.local [hbm:s16], $0x1  }
0x94: {  	_ =	swait.eq [sflag:s5], $0x1  }
0x95: {  	[sflag:s5] =	ssyncset.done $0x0  }
0x96: {  	[sflag:s5] =	ssyncadd.s32 $0xFFFFFFFF  }
0x97: {  	s17 =	sld [smem:$0x10];
	(tm) =	ssettm $0x1  }
0x98: {  	s18 =	sld [smem:$0x3FFB];
	_ =	sdelay $0x3  }
0x99: {  	_ =	strace s18  }
0x9a: {  	s3 =	sld [smem:$0x3FFC];
	_ =	sdelay $0x3  }
0x9b: {  	_ =	strace s3  }
0x9c: {  	s3 =	sld [smem:$0x3FFD];
	_ =	sdelay $0x3  }
0x9d: {  	_ =	strace s3  }
0x9e: {  	_ =	strace $0x8FFFFFFF  }
0x9f: {  	s19 =	sld [smem:$0x3FDB];
	_ =	sdelay $0x1  }
0xa0: {  	s20 =	simm.s32 $_scs_section_size  }
0xa1: {  	s7 =	simm.s32 $_size__tile_overlayer_lowered;
	s8 =	simm.s32 $_tile_overlayer_lowered  }
0xa2: {  	s9 =	simm.s32 $0x1BFF;
	s21 =	sshll.u32 s8, $0x1;
	s6 =	sadd.s32 s20, s19  }
0xa3: {  	s22 =	simm.s32 $0x0;
	s7 =	sshll.u32 s7, $0x1;
	s8 =	sadd.s32 s21, s6  }
0xa4: {  	[timem:s22], [sflag:s9] =	dma.local [hbm:s8], s7  }
0xa5: {  	_ =	swait.ge [sflag:s9], s7  }
0xa6: {  	s7 =	ssub.s32 $0x0, s7;
	[sflag:s9] =	ssyncset.done $0x0  }
0xa7: {  	[sflag:s9] =	ssyncadd.s32 s7;
	_ =	sdelay $0x1  }
0xa8: {  	s23 =	simm.s32 $0x1B8B  }
0xa9: {  	_ =	swait.ge [sflag:s23], $0x1  }
0xaa: {  	[sflag:s23] =	ssyncset.done $0x0  }
0xab: {  	[sflag:s23] =	ssyncadd.s32 $0xFFFFFFFF  }
0xac: {  	s7 =	sld [smem:$0x0]  }
0xad: {  	s8 =	sand.u32 $0xFFFFFFFE, s1  }
0xae: {  	p0 =	sne.s32 s1, s8  }
0xaf: {  	s8 =	sshll.u32 @p0 s8, $0xE  }
0xb0: {  	s8 =	sadd.s32 @p0 $0x11B8D, s8;
	s9 =	sshll.u32 @p0 s7, $0x11  }
0xb1: {  	s8 =	sor.u32 @p0 s9, s8  }
0xb2: {  	[sflag:s8] =	ssyncadd.remote.s32 @p0 $0x1;
	_ =	sdelay $0x1  }
0xb3: {  	s8 =	simm.s32 @p0 $0x1B8D  }
0xb4: {  	_ =	swait.eq @p0 [sflag:s8], $0x1  }
0xb5: {  	[sflag:s8] =	ssyncadd.s32 @p0 $0xFFFFFFFF  }
0xb6: {  	s9 =	sshll.u32 @!p0 s1, $0xE  }
0xb7: {  	s9 =	sor.u32 @!p0 $0x4000, s9;
	s8 =	simm.s32 @!p0 $0x1B8D  }
0xb8: {  	s7 =	sshll.u32 @!p0 s7, $0x11;
	s9 =	sadd.s32 @!p0 $0x11B8D, s9;
	_ =	swait.eq @!p0 [sflag:s8], $0x1  }
0xb9: {  	s7 =	sor.u32 @!p0 s7, s9;
	[sflag:s8] =	ssyncadd.s32 @!p0 $0xFFFFFFFF  }
0xba: {  	s25 =	simm.s32 $0x1B8E;
	s24 =	sld [smem:$0x3FFE];
	[sflag:s7] =	ssyncadd.remote.s32 @!p0 $0x1  }
0xbb: {  	s26 =	simm.s32 $execute0_lowered;
	[smem:$0x3FD2] =	sst s25  }
0xbc: {  	s8 =	sshll.u32 s26, $0x1;
	_ =	strace $0x80000049;
	[dreg:$0x1] =	wrdreg $0xFFFFFFFF  }
0xbd: {  	s28 =	simm.s32 $_size_execute0_lowered;
	s6 =	sadd.s32 s6, s8;
	[dreg:$0x0] =	wrdreg $0x0  }
0xbe: {  	s8 =	sshll.u32 s28, $0x1;
	[dreg:$0x2] =	wrdreg s6  }
0xbf: {  	[dreg:$0x3] =	wrdreg s8  }
0xc0: {  	[dreg:$0x4] =	wrdreg $0xC0  }
0xc1: {  	_ =	task [dreg:s22], $0x5FFFF  }
0xc2: {  	[dreg:$0x1] =	wrdreg $0xFFFFFFFF  }
0xc3: {  	[dreg:$0x0] =	wrdreg $0x60  }
0xc4: {  	[dreg:$0x2] =	wrdreg s4  }
0xc5: {  	[dreg:$0x3] =	wrdreg s2  }
0xc6: {  	[dreg:$0x4] =	wrdreg s17  }
0xc7: {  	[dreg:$0x5] =	wrdreg s24  }
0xc8: {  	[dreg:$0x6] =	wrdreg $0xA  }
0xc9: {  	_ =	task.clear_ibuf [dreg:s22], $0x7FFFF;
	_ =	strace $0x90000049  }
0xca: {  	s29 =	simm.s32 $0xA;
	_ =	strace $0x8000004B  }
0xcb: {  	_ =	swait.ge [sflag:s29], $0x1  }
0xcc: {  	[sflag:s29] =	ssyncadd.s32 $0xFFFFFFFF  }
0xcd: {  	_ =	strace $0x9000004B  }
0xce: {  	_ =	sfence  }
0xcf: {  	s30 =	sld [smem:$0x0];
	_ =	sdelay $0x2  }
0xd0: {  	s31 =	sshll.u32 s1, $0xD;
	s1 =	sshrl.u32 s1, $0x2  }
0xd1: {  	s4 =	sand.u32 $0x4000, s31;
	s1 =	sadd.s32 s1, s30  }
0xd2: {  	s0 =	sor.u32 s4, s0;
	s1 =	sshll.u32 s1, $0x11  }
0xd3: {  	s0 =	sor.u32 s1, s0  }
0xd4: {  	s0 =	sadd.s32 $0x8F2B, s0  }
0xd5: {  	[sflag:s0] =	ssyncadd.remote.s32 $0x1  }
0xd6: {  	_ =	sfence.sel $0xFFFF  }
0xd7: {  	[dreg:$0x0] =	wrdreg $0xFFFFFFFF;
	(pc) =	sbr.abs _section_cstart, $3  }
0xd8: {  	[dreg:$0x1] =	wrdreg $0xFFFFFFFF  }
0xd9: {  	_ =	task.clear_ibuf [dreg:s22], $0x2FFFF;
	_ =	strace $0x9FFFFFFF  }
0xda: {  	(tm) =	ssettm $0x7FFFFFFF  }
0xdb: {  	_ =	shalt  }
tec
execute0_lowered:
.L_overlay_start_1:
0x0: {  	(tag) =	ssettag $0x1  }
0x1: {  	s11 =	rddreg [dreg:$0x1]  }
0x2: {  	s1 =	srdreg.scid;
	s12 =	rddreg [dreg:$0x2]  }
0x3: {  	s0 =	stileid.u32;
	s4 =	rddreg [dreg:$0x3];
	s3 =	simm.s32 $0x0  }
0x4: {  	s18 =	simm.s32 $0x3;
	s10 =	sand.u32 $0x1, s1;
	s29 =	sshll.u32 s0, $0x1  }
0x5: {  	s19 =	simm.s32 $0x18F00;
	s20 =	simm.s32 $0x1BF00;
	s17 =	sor.u32 s10, s29  }
0x6: {  	s21 =	simm.s32 $0x1;
	s14 =	smul.u32 $0xC00, s0;
	s23 =	sadd.s32 $0xFFFFFFFF, s17  }
0x7: {  	s22 =	simm.s32 $0x2;
	s1 =	rddreg [dreg:$0x0];
	s2 =	smulhi.u32 $0xFBD1C47D, s23  }
0x8: {  	[smem:$0x7FF] =	sst s3;
	s4 =	sadd.s32 $0x42400, s4;
	s15 =	smul.u32 $0x600, s10  }
0x9: {  	s9 =	sadd.s32 $0x186600, s11;
	s7 =	smul.u32 $0x600, s17;
	s2 =	sshrl.u32 s2, $0xA  }
0xa: {  	s30 =	ssub.s32 $0x2, s10;
	s10 =	sadd.s32 $0x186600, s12;
	s2 =	smul.u32 $0x411, s2  }
0xb: {  	v0 =	vimm.s32 $0xFFEDCBA9;
	v1 =	vimm.s32 $0x87654321;
	s8 =	sshrl.u32 s30, $0x1;
	s16 =	sadd.s32 s14, s11;
	s14 =	sadd.s32 s14, s12  }
0xc: {  	v0 =	vunpack.c.l.s4.s8 v0;
	v1 =	vunpack.c.l.s4.s8 v1;
	p0 =	seq.s32 s17, $0x0;
	s13 =	ssub.s32 s30, s8;
	s5 =	ssub.s32 s23, s2  }
0xd: {  	p1 =	sne.s32 s23, $0x0;
	s31 =	sadd.s32 $0xB400, s7;
	s6 =	smul.u32 $0x600, s5  }
.Ltmp0:
0xe: {  	v0 =	vunpack.c.0.s8.s32 v0;
	v1 =	vunpack.c.0.s8.s32 v1;
	s7 =	sadd.s32 s11, s31;
	s8 =	sadd.s32 s12, s31;
	(pc) =	sbr.rel .LBB2_1-.Ltmp0, $4  }
0xf: {  	s2 =	rddreg [dreg:$0x4];
	_ =	strace $0x8000004A;
	s23 =	simm.s32 $0x0  }
0x10: {  	v1 =	vcombine.low v1, v0;
	s5 =	sadd.s32 s11, s6;
	s6 =	sadd.s32 s12, s6;
	s11 =	smax.u32 s13, $0x1  }
0x11: {  	s12 =	sadd.s32 s15, s16;
	s13 =	sadd.s32 s15, s14;
	s15 =	sadd.s32 $0x5C, s17  }
0x12: {  	vm0 =	vcmask $0x3F3C;
	v0 =	vlaneseq.u32;
	v1 =	vand.u32 $0xF, v1;
	s17 =	simm.s32 $0x18700;
	s14 =	sadd.s32 $0x22800, s12;
	s16 =	sadd.s32 $0x22800, s13  }
.LBB2_10:
0x13: {  	s23 =	sadd.s32 $0x1, s23  }
0x14: {  	p2 =	sne.s32 s23, s11  }
.Ltmp1:
0x15: {  	_ = 	snop;
	(pc) =	sbr.rel @!p2 .LBB2_11-.Ltmp1, $1  }
0x16: {  	_ =	sdelay $0x3  }
.LBB2_1:
.Ltmp2:
0x17: {  	(pc) =	sbr.rel @p0 .LBB2_2-.Ltmp2, $1  }
0x18: {  	_ =	sdelay $0x3  }
0x19: {  	s24 =	simm.s32 $0x0  }
0x1a: {  	[tilespmem:s19], [sflag:$0x3] =	stream.linear.gather [hbm4b:s5+s24], $0x3000, $0x38;
	[tilespmem:$0x1EF00] =	vst v63  }
0x1b: {  	_ =	swait.ge [sflag:s18], $0x3000  }
0x1c: {  	[sflag:s18] =	ssyncset.done $0x0  }
0x1d: {  	[sflag:s18] =	ssyncadd.s32 $0xFFFFD000  }
0x1e: {  	[hbm4b:s6+s24] =	stream.linear.scatter [tilespmem:s19], [sflag:$0x1], $0x3000, $0x38;
	[tilespmem:$0x1EF00] =	vst v63  }
0x1f: {  	_ = 	snop  }
0x20: {  	[tilespmem:s20], [sflag:$0x3] =	stream.linear.gather [hbm4b:s7+s24], $0x3000, $0x38;
	[tilespmem:$0x1EF00] =	vst v63  }
0x21: {  	_ =	swait.ge [sflag:s18], $0x3000  }
0x22: {  	[sflag:s18] =	ssyncset.done $0x0  }
0x23: {  	[sflag:s18] =	ssyncadd.s32 $0xFFFFD000  }
0x24: {  	[hbm4b:s8+s24] =	stream.linear.scatter [tilespmem:s20], [sflag:$0x2], $0x3000, $0x38;
	[tilespmem:$0x1EF00] =	vst v63  }
0x25: {  	_ =	swait.ge [sflag:s21], $0x3000  }
0x26: {  	s28 =	sadd.s32 $0x0, s12;
	[sflag:s21] =	ssyncset.done $0x0  }
0x27: {  	s25 =	smulhi.u32 $0xFBD1C47D, s15;
	s24 =	sadd.s32 $0x16E00, s28;
	[sflag:s21] =	ssyncadd.s32 $0xFFFFD000  }
0x28: {  	[tilespmem:s19], [sflag:$0x3] =	stream.linear.gather [hbm4b:s24+s3], $0x3000, $0x38;
	[tilespmem:$0x1EF00] =	vst v63  }
0x29: {  	_ =	swait.ge [sflag:s18], $0x3000  }
0x2a: {  	s30 =	sadd.s32 $0x0, s13;
	s29 =	sshrl.u32 s25, $0xA;
	[sflag:s18] =	ssyncset.done $0x0  }
0x2b: {  	s25 =	sadd.s32 $0x16E00, s30;
	s24 =	smul.u32 $0x186600, s29;
	[sflag:s18] =	ssyncadd.s32 $0xFFFFD000  }
0x2c: {  	[hbm4b:s25+s3] =	stream.linear.scatter [tilespmem:s19], [sflag:$0x1], $0x3000, $0x38;
	[tilespmem:$0x1EF00] =	vst v63  }
0x2d: {  	_ =	swait.ge [sflag:s22], $0x3000  }
0x2e: {  	s31 =	ssub.s32 s14, s24;
	[sflag:s22] =	ssyncset.done $0x0  }
0x2f: {  	s25 =	sadd.s32 $0x0, s31;
	[sflag:s22] =	ssyncadd.s32 $0xFFFFD000  }
0x30: {  	[tilespmem:s20], [sflag:$0x3] =	stream.linear.gather [hbm4b:s25+s3], $0x3000, $0x38;
	[tilespmem:$0x1EF00] =	vst v63  }
0x31: {  	s24 =	ssub.s32 s16, s24;
	_ =	swait.ge [sflag:s18], $0x3000  }
0x32: {  	s26 =	sadd.s32 $0x0, s24;
	[sflag:s18] =	ssyncset.done $0x0  }
0x33: {  	s24 =	sadd.s32 $0x3E, s15;
	s25 =	simm.s32 $0x17400;
	[sflag:s18] =	ssyncadd.s32 $0xFFFFD000  }
.LBB2_8:
0x34: {  	[hbm4b:s26+s3] =	stream.linear.scatter [tilespmem:s20], [sflag:$0x2], $0x3000, $0x38;
	[tilespmem:$0x1EF00] =	vst v63  }
0x35: {  	s26 =	smov.u32 s25  }
0x36: {  	s28 =	smulhi.u32 $0xFBD1C47D, s24;
	s29 =	sadd.s32 $0x17400, s25;
	_ =	swait.ge [sflag:s21], $0x3000  }
0x37: {  	p2 =	sne.s32 s25, $0x15CC00;
	s30 =	sadd.s32 s26, s12;
	[sflag:s21] =	ssyncset.done $0x0  }
0x38: {  	s25 =	sshrl.u32 s28, $0xA;
	s28 =	sadd.s32 $0x16E00, s30;
	[sflag:s21] =	ssyncadd.s32 $0xFFFFD000  }
0x39: {  	[tilespmem:s19], [sflag:$0x3] =	stream.linear.gather [hbm4b:s28+s3], $0x3000, $0x38;
	[tilespmem:$0x1EF00] =	vst v63  }
0x3a: {  	s25 =	smul.u32 $0x186600, s25;
	_ =	swait.ge [sflag:s18], $0x3000  }
0x3b: {  	s28 =	sadd.s32 s26, s13;
	[sflag:s18] =	ssyncset.done $0x0  }
0x3c: {  	s30 =	ssub.s32 s14, s25;
	s28 =	sadd.s32 $0x16E00, s28;
	[sflag:s18] =	ssyncadd.s32 $0xFFFFD000  }
0x3d: {  	[hbm4b:s28+s3] =	stream.linear.scatter [tilespmem:s19], [sflag:$0x1], $0x3000, $0x38;
	[tilespmem:$0x1EF00] =	vst v63  }
0x3e: {  	s25 =	ssub.s32 s16, s25;
	_ =	swait.ge [sflag:s22], $0x3000  }
0x3f: {  	[sflag:s22] =	ssyncset.done $0x0  }
.Ltmp3:
0x40: {  	s28 =	sadd.s32 s30, s26;
	[sflag:s22] =	ssyncadd.s32 $0xFFFFD000;
	(pc) =	sbr.rel @p2 .LBB2_8-.Ltmp3, $4  }
0x41: {  	[tilespmem:s20], [sflag:$0x3] =	stream.linear.gather [hbm4b:s28+s3], $0x3000, $0x38;
	[tilespmem:$0x1EF00] =	vst v63  }
0x42: {  	_ =	swait.ge [sflag:s18], $0x3000  }
0x43: {  	s24 =	sadd.s32 $0x3E, s24;
	[sflag:s18] =	ssyncset.done $0x0  }
0x44: {  	s26 =	sadd.s32 s25, s26;
	s25 =	smov.u32 s29;
	[sflag:s18] =	ssyncadd.s32 $0xFFFFD000  }
0x45: {  	[hbm4b:s26+s3] =	stream.linear.scatter [tilespmem:s20], [sflag:$0x2], $0x3000, $0x38;
	[tilespmem:$0x1EF00] =	vst v63  }
0x46: {  	_ =	swait.ge [sflag:s21], $0x3000  }
0x47: {  	[sflag:s21] =	ssyncset.done $0x0  }
0x48: {  	[sflag:s21] =	ssyncadd.s32 $0xFFFFD000  }
0x49: {  	_ =	swait.ge [sflag:s22], $0x3000  }
0x4a: {  	s24 =	simm.s32 @!p1 $0x0;
	[sflag:s22] =	ssyncset.done $0x0  }
0x4b: {  	s25 =	simm.s32 @!p1 $0x18F00;
	s26 =	simm.s32 @!p1 $0x3;
	[sflag:s22] =	ssyncadd.s32 $0xFFFFD000  }
0x4c: {  	[tilespmem:s25], [sflag:$0x3] =	stream.linear.gather @!p1 [hbm4b:s9+s24], $0x2000, $0x38;
	[tilespmem:$0x1EF00] =	vst v63  }
0x4d: {  	_ =	swait.ge @!p1 [sflag:s26], $0x2000  }
0x4e: {  	[sflag:s26] =	ssyncset.done @!p1 $0x0  }
.Ltmp4:
0x4f: {  	[sflag:s26] =	ssyncadd.s32 @!p1 $0xFFFFE000;
	(pc) =	sbr.rel .LBB2_10-.Ltmp4, $4  }
0x50: {  	[hbm4b:s10+s24] =	stream.linear.scatter @!p1 [tilespmem:s25], [sflag:$0x3], $0x2000, $0x38;
	[tilespmem:$0x1EF00] =	vst v63  }
0x51: {  	_ =	swait.ge @!p1 [sflag:s26], $0x2000  }
0x52: {  	[sflag:s26] =	ssyncset.done @!p1 $0x0  }
0x53: {  	[sflag:s26] =	ssyncadd.s32 @!p1 $0xFFFFE000  }
.LBB2_2:
0x54: {  	s24 =	simm.s32 $0x70;
	s25 =	simm.s32 $0x0  }
.LBB2_3:
0x55: {  	s26 =	sshll.u32 s25, $0x8  }
0x56: {  	s26 =	sadd.s32 s1, s26  }
0x57: {  	[tilespmem:s17], [sflag:$0x3] =	stream.linear.gather [hbm4b:s26+s3], $0x800, $0x38;
	[tilespmem:$0x1EF00] =	vst v63  }
0x58: {  	_ =	swait.ge [sflag:s18], $0x800  }
0x59: {  	s28 =	simm.s32 $0x18740;
	[sflag:s18] =	ssyncset.done $0x0  }
0x5a: {  	s29 =	smov.u32 s24;
	s26 =	simm.s32 $0xFFFFFFF8;
	[sflag:s18] =	ssyncadd.s32 $0xFFFFF800  }
.LBB2_4:
0x5b: {  	v2 =	vld [tilespmem:s28+$0xFFFFFFC0];
	_ =	sdelay $0x3  }
0x5c: {  	s30 =	sadd.s32 $0xFFFFFF90, s29  }
0x5d: {  	v3 =	vor.u32 s30, v0;
	v2 =	vshll.u32 v2, $0xE  }
0x5e: {  	v2 =	vadd.s32 v3, v2  }
0x5f: {  	v2 =	vxor.u32 $0x80000000, v2  }
0x60: {  	(xrf1) =	vsort.ascd.msk.u32 $0xffff, v2, v3;
	_ =	sdelay $0xd  }
0x61: {  	v2, _, _ =	vpop (xrf1)  }
0x62: {  	v3 =	vshrl.u32 v2, $0xE  }
0x63: {  	v4 =	vxor.u32 $0x20000, v3  }
0x64: {  	v5 =	vperm.xlane v4, v1;
	_ =	sdelay $0x1  }
0x65: {  	vm1 =	vne.s32 v4, v5  }
0x66: {  	v3 =	vand.u32 $0x7F, v3;
	v4 =	vand.u32 $0x3FF80, v4;
	vm1 =	vmor vm1, vm0  }
0x67: {  	v3 =	vor.u32 v3, v4;
	_ =	sdelay $0x3  }
0x68: {  	v2 =	vand.u32 $0x3FFF, v2  }
0x69: {  	[tilespmem:v3+s3+$0x0] =	vst.idx.msk vm1, v2  }
0x6a: {  	v2 =	vld [tilespmem:s28+$0xFFFFFFD0];
	_ =	sdelay $0x3  }
0x6b: {  	s31 =	sadd.s32 $0xFFFFFFA0, s29  }
0x6c: {  	v3 =	vor.u32 s31, v0;
	v2 =	vshll.u32 v2, $0xE  }
0x6d: {  	v2 =	vadd.s32 v3, v2  }
0x6e: {  	v2 =	vxor.u32 $0x80000000, v2  }
0x6f: {  	(xrf1) =	vsort.ascd.msk.u32 $0xffff, v2, v3;
	_ =	sdelay $0xd  }
0x70: {  	v2, _, _ =	vpop (xrf1)  }
0x71: {  	v3 =	vshrl.u32 v2, $0xE  }
0x72: {  	v50 =	vxor.u32 $0x20000, v3  }
0x73: {  	v51 =	vperm.xlane v50, v1;
	_ =	sdelay $0x1  }
0x74: {  	vm1 =	vne.s32 v50, v51  }
0x75: {  	v3 =	vand.u32 $0x7F, v3;
	v4 =	vand.u32 $0x3FF80, v50;
	vm1 =	vmor vm1, vm0  }
0x76: {  	v3 =	vor.u32 v3, v4;
	_ =	sdelay $0x3  }
0x77: {  	v2 =	vand.u32 $0x3FFF, v2  }
0x78: {  	[tilespmem:v3+s3+$0x0] =	vst.idx.msk vm1, v2  }
0x79: {  	v2 =	vld [tilespmem:s28+$0xFFFFFFE0];
	_ =	sdelay $0x3  }
0x7a: {  	s31 =	sadd.s32 $0xFFFFFFB0, s29  }
0x7b: {  	v3 =	vor.u32 s31, v0;
	v2 =	vshll.u32 v2, $0xE  }
0x7c: {  	v2 =	vadd.s32 v3, v2  }
0x7d: {  	v2 =	vxor.u32 $0x80000000, v2  }
0x7e: {  	(xrf1) =	vsort.ascd.msk.u32 $0xffff, v2, v3;
	_ =	sdelay $0xd  }
0x7f: {  	v2, _, _ =	vpop (xrf1)  }
0x80: {  	v3 =	vshrl.u32 v2, $0xE  }
0x81: {  	v52 =	vxor.u32 $0x20000, v3  }
0x82: {  	v53 =	vperm.xlane v52, v1;
	_ =	sdelay $0x1  }
0x83: {  	vm1 =	vne.s32 v52, v53  }
0x84: {  	v3 =	vand.u32 $0x7F, v3;
	v4 =	vand.u32 $0x3FF80, v52;
	vm1 =	vmor vm1, vm0  }
0x85: {  	v3 =	vor.u32 v3, v4;
	_ =	sdelay $0x3  }
0x86: {  	v2 =	vand.u32 $0x3FFF, v2  }
0x87: {  	[tilespmem:v3+s3+$0x0] =	vst.idx.msk vm1, v2  }
0x88: {  	v2 =	vld [tilespmem:s28+$0xFFFFFFF0];
	_ =	sdelay $0x3  }
0x89: {  	s31 =	sadd.s32 $0xFFFFFFC0, s29  }
0x8a: {  	v3 =	vor.u32 s31, v0;
	v2 =	vshll.u32 v2, $0xE  }
0x8b: {  	v2 =	vadd.s32 v3, v2  }
0x8c: {  	v2 =	vxor.u32 $0x80000000, v2  }
0x8d: {  	(xrf1) =	vsort.ascd.msk.u32 $0xffff, v2, v3;
	_ =	sdelay $0xd  }
0x8e: {  	v2, _, _ =	vpop (xrf1)  }
0x8f: {  	v3 =	vshrl.u32 v2, $0xE  }
0x90: {  	v54 =	vxor.u32 $0x20000, v3  }
0x91: {  	v55 =	vperm.xlane v54, v1;
	_ =	sdelay $0x1  }
0x92: {  	vm1 =	vne.s32 v54, v55  }
0x93: {  	v3 =	vand.u32 $0x7F, v3;
	v4 =	vand.u32 $0x3FF80, v54;
	vm1 =	vmor vm1, vm0  }
0x94: {  	v3 =	vor.u32 v3, v4;
	_ =	sdelay $0x3  }
0x95: {  	v2 =	vand.u32 $0x3FFF, v2  }
0x96: {  	[tilespmem:v3+s3+$0x0] =	vst.idx.msk vm1, v2  }
0x97: {  	v2 =	vld [tilespmem:s28+$0x0];
	_ =	sdelay $0x3  }
0x98: {  	s31 =	sadd.s32 $0xFFFFFFD0, s29  }
0x99: {  	v3 =	vor.u32 s31, v0;
	v2 =	vshll.u32 v2, $0xE  }
0x9a: {  	v2 =	vadd.s32 v3, v2  }
0x9b: {  	v2 =	vxor.u32 $0x80000000, v2  }
0x9c: {  	(xrf1) =	vsort.ascd.msk.u32 $0xffff, v2, v3;
	_ =	sdelay $0xd  }
0x9d: {  	v2, _, _ =	vpop (xrf1)  }
0x9e: {  	v3 =	vshrl.u32 v2, $0xE  }
0x9f: {  	v56 =	vxor.u32 $0x20000, v3  }
0xa0: {  	v57 =	vperm.xlane v56, v1;
	_ =	sdelay $0x1  }
0xa1: {  	vm1 =	vne.s32 v56, v57  }
0xa2: {  	v3 =	vand.u32 $0x7F, v3;
	v4 =	vand.u32 $0x3FF80, v56;
	vm1 =	vmor vm1, vm0  }
0xa3: {  	v3 =	vor.u32 v3, v4;
	_ =	sdelay $0x3  }
0xa4: {  	v2 =	vand.u32 $0x3FFF, v2  }
0xa5: {  	[tilespmem:v3+s3+$0x0] =	vst.idx.msk vm1, v2  }
0xa6: {  	v2 =	vld [tilespmem:s28+$0x10];
	_ =	sdelay $0x3  }
0xa7: {  	s31 =	sadd.s32 $0xFFFFFFE0, s29  }
0xa8: {  	v3 =	vor.u32 s31, v0;
	v2 =	vshll.u32 v2, $0xE  }
0xa9: {  	v2 =	vadd.s32 v3, v2  }
0xaa: {  	v2 =	vxor.u32 $0x80000000, v2  }
0xab: {  	(xrf1) =	vsort.ascd.msk.u32 $0xffff, v2, v3;
	_ =	sdelay $0xd  }
0xac: {  	v2, _, _ =	vpop (xrf1)  }
0xad: {  	v3 =	vshrl.u32 v2, $0xE  }
0xae: {  	v58 =	vxor.u32 $0x20000, v3  }
0xaf: {  	v59 =	vperm.xlane v58, v1;
	_ =	sdelay $0x1  }
0xb0: {  	vm1 =	vne.s32 v58, v59  }
0xb1: {  	v3 =	vand.u32 $0x7F, v3;
	v4 =	vand.u32 $0x3FF80, v58;
	vm1 =	vmor vm1, vm0  }
0xb2: {  	v3 =	vor.u32 v3, v4;
	_ =	sdelay $0x3  }
0xb3: {  	v2 =	vand.u32 $0x3FFF, v2  }
0xb4: {  	[tilespmem:v3+s3+$0x0] =	vst.idx.msk vm1, v2  }
0xb5: {  	v2 =	vld [tilespmem:s28+$0x20];
	_ =	sdelay $0x3  }
0xb6: {  	s31 =	sadd.s32 $0xFFFFFFF0, s29  }
0xb7: {  	v3 =	vor.u32 s31, v0;
	v2 =	vshll.u32 v2, $0xE  }
0xb8: {  	v2 =	vadd.s32 v3, v2  }
0xb9: {  	v2 =	vxor.u32 $0x80000000, v2  }
0xba: {  	(xrf1) =	vsort.ascd.msk.u32 $0xffff, v2, v3;
	_ =	sdelay $0xd  }
0xbb: {  	v2, _, _ =	vpop (xrf1)  }
0xbc: {  	v3 =	vshrl.u32 v2, $0xE  }
0xbd: {  	v60 =	vxor.u32 $0x20000, v3  }
0xbe: {  	v61 =	vperm.xlane v60, v1;
	_ =	sdelay $0x1  }
0xbf: {  	vm1 =	vne.s32 v60, v61  }
0xc0: {  	v3 =	vand.u32 $0x7F, v3;
	v4 =	vand.u32 $0x3FF80, v60;
	vm1 =	vmor vm1, vm0  }
0xc1: {  	v3 =	vor.u32 v3, v4;
	_ =	sdelay $0x3  }
0xc2: {  	v2 =	vand.u32 $0x3FFF, v2  }
0xc3: {  	[tilespmem:v3+s3+$0x0] =	vst.idx.msk vm1, v2  }
0xc4: {  	v2 =	vld [tilespmem:s28+$0x30];
	_ =	sdelay $0x4  }
0xc5: {  	v3 =	vor.u32 s29, v0;
	v2 =	vshll.u32 v2, $0xE  }
0xc6: {  	v2 =	vadd.s32 v3, v2  }
0xc7: {  	v2 =	vxor.u32 $0x80000000, v2  }
0xc8: {  	(xrf1) =	vsort.ascd.msk.u32 $0xffff, v2, v3;
	_ =	sdelay $0xd  }
0xc9: {  	v2, _, _ =	vpop (xrf1)  }
0xca: {  	v3 =	vshrl.u32 v2, $0xE  }
0xcb: {  	v62 =	vxor.u32 $0x20000, v3  }
0xcc: {  	v63 =	vperm.xlane v62, v1;
	_ =	sdelay $0x1  }
0xcd: {  	vm1 =	vne.s32 v62, v63  }
0xce: {  	s26 =	sadd.s32 $0x8, s26;
	v3 =	vand.u32 $0x7F, v3;
	v4 =	vand.u32 $0x3FF80, v62;
	vm1 =	vmor vm1, vm0  }
0xcf: {  	p2 =	slt.u32 s26, $0x78;
	v3 =	vor.u32 v3, v4  }
.Ltmp5:
0xd0: {  	_ = 	snop;
	(pc) =	sbr.rel @p2 .LBB2_4-.Ltmp5, $3  }
0xd1: {  	_ =	sdelay $0x1  }
0xd2: {  	v2 =	vand.u32 $0x3FFF, v2  }
0xd3: {  	s29 =	sadd.s32 $0x80, s29;
	s28 =	sadd.s32 $0x80, s28;
	[tilespmem:v3+s3+$0x0] =	vst.idx.msk vm1, v2  }
0xd4: {  	s25 =	sadd.s32 $0x1, s25  }
0xd5: {  	p2 =	sne.s32 s25, $0x8  }
.Ltmp6:
0xd6: {  	_ = 	snop;
	(pc) =	sbr.rel @p2 .LBB2_3-.Ltmp6, $2  }
0xd7: {  	_ =	sdelay $0x2  }
0xd8: {  	s24 =	sadd.s32 $0x800, s24  }
.Ltmp7:
0xd9: {  	(pc) =	sbr.rel .LBB2_10-.Ltmp7, $4  }
0xda: {  	[hbm4b:s4+s3] =	stream.linear.scatter [tilespmem:s3], [sflag:$0x3], $0x18700, $0x38;
	[tilespmem:$0x1EF00] =	vst v63  }
0xdb: {  	_ =	swait.ge [sflag:s18], $0x18700  }
0xdc: {  	[sflag:s18] =	ssyncset.done $0x0  }
0xdd: {  	[sflag:s18] =	ssyncadd.s32 $0xFFFE7900  }
.LBB2_11:
0xde: {  	_ =	sfence.sel $0x180000  }
0xdf: {  	[bflag:$0x0] =	sbarrier.arrive $0xFFFF  }
0xe0: {  	p0 =	sne.s32 s0, $0x0;
	_ =	strace $0x9000004A  }
0xe1: {  	s0 =	sadd.s32 @!p0 $0x100000, s2;
	[bflag:$0x2] =	sbarrier.arrive $0xFFFF  }
0xe2: {  	[sflag:s0] =	ssyncadd.tile.s32 @!p0 $0x1;
	_ =	shalt  }
.Lfunc_end2:
_tile_overlayer_lowered:
.L_overlay_start_2:
0xe3: {  	(tag) =	ssettag $0x2  }
0xe4: {  	s0 =	rddreg [dreg:$0x0];
	s2 =	stileid.u32  }
0xe5: {  	s1 =	rddreg [dreg:$0x1];
	p0 =	sne.s32 s2, $0x0  }
0xe6: {  	s3 =	rddreg [dreg:$0x2];
	[bflag:$0x3] =	sbarrier.arrive $0xFFFF;
	s2 =	simm.s32 @!p0 $0x1C03  }
0xe7: {  	[timem:s3], [sflag:s2] =	dma.local @!p0 [hbm:s0], s1  }
0xe8: {  	s0 =	simm.s32 @!p0 $0x3  }
0xe9: {  	_ =	swait.ge @!p0 [sflag:s0], s1  }
0xea: {  	s1 =	ssub.s32 @!p0 $0x0, s1;
	[sflag:s0] =	ssyncset.done @!p0 $0x0  }
0xeb: {  	[sflag:s0] =	ssyncadd.s32 @!p0 s1  }
0xec: {  	[bflag:$0x3] =	sbarrier.arrive $0xFFFF  }
0xed: {  	_ =	shalt  }

</sc_bundles>
